<compile_context>
chip_gen: v7x
topology: tpu7x:2x2x1
jax: 0.10.2.dev20260603
libtpu: 0.0.44.dev20260713+nightly
codegen_flags: <defaults>
</compile_context>

<pallas_src>
import functools

import jax
import jax.numpy as jnp
from jax import lax
from jax.experimental import pallas as pl
from jax.experimental.pallas import tpu as pltpu
from jax.experimental.pallas import tpu_sc as plsc

_K = 4
_S = 2
_LANES = 16


def kernel(x, cu_seqlens):
    total, D = x.shape
    B = cu_seqlens.shape[0] - 1
    L = total // B
    y_len = (max(L - _K, 0) + _S - 1) // _S + 1
    total_y = B * y_len

    NC, NS = 2, 16
    NW = NC * NS
    WPS = NW // B
    per_w = -(-y_len // WPS)
    CH = 16
    n_chunks = -(-per_w // CH)
    IN_ROWS = 40

    mesh = plsc.VectorSubcoreMesh(core_axis_name="c", subcore_axis_name="s")

    @functools.partial(
        pl.kernel,
        mesh=mesh,
        out_type=jax.ShapeDtypeStruct((total_y, D), jnp.float32),
        scratch_types=[
            pltpu.VMEM((2, IN_ROWS, D), jnp.float32),
            pltpu.VMEM((2, CH, D), jnp.float32),
            pltpu.VMEM((2, CH), jnp.int32),
            pltpu.SemaphoreType.DMA,
            pltpu.SemaphoreType.DMA,
            pltpu.SemaphoreType.DMA,
            pltpu.SemaphoreType.DMA,
        ],
    )
    def _pool(
        x_hbm,
        out_hbm,
        in_v,
        out_v,
        idx_out,
        in_sem0,
        in_sem1,
        out_sem0,
        out_sem1,
    ):
        wid = lax.axis_index("s") * NC + lax.axis_index("c")
        b = wid // WPS
        q = wid % WPS
        j0 = q * per_w
        in_sems = (in_sem0, in_sem1)
        out_sems = (out_sem0, out_sem1)
        iota = lax.iota(jnp.int32, _LANES)

        def chunk_start(t):
            return jnp.minimum(j0 + t * CH, y_len - CH)

        def fetch_start(t):
            return jnp.minimum(_S * chunk_start(t), L - IN_ROWS)

        def start_in(t, buf):
            return pltpu.async_copy(
                x_hbm.at[
                    pl.ds(pl.multiple_of(b * L + fetch_start(t), 8), IN_ROWS)
                ],
                in_v.at[buf],
                in_sems[buf],
            )

        def wait_in(buf):
            pltpu.make_async_copy(
                x_hbm.at[pl.ds(0, IN_ROWS)], in_v.at[buf], in_sems[buf]
            ).wait()

        def wait_out(buf):
            pltpu.make_async_copy(
                out_v.at[buf], out_hbm.at[idx_out.at[buf]], out_sems[buf]
            ).wait()

        start_in(0, 0)
        start_in(1, 1)

        def run_chunk(t, buf, first):
            wait_in(buf)

            @pl.when(jnp.logical_not(first))
            def _():
                wait_out(buf)

            js = chunk_start(t)
            off = _S * js - fetch_start(t)

            @plsc.parallel_loop(0, D, step=_LANES)
            def _col(base, _buf=buf, _off=off):
                sl = pl.ds(base, _LANES)
                prev = in_v[_buf, _off, sl] + in_v[_buf, _off + 1, sl]
                for r in range(CH):
                    cur = (
                        in_v[_buf, _off + _S * r + 2, sl]
                        + in_v[_buf, _off + _S * r + 3, sl]
                    )
                    out_v[_buf, r, sl] = (prev + cur) * 0.25
                    prev = cur

            @pl.when(t + 2 < n_chunks)
            def _():
                start_in(t + 2, buf)

            idx_out[buf, ...] = (b * y_len + js) + iota
            pltpu.async_copy(
                out_v.at[buf], out_hbm.at[idx_out.at[buf]], out_sems[buf]
            )

        def outer(g, carry):
            run_chunk(2 * g, 0, g == 0)
            run_chunk(2 * g + 1, 1, g == 0)
            return carry

        lax.fori_loop(0, n_chunks // 2, outer, 0)
        wait_out(0)
        wait_out(1)

    return _pool(x)

# --- scband reference (transcript-rebuilt; emitter-appended) ---
"""Pipeline reference for scband-packed-avg-pool1d-91207925497905 (READ-ONLY COPY).

The authoritative reference and input builder live on the scoring server;
editing this copy changes nothing except your own understanding.
"""

import jax, jax.numpy as jnp
import numpy as np

KERNEL_SIZE = 4
STRIDE = 2


def setup_inputs(seed: int = 0) -> dict:
    key = jax.random.key(seed)
    B = 8
    L = 1024  # equal per-sequence length -> total_tokens = 8192
    D = 1024
    total = B * L
    x = jax.random.normal(key, (total, D), dtype=jnp.float32)
    cu_seqlens = jnp.arange(B + 1, dtype=jnp.int32) * L
    return {"x": x, "cu_seqlens": cu_seqlens}


def _packed_avg_pool(x, cu_seqlens, kernel_size, stride):
    # Faithful translation of PackedAvgPool1d forward (forward_pooling_kernel):
    # for each packed sequence b with length L_b, output length is
    #   y_len = ceil(max(0, L_b - K) / S) + 1
    # y[j] = mean over valid window positions {j*S + i : i in [0, K), j*S + i < L_b}
    B = cu_seqlens.shape[0] - 1
    L_static = x.shape[0] // B  # equal per-sequence length (static from shapes)
    a_static = max(L_static - kernel_size, 0)
    y_len_static = (a_static + stride - 1) // stride + 1
    total_y = B * y_len_static

    seq_lens = cu_seqlens[1:] - cu_seqlens[:-1]
    a = jnp.maximum(seq_lens - kernel_size, 0)
    y_lens = (a + stride - 1) // stride + 1  # ceil_div(max(0, L-K), S) + 1
    y_cu = jnp.concatenate(
        [jnp.zeros(1, dtype=y_lens.dtype), jnp.cumsum(y_lens)]
    )
    batch_ids = np.repeat(np.arange(B), y_len_static)
    local_y = jnp.arange(total_y, dtype=jnp.int32) - y_cu[batch_ids].astype(jnp.int32)
    x_start = cu_seqlens[:-1][batch_ids]
    lens_b = seq_lens[batch_ids]

    D = x.shape[-1]
    acc = jnp.zeros((total_y, D), dtype=jnp.float32)
    count = jnp.zeros((total_y,), dtype=jnp.float32)
    for i in range(kernel_size):
        idx_local = local_y * stride + i
        valid = idx_local < lens_b
        gidx = jnp.where(valid, x_start + idx_local, 0)
        xv = jnp.take(x, gidx.astype(jnp.int32), axis=0)
        vm = valid.astype(jnp.float32)
        acc = acc + xv * vm[:, None]
        count = count + vm
    norm = 1.0 / count
    return acc * norm[:, None]


def reference(x, cu_seqlens):
    return _packed_avg_pool(x, cu_seqlens, KERNEL_SIZE, STRIDE)

if __name__ == "__main__":
    import jax
    _d = setup_inputs()
    print(jax.jit(kernel)(*tuple(_d.values())))

</pallas_src>

<mosaic_0001>
#map = affine_map<(d0, d1) -> (0, 0)>
module attributes {stable_mosaic.version = 14 : i64} {
  func.func @_pool(%arg0: i32, %arg1: i32, %arg2: memref<8192x1024xf32, #tpu.memory_space<hbm>>, %arg3: memref<4088x1024xf32, #tpu.memory_space<hbm>>, %arg4: memref<2x40x1024xf32, #tpu.memory_space<vmem>>, %arg5: memref<2x16x1024xf32, #tpu.memory_space<vmem>>, %arg6: memref<2x16xi32, #tpu.memory_space<vmem>>, %arg7: memref<!tpu.dma_semaphore, #tpu.memory_space<semaphore_mem>>, %arg8: memref<!tpu.dma_semaphore, #tpu.memory_space<semaphore_mem>>, %arg9: memref<!tpu.dma_semaphore, #tpu.memory_space<semaphore_mem>>, %arg10: memref<!tpu.dma_semaphore, #tpu.memory_space<semaphore_mem>>) attributes {dimension_semantics = [#tpu.dimension_semantics<core_parallel>, #tpu.dimension_semantics<subcore_parallel>], iteration_bounds = array<i64: 2, 16>, scalar_prefetch = 0 : i64, scratch_operands = 7 : i64, tpu.core_type = #tpu.core_type<sc_vector_subcore>, window_params = [{transform_indices = #map}, {transform_indices = #map}]} {
    %mul3A = arith.constant 2 : i32
    %mul3A_0 = arith.muli %arg1, %mul3A : i32
    %add3A = arith.addi %mul3A_0, %arg0 : i32
    %jit3A = arith.constant 4 : i32
    %div3A = arith.divsi %add3A, %jit3A : i32
    %sign3A = arith.constant 0 : i32
    %sign3A_1 = arith.cmpi sgt, %add3A, %sign3A : i32
    %sign3A_2 = arith.extui %sign3A_1 : i1 to i32
    %sign3A_3 = arith.constant 0 : i32
    %sign3A_4 = arith.cmpi slt, %add3A, %sign3A_3 : i32
    %sign3A_5 = arith.extui %sign3A_4 : i1 to i32
    %sign3A_6 = arith.subi %sign3A_2, %sign3A_5 : i32
    %sign3A_7 = arith.constant 0 : i32
    %sign3A_8 = arith.cmpi sgt, %jit3A, %sign3A_7 : i32
    %sign3A_9 = arith.extui %sign3A_8 : i1 to i32
    %sign3A_10 = arith.constant 0 : i32
    %sign3A_11 = arith.cmpi slt, %jit3A, %sign3A_10 : i32
    %sign3A_12 = arith.extui %sign3A_11 : i1 to i32
    %sign3A_13 = arith.subi %sign3A_9, %sign3A_12 : i32
    %ne3A = arith.cmpi ne, %sign3A_6, %sign3A_13 : i32
    %rem3A = arith.remsi %add3A, %jit3A : i32
    %ne3A_14 = arith.constant 0 : i32
    %ne3A_15 = arith.cmpi ne, %rem3A, %ne3A_14 : i32
    %and3A = arith.andi %ne3A, %ne3A_15 : i1
    %sub3A = arith.constant 1 : i32
    %sub3A_16 = arith.subi %div3A, %sub3A : i32
    %select_n3A = arith.select %and3A, %sub3A_16, %div3A : i32
    %jit3A_17 = arith.constant 4 : i32
    %eq3A = arith.constant 0 : i32
    %eq3A_18 = arith.cmpi eq, %jit3A_17, %eq3A : i32
    %jit3A_19 = arith.constant 1 : i32
    %select_n3A_20 = arith.select %eq3A_18, %jit3A_19, %jit3A_17 : i32
    %rem3A_21 = arith.remsi %add3A, %select_n3A_20 : i32
    %ne3A_22 = arith.constant 0 : i32
    %ne3A_23 = arith.cmpi ne, %rem3A_21, %ne3A_22 : i32
    %lt3A = arith.constant 0 : i32
    %lt3A_24 = arith.cmpi slt, %rem3A_21, %lt3A : i32
    %lt3A_25 = arith.constant 0 : i32
    %lt3A_26 = arith.cmpi slt, %select_n3A_20, %lt3A_25 : i32
    %ne3A_27 = arith.xori %lt3A_24, %lt3A_26 : i1
    %and3A_28 = arith.andi %ne3A_27, %ne3A_23 : i1
    %add3A_29 = arith.addi %rem3A_21, %select_n3A_20 : i32
    %select_n3A_30 = arith.select %and3A_28, %add3A_29, %rem3A_21 : i32
    %mul3A_31 = arith.constant 128 : i32
    %mul3A_32 = arith.muli %select_n3A_30, %mul3A_31 : i32
    %iota3A = tpu.iota {dimensions = array<i32: 0>} : vector<16xi32>
    %mul3A_33 = arith.constant 1024 : i32
    %mul3A_34 = arith.muli %select_n3A, %mul3A_33 : i32
    %add3A_35 = arith.constant 0 : i32
    %add3A_36 = arith.addi %mul3A_32, %add3A_35 : i32
    %min3A = arith.constant 495 : i32
    %min3A_37 = arith.minsi %add3A_36, %min3A : i32
    %mul3A_38 = arith.constant 2 : i32
    %mul3A_39 = arith.muli %mul3A_38, %min3A_37 : i32
    %min3A_40 = arith.constant 984 : i32
    %min3A_41 = arith.minsi %mul3A_39, %min3A_40 : i32
    %add3A_42 = arith.addi %mul3A_34, %min3A_41 : i32
    %multiple_of3A = tpu.assume_multiple %add3A_42, 8 : i32
    %dma_start3A = arith.constant 0 : i32
    %dma_start3A_43 = arith.constant 0 : i32
    %dma_start3A_44 = arith.constant 0 : i32
    %dma_start3A_45 = tpu.memref_slice %arg4[%dma_start3A, %dma_start3A_43, %dma_start3A_44] : memref<2x40x1024xf32, #tpu.memory_space<vmem>> -> memref<1x40x1024xf32, #tpu.memory_space<vmem>>
    %dma_start3A_46 = tpu.memref_squeeze %dma_start3A_45 : memref<1x40x1024xf32, #tpu.memory_space<vmem>> -> memref<40x1024xf32, #tpu.memory_space<vmem>>
    %dma_start3A_47 = arith.constant 0 : i32
    %dma_start3A_48 = tpu.memref_slice %arg2[%multiple_of3A, %dma_start3A_47] : memref<8192x1024xf32, #tpu.memory_space<hbm>> -> memref<40x1024xf32, #tpu.memory_space<hbm>>
    %dma_start3A_49 = arith.constant 0 : i32
    %dma_start3A_50 = arith.constant 0 : i32
    %dma_start3A_51 = tpu.memref_slice %arg4[%dma_start3A, %dma_start3A_49, %dma_start3A_50] : memref<2x40x1024xf32, #tpu.memory_space<vmem>> -> memref<1x40x1024xf32, #tpu.memory_space<vmem>>
    %dma_start3A_52 = tpu.memref_squeeze %dma_start3A_51 : memref<1x40x1024xf32, #tpu.memory_space<vmem>> -> memref<40x1024xf32, #tpu.memory_space<vmem>>
    %dma_start3A_53 = arith.constant 0 : i32
    %dma_start3A_54 = tpu.memref_slice %arg2[%multiple_of3A, %dma_start3A_53] : memref<8192x1024xf32, #tpu.memory_space<hbm>> -> memref<40x1024xf32, #tpu.memory_space<hbm>>
    tpu.enqueue_dma source(%dma_start3A_54 : memref<40x1024xf32, #tpu.memory_space<hbm>>) target(%dma_start3A_52 : memref<40x1024xf32, #tpu.memory_space<vmem>>) target_semaphore(%arg7 : memref<!tpu.dma_semaphore, #tpu.memory_space<semaphore_mem>>)
    %mul3A_55 = arith.constant 1024 : i32
    %mul3A_56 = arith.muli %select_n3A, %mul3A_55 : i32
    %add3A_57 = arith.constant 16 : i32
    %add3A_58 = arith.addi %mul3A_32, %add3A_57 : i32
    %min3A_59 = arith.constant 495 : i32
    %min3A_60 = arith.minsi %add3A_58, %min3A_59 : i32
    %mul3A_61 = arith.constant 2 : i32
    %mul3A_62 = arith.muli %mul3A_61, %min3A_60 : i32
    %min3A_63 = arith.constant 984 : i32
    %min3A_64 = arith.minsi %mul3A_62, %min3A_63 : i32
    %add3A_65 = arith.addi %mul3A_56, %min3A_64 : i32
    %multiple_of3A_66 = tpu.assume_multiple %add3A_65, 8 : i32
    %dma_start3A_67 = arith.constant 1 : i32
    %dma_start3A_68 = arith.constant 0 : i32
    %dma_start3A_69 = arith.constant 0 : i32
    %dma_start3A_70 = tpu.memref_slice %arg4[%dma_start3A_67, %dma_start3A_68, %dma_start3A_69] : memref<2x40x1024xf32, #tpu.memory_space<vmem>> -> memref<1x40x1024xf32, #tpu.memory_space<vmem>>
    %dma_start3A_71 = tpu.memref_squeeze %dma_start3A_70 : memref<1x40x1024xf32, #tpu.memory_space<vmem>> -> memref<40x1024xf32, #tpu.memory_space<vmem>>
    %dma_start3A_72 = arith.constant 0 : i32
    %dma_start3A_73 = tpu.memref_slice %arg2[%multiple_of3A_66, %dma_start3A_72] : memref<8192x1024xf32, #tpu.memory_space<hbm>> -> memref<40x1024xf32, #tpu.memory_space<hbm>>
    %dma_start3A_74 = arith.constant 0 : i32
    %dma_start3A_75 = arith.constant 0 : i32
    %dma_start3A_76 = tpu.memref_slice %arg4[%dma_start3A_67, %dma_start3A_74, %dma_start3A_75] : memref<2x40x1024xf32, #tpu.memory_space<vmem>> -> memref<1x40x1024xf32, #tpu.memory_space<vmem>>
    %dma_start3A_77 = tpu.memref_squeeze %dma_start3A_76 : memref<1x40x1024xf32, #tpu.memory_space<vmem>> -> memref<40x1024xf32, #tpu.memory_space<vmem>>
    %dma_start3A_78 = arith.constant 0 : i32
    %dma_start3A_79 = tpu.memref_slice %arg2[%multiple_of3A_66, %dma_start3A_78] : memref<8192x1024xf32, #tpu.memory_space<hbm>> -> memref<40x1024xf32, #tpu.memory_space<hbm>>
    tpu.enqueue_dma source(%dma_start3A_79 : memref<40x1024xf32, #tpu.memory_space<hbm>>) target(%dma_start3A_77 : memref<40x1024xf32, #tpu.memory_space<vmem>>) target_semaphore(%arg8 : memref<!tpu.dma_semaphore, #tpu.memory_space<semaphore_mem>>)
    %scan3A = arith.constant 0 : i32
    %scan3A_80 = arith.constant 0 : i32
    %scan3A_81 = arith.constant 4 : i32
    %scan3A_82 = arith.addi %scan3A_80, %scan3A_81 : i32
    %scan3A_83 = arith.constant 1 : i32
    scf.for %scan3A_108 = %scan3A_80 to %scan3A_82 step %scan3A_83  : i32 {
      %mul3A_109 = arith.constant 2 : i32
      %mul3A_110 = arith.muli %mul3A_109, %scan3A_108 : i32
      %eq3A_111 = arith.constant 0 : i32
      %eq3A_112 = arith.cmpi eq, %scan3A_108, %eq3A_111 : i32
      %dma_wait3A_113 = arith.constant 0 : i32
      %dma_wait3A_114 = arith.constant 0 : i32
      %dma_wait3A_115 = arith.constant 0 : i32
      %dma_wait3A_116 = tpu.memref_slice %arg4[%dma_wait3A_113, %dma_wait3A_114, %dma_wait3A_115] : memref<2x40x1024xf32, #tpu.memory_space<vmem>> -> memref<1x40x1024xf32, #tpu.memory_space<vmem>>
      %dma_wait3A_117 = tpu.memref_squeeze %dma_wait3A_116 : memref<1x40x1024xf32, #tpu.memory_space<vmem>> -> memref<40x1024xf32, #tpu.memory_space<vmem>>
      %dma_wait3A_118 = arith.constant 0 : i32
      %dma_wait3A_119 = arith.constant 0 : i32
      %dma_wait3A_120 = tpu.memref_slice %arg2[%dma_wait3A_118, %dma_wait3A_119] : memref<8192x1024xf32, #tpu.memory_space<hbm>> -> memref<40x1024xf32, #tpu.memory_space<hbm>>
      %dma_wait3A_121 = arith.constant 0 : i32
      %dma_wait3A_122 = arith.constant 0 : i32
      %dma_wait3A_123 = tpu.memref_slice %arg4[%dma_wait3A_113, %dma_wait3A_121, %dma_wait3A_122] : memref<2x40x1024xf32, #tpu.memory_space<vmem>> -> memref<1x40x1024xf32, #tpu.memory_space<vmem>>
      %dma_wait3A_124 = tpu.memref_squeeze %dma_wait3A_123 : memref<1x40x1024xf32, #tpu.memory_space<vmem>> -> memref<40x1024xf32, #tpu.memory_space<vmem>>
      %dma_wait3A_125 = arith.constant 0 : i32
      %dma_wait3A_126 = arith.constant 0 : i32
      %dma_wait3A_127 = tpu.memref_slice %arg2[%dma_wait3A_125, %dma_wait3A_126] : memref<8192x1024xf32, #tpu.memory_space<hbm>> -> memref<40x1024xf32, #tpu.memory_space<hbm>>
      tpu.wait_dma2 semaphore(%arg7 : memref<!tpu.dma_semaphore, #tpu.memory_space<semaphore_mem>>) src(%dma_wait3A_127 : memref<40x1024xf32, #tpu.memory_space<hbm>>) dst(%dma_wait3A_124 : memref<40x1024xf32, #tpu.memory_space<vmem>>)
      %not3A = arith.constant true
      %not3A_128 = arith.xori %eq3A_112, %not3A : i1
      %convert_element_type3A = arith.extui %not3A_128 : i1 to i32
      %cond3A = arith.constant 0 : i32
      %cond3A_129 = arith.cmpi ne, %convert_element_type3A, %cond3A : i32
      scf.if %cond3A_129 {
        %dma_wait3A_254 = arith.constant 0 : i32
        %dma_wait3A_255 = arith.constant 0 : i32
        %dma_wait3A_256 = arith.constant 0 : i32
        %dma_wait3A_257 = arith.constant 0 : i32
        %dma_wait3A_258 = tpu.memref_slice %arg5[%dma_wait3A_254, %dma_wait3A_256, %dma_wait3A_257] : memref<2x16x1024xf32, #tpu.memory_space<vmem>> -> memref<1x16x1024xf32, #tpu.memory_space<vmem>>
        %dma_wait3A_259 = tpu.memref_squeeze %dma_wait3A_258 : memref<1x16x1024xf32, #tpu.memory_space<vmem>> -> memref<16x1024xf32, #tpu.memory_space<vmem>>
        %dma_wait3A_260 = arith.constant 0 : i32
        %dma_wait3A_261 = tpu.memref_slice %arg6[%dma_wait3A_255, %dma_wait3A_260] : memref<2x16xi32, #tpu.memory_space<vmem>> -> memref<1x16xi32, #tpu.memory_space<vmem>>
        %dma_wait3A_262 = tpu.memref_squeeze %dma_wait3A_261 : memref<1x16xi32, #tpu.memory_space<vmem>> -> memref<16xi32, #tpu.memory_space<vmem>>
        %dma_wait3A_263 = arith.constant 0 : i32
        %dma_wait3A_264 = arith.constant 0 : i32
        %dma_wait3A_265 = tpu.memref_slice %arg3[%dma_wait3A_263, %dma_wait3A_264] : memref<4088x1024xf32, #tpu.memory_space<hbm>> -> memref<4088x1024xf32, #tpu.memory_space<hbm>>
        tpu.wait_indirect_dma semaphore(%arg9 : memref<!tpu.dma_semaphore, #tpu.memory_space<semaphore_mem>>) src(%dma_wait3A_259 : memref<16x1024xf32, #tpu.memory_space<vmem>>) dst(%dma_wait3A_265 : memref<4088x1024xf32, #tpu.memory_space<hbm>>)
      } else {
      }
      %mul3A_130 = arith.constant 16 : i32
      %mul3A_131 = arith.muli %mul3A_110, %mul3A_130 : i32
      %add3A_132 = arith.addi %mul3A_32, %mul3A_131 : i32
      %min3A_133 = arith.constant 495 : i32
      %min3A_134 = arith.minsi %add3A_132, %min3A_133 : i32
      %mul3A_135 = arith.constant 2 : i32
      %mul3A_136 = arith.muli %mul3A_135, %min3A_134 : i32
      %mul3A_137 = arith.constant 16 : i32
      %mul3A_138 = arith.muli %mul3A_110, %mul3A_137 : i32
      %add3A_139 = arith.addi %mul3A_32, %mul3A_138 : i32
      %min3A_140 = arith.constant 495 : i32
      %min3A_141 = arith.minsi %add3A_139, %min3A_140 : i32
      %mul3A_142 = arith.constant 2 : i32
      %mul3A_143 = arith.muli %mul3A_142, %min3A_141 : i32
      %min3A_144 = arith.constant 984 : i32
      %min3A_145 = arith.minsi %mul3A_143, %min3A_144 : i32
      %sub3A_146 = arith.subi %mul3A_136, %min3A_145 : i32
      %parallel_loop3A = arith.constant 0 : i32
      %parallel_loop3A_147 = arith.constant 1024 : i32
      %parallel_loop3A_148 = arith.constant 16 : i32
      scf.for %parallel_loop3A_254 = %parallel_loop3A to %parallel_loop3A_147 step %parallel_loop3A_148  : i32 {
        %parallel_loop3A_255 = arith.constant 0 : i32
        %parallel_loop3A_256 = arith.index_cast %parallel_loop3A_255 : i32 to index
        %parallel_loop3A_257 = arith.index_cast %sub3A_146 : i32 to index
        %parallel_loop3A_258 = arith.index_cast %parallel_loop3A_254 : i32 to index
        %parallel_loop3A_259 = tpu.vector_load %arg4[%parallel_loop3A_256, %parallel_loop3A_257, %parallel_loop3A_258] {strides = array<i32>} : memref<2x40x1024xf32, #tpu.memory_space<vmem>>, vector<1x1x16xf32>,
        %parallel_loop3A_260 = vector.shape_cast %parallel_loop3A_259 : vector<1x1x16xf32> to vector<16xf32>
        %parallel_loop3A_261 = arith.constant 1 : i32
        %parallel_loop3A_262 = arith.addi %sub3A_146, %parallel_loop3A_261 : i32
        %parallel_loop3A_263 = arith.constant 0 : i32
        %parallel_loop3A_264 = arith.index_cast %parallel_loop3A_263 : i32 to index
        %parallel_loop3A_265 = arith.index_cast %parallel_loop3A_262 : i32 to index
        %parallel_loop3A_266 = arith.index_cast %parallel_loop3A_254 : i32 to index
        %parallel_loop3A_267 = tpu.vector_load %arg4[%parallel_loop3A_264, %parallel_loop3A_265, %parallel_loop3A_266] {strides = array<i32>} : memref<2x40x1024xf32, #tpu.memory_space<vmem>>, vector<1x1x16xf32>,
        %parallel_loop3A_268 = vector.shape_cast %parallel_loop3A_267 : vector<1x1x16xf32> to vector<16xf32>
        %parallel_loop3A_269 = arith.addf %parallel_loop3A_260, %parallel_loop3A_268 : vector<16xf32>
        %parallel_loop3A_270 = arith.constant 0 : i32
        %parallel_loop3A_271 = arith.addi %sub3A_146, %parallel_loop3A_270 : i32
        %parallel_loop3A_272 = arith.constant 2 : i32
        %parallel_loop3A_273 = arith.addi %parallel_loop3A_271, %parallel_loop3A_272 : i32
        %parallel_loop3A_274 = arith.constant 0 : i32
        %parallel_loop3A_275 = arith.index_cast %parallel_loop3A_274 : i32 to index
        %parallel_loop3A_276 = arith.index_cast %parallel_loop3A_273 : i32 to index
        %parallel_loop3A_277 = arith.index_cast %parallel_loop3A_254 : i32 to index
        %parallel_loop3A_278 = tpu.vector_load %arg4[%parallel_loop3A_275, %parallel_loop3A_276, %parallel_loop3A_277] {strides = array<i32>} : memref<2x40x1024xf32, #tpu.memory_space<vmem>>, vector<1x1x16xf32>,
        %parallel_loop3A_279 = vector.shape_cast %parallel_loop3A_278 : vector<1x1x16xf32> to vector<16xf32>
        %parallel_loop3A_280 = arith.constant 0 : i32
        %parallel_loop3A_281 = arith.addi %sub3A_146, %parallel_loop3A_280 : i32
        %parallel_loop3A_282 = arith.constant 3 : i32
        %parallel_loop3A_283 = arith.addi %parallel_loop3A_281, %parallel_loop3A_282 : i32
        %parallel_loop3A_284 = arith.constant 0 : i32
        %parallel_loop3A_285 = arith.index_cast %parallel_loop3A_284 : i32 to index
        %parallel_loop3A_286 = arith.index_cast %parallel_loop3A_283 : i32 to index
        %parallel_loop3A_287 = arith.index_cast %parallel_loop3A_254 : i32 to index
        %parallel_loop3A_288 = tpu.vector_load %arg4[%parallel_loop3A_285, %parallel_loop3A_286, %parallel_loop3A_287] {strides = array<i32>} : memref<2x40x1024xf32, #tpu.memory_space<vmem>>, vector<1x1x16xf32>,
        %parallel_loop3A_289 = vector.shape_cast %parallel_loop3A_288 : vector<1x1x16xf32> to vector<16xf32>
        %parallel_loop3A_290 = arith.addf %parallel_loop3A_279, %parallel_loop3A_289 : vector<16xf32>
        %parallel_loop3A_291 = arith.addf %parallel_loop3A_269, %parallel_loop3A_290 : vector<16xf32>
        %parallel_loop3A_292 = arith.constant 2.500000e-01 : f32
        %parallel_loop3A_293 = vector.broadcast %parallel_loop3A_292 : f32 to vector<16xf32>
        %parallel_loop3A_294 = arith.mulf %parallel_loop3A_291, %parallel_loop3A_293 : vector<16xf32>
        %parallel_loop3A_295 = arith.constant 0 : i32
        %parallel_loop3A_296 = arith.constant 0 : i32
        %parallel_loop3A_297 = arith.index_cast %parallel_loop3A_295 : i32 to index
        %parallel_loop3A_298 = arith.index_cast %parallel_loop3A_296 : i32 to index
        %parallel_loop3A_299 = arith.index_cast %parallel_loop3A_254 : i32 to index
        %parallel_loop3A_300 = tpu.vector_load %arg5[%parallel_loop3A_297, %parallel_loop3A_298, %parallel_loop3A_299] {strides = array<i32>} : memref<2x16x1024xf32, #tpu.memory_space<vmem>>, vector<1x1x16xf32>,
        %parallel_loop3A_301 = vector.shape_cast %parallel_loop3A_300 : vector<1x1x16xf32> to vector<16xf32>
        %parallel_loop3A_302 = vector.shape_cast %parallel_loop3A_294 : vector<16xf32> to vector<1x1x16xf32>
        tpu.vector_store %arg5[%parallel_loop3A_297, %parallel_loop3A_298, %parallel_loop3A_299], %parallel_loop3A_302 {strides = array<i32>} : memref<2x16x1024xf32, #tpu.memory_space<vmem>>, vector<1x1x16xf32>,
        %parallel_loop3A_303 = arith.constant 2 : i32
        %parallel_loop3A_304 = arith.addi %sub3A_146, %parallel_loop3A_303 : i32
        %parallel_loop3A_305 = arith.constant 2 : i32
        %parallel_loop3A_306 = arith.addi %parallel_loop3A_304, %parallel_loop3A_305 : i32
        %parallel_loop3A_307 = arith.constant 0 : i32
        %parallel_loop3A_308 = arith.index_cast %parallel_loop3A_307 : i32 to index
        %parallel_loop3A_309 = arith.index_cast %parallel_loop3A_306 : i32 to index
        %parallel_loop3A_310 = arith.index_cast %parallel_loop3A_254 : i32 to index
        %parallel_loop3A_311 = tpu.vector_load %arg4[%parallel_loop3A_308, %parallel_loop3A_309, %parallel_loop3A_310] {strides = array<i32>} : memref<2x40x1024xf32, #tpu.memory_space<vmem>>, vector<1x1x16xf32>,
        %parallel_loop3A_312 = vector.shape_cast %parallel_loop3A_311 : vector<1x1x16xf32> to vector<16xf32>
        %parallel_loop3A_313 = arith.constant 2 : i32
        %parallel_loop3A_314 = arith.addi %sub3A_146, %parallel_loop3A_313 : i32
        %parallel_loop3A_315 = arith.constant 3 : i32
        %parallel_loop3A_316 = arith.addi %parallel_loop3A_314, %parallel_loop3A_315 : i32
        %parallel_loop3A_317 = arith.constant 0 : i32
        %parallel_loop3A_318 = arith.index_cast %parallel_loop3A_317 : i32 to index
        %parallel_loop3A_319 = arith.index_cast %parallel_loop3A_316 : i32 to index
        %parallel_loop3A_320 = arith.index_cast %parallel_loop3A_254 : i32 to index
        %parallel_loop3A_321 = tpu.vector_load %arg4[%parallel_loop3A_318, %parallel_loop3A_319, %parallel_loop3A_320] {strides = array<i32>} : memref<2x40x1024xf32, #tpu.memory_space<vmem>>, vector<1x1x16xf32>,
        %parallel_loop3A_322 = vector.shape_cast %parallel_loop3A_321 : vector<1x1x16xf32> to vector<16xf32>
        %parallel_loop3A_323 = arith.addf %parallel_loop3A_312, %parallel_loop3A_322 : vector<16xf32>
        %parallel_loop3A_324 = arith.addf %parallel_loop3A_290, %parallel_loop3A_323 : vector<16xf32>
        %parallel_loop3A_325 = arith.constant 2.500000e-01 : f32
        %parallel_loop3A_326 = vector.broadcast %parallel_loop3A_325 : f32 to vector<16xf32>
        %parallel_loop3A_327 = arith.mulf %parallel_loop3A_324, %parallel_loop3A_326 : vector<16xf32>
        %parallel_loop3A_328 = arith.constant 0 : i32
        %parallel_loop3A_329 = arith.constant 1 : i32
        %parallel_loop3A_330 = arith.index_cast %parallel_loop3A_328 : i32 to index
        %parallel_loop3A_331 = arith.index_cast %parallel_loop3A_329 : i32 to index
        %parallel_loop3A_332 = arith.index_cast %parallel_loop3A_254 : i32 to index
        %parallel_loop3A_333 = tpu.vector_load %arg5[%parallel_loop3A_330, %parallel_loop3A_331, %parallel_loop3A_332] {strides = array<i32>} : memref<2x16x1024xf32, #tpu.memory_space<vmem>>, vector<1x1x16xf32>,
        %parallel_loop3A_334 = vector.shape_cast %parallel_loop3A_333 : vector<1x1x16xf32> to vector<16xf32>
        %parallel_loop3A_335 = vector.shape_cast %parallel_loop3A_327 : vector<16xf32> to vector<1x1x16xf32>
        tpu.vector_store %arg5[%parallel_loop3A_330, %parallel_loop3A_331, %parallel_loop3A_332], %parallel_loop3A_335 {strides = array<i32>} : memref<2x16x1024xf32, #tpu.memory_space<vmem>>, vector<1x1x16xf32>,
        %parallel_loop3A_336 = arith.constant 4 : i32
        %parallel_loop3A_337 = arith.addi %sub3A_146, %parallel_loop3A_336 : i32
        %parallel_loop3A_338 = arith.constant 2 : i32
        %parallel_loop3A_339 = arith.addi %parallel_loop3A_337, %parallel_loop3A_338 : i32
        %parallel_loop3A_340 = arith.constant 0 : i32
        %parallel_loop3A_341 = arith.index_cast %parallel_loop3A_340 : i32 to index
        %parallel_loop3A_342 = arith.index_cast %parallel_loop3A_339 : i32 to index
        %parallel_loop3A_343 = arith.index_cast %parallel_loop3A_254 : i32 to index
        %parallel_loop3A_344 = tpu.vector_load %arg4[%parallel_loop3A_341, %parallel_loop3A_342, %parallel_loop3A_343] {strides = array<i32>} : memref<2x40x1024xf32, #tpu.memory_space<vmem>>, vector<1x1x16xf32>,
        %parallel_loop3A_345 = vector.shape_cast %parallel_loop3A_344 : vector<1x1x16xf32> to vector<16xf32>
        %parallel_loop3A_346 = arith.constant 4 : i32
        %parallel_loop3A_347 = arith.addi %sub3A_146, %parallel_loop3A_346 : i32
        %parallel_loop3A_348 = arith.constant 3 : i32
        %parallel_loop3A_349 = arith.addi %parallel_loop3A_347, %parallel_loop3A_348 : i32
        %parallel_loop3A_350 = arith.constant 0 : i32
        %parallel_loop3A_351 = arith.index_cast %parallel_loop3A_350 : i32 to index
        %parallel_loop3A_352 = arith.index_cast %parallel_loop3A_349 : i32 to index
        %parallel_loop3A_353 = arith.index_cast %parallel_loop3A_254 : i32 to index
        %parallel_loop3A_354 = tpu.vector_load %arg4[%parallel_loop3A_351, %parallel_loop3A_352, %parallel_loop3A_353] {strides = array<i32>} : memref<2x40x1024xf32, #tpu.memory_space<vmem>>, vector<1x1x16xf32>,
        %parallel_loop3A_355 = vector.shape_cast %parallel_loop3A_354 : vector<1x1x16xf32> to vector<16xf32>
        %parallel_loop3A_356 = arith.addf %parallel_loop3A_345, %parallel_loop3A_355 : vector<16xf32>
        %parallel_loop3A_357 = arith.addf %parallel_loop3A_323, %parallel_loop3A_356 : vector<16xf32>
        %parallel_loop3A_358 = arith.constant 2.500000e-01 : f32
        %parallel_loop3A_359 = vector.broadcast %parallel_loop3A_358 : f32 to vector<16xf32>
        %parallel_loop3A_360 = arith.mulf %parallel_loop3A_357, %parallel_loop3A_359 : vector<16xf32>
        %parallel_loop3A_361 = arith.constant 0 : i32
        %parallel_loop3A_362 = arith.constant 2 : i32
        %parallel_loop3A_363 = arith.index_cast %parallel_loop3A_361 : i32 to index
        %parallel_loop3A_364 = arith.index_cast %parallel_loop3A_362 : i32 to index
        %parallel_loop3A_365 = arith.index_cast %parallel_loop3A_254 : i32 to index
        %parallel_loop3A_366 = tpu.vector_load %arg5[%parallel_loop3A_363, %parallel_loop3A_364, %parallel_loop3A_365] {strides = array<i32>} : memref<2x16x1024xf32, #tpu.memory_space<vmem>>, vector<1x1x16xf32>,
        %parallel_loop3A_367 = vector.shape_cast %parallel_loop3A_366 : vector<1x1x16xf32> to vector<16xf32>
        %parallel_loop3A_368 = vector.shape_cast %parallel_loop3A_360 : vector<16xf32> to vector<1x1x16xf32>
        tpu.vector_store %arg5[%parallel_loop3A_363, %parallel_loop3A_364, %parallel_loop3A_365], %parallel_loop3A_368 {strides = array<i32>} : memref<2x16x1024xf32, #tpu.memory_space<vmem>>, vector<1x1x16xf32>,
        %parallel_loop3A_369 = arith.constant 6 : i32
        %parallel_loop3A_370 = arith.addi %sub3A_146, %parallel_loop3A_369 : i32
        %parallel_loop3A_371 = arith.constant 2 : i32
        %parallel_loop3A_372 = arith.addi %parallel_loop3A_370, %parallel_loop3A_371 : i32
        %parallel_loop3A_373 = arith.constant 0 : i32
        %parallel_loop3A_374 = arith.index_cast %parallel_loop3A_373 : i32 to index
        %parallel_loop3A_375 = arith.index_cast %parallel_loop3A_372 : i32 to index
        %parallel_loop3A_376 = arith.index_cast %parallel_loop3A_254 : i32 to index
        %parallel_loop3A_377 = tpu.vector_load %arg4[%parallel_loop3A_374, %parallel_loop3A_375, %parallel_loop3A_376] {strides = array<i32>} : memref<2x40x1024xf32, #tpu.memory_space<vmem>>, vector<1x1x16xf32>,
        %parallel_loop3A_378 = vector.shape_cast %parallel_loop3A_377 : vector<1x1x16xf32> to vector<16xf32>
        %parallel_loop3A_379 = arith.constant 6 : i32
        %parallel_loop3A_380 = arith.addi %sub3A_146, %parallel_loop3A_379 : i32
        %parallel_loop3A_381 = arith.constant 3 : i32
        %parallel_loop3A_382 = arith.addi %parallel_loop3A_380, %parallel_loop3A_381 : i32
        %parallel_loop3A_383 = arith.constant 0 : i32
        %parallel_loop3A_384 = arith.index_cast %parallel_loop3A_383 : i32 to index
        %parallel_loop3A_385 = arith.index_cast %parallel_loop3A_382 : i32 to index
        %parallel_loop3A_386 = arith.index_cast %parallel_loop3A_254 : i32 to index
        %parallel_loop3A_387 = tpu.vector_load %arg4[%parallel_loop3A_384, %parallel_loop3A_385, %parallel_loop3A_386] {strides = array<i32>} : memref<2x40x1024xf32, #tpu.memory_space<vmem>>, vector<1x1x16xf32>,
        %parallel_loop3A_388 = vector.shape_cast %parallel_loop3A_387 : vector<1x1x16xf32> to vector<16xf32>
        %parallel_loop3A_389 = arith.addf %parallel_loop3A_378, %parallel_loop3A_388 : vector<16xf32>
        %parallel_loop3A_390 = arith.addf %parallel_loop3A_356, %parallel_loop3A_389 : vector<16xf32>
        %parallel_loop3A_391 = arith.constant 2.500000e-01 : f32
        %parallel_loop3A_392 = vector.broadcast %parallel_loop3A_391 : f32 to vector<16xf32>
        %parallel_loop3A_393 = arith.mulf %parallel_loop3A_390, %parallel_loop3A_392 : vector<16xf32>
        %parallel_loop3A_394 = arith.constant 0 : i32
        %parallel_loop3A_395 = arith.constant 3 : i32
        %parallel_loop3A_396 = arith.index_cast %parallel_loop3A_394 : i32 to index
        %parallel_loop3A_397 = arith.index_cast %parallel_loop3A_395 : i32 to index
        %parallel_loop3A_398 = arith.index_cast %parallel_loop3A_254 : i32 to index
        %parallel_loop3A_399 = tpu.vector_load %arg5[%parallel_loop3A_396, %parallel_loop3A_397, %parallel_loop3A_398] {strides = array<i32>} : memref<2x16x1024xf32, #tpu.memory_space<vmem>>, vector<1x1x16xf32>,
        %parallel_loop3A_400 = vector.shape_cast %parallel_loop3A_399 : vector<1x1x16xf32> to vector<16xf32>
        %parallel_loop3A_401 = vector.shape_cast %parallel_loop3A_393 : vector<16xf32> to vector<1x1x16xf32>
        tpu.vector_store %arg5[%parallel_loop3A_396, %parallel_loop3A_397, %parallel_loop3A_398], %parallel_loop3A_401 {strides = array<i32>} : memref<2x16x1024xf32, #tpu.memory_space<vmem>>, vector<1x1x16xf32>,
        %parallel_loop3A_402 = arith.constant 8 : i32
        %parallel_loop3A_403 = arith.addi %sub3A_146, %parallel_loop3A_402 : i32
        %parallel_loop3A_404 = arith.constant 2 : i32
        %parallel_loop3A_405 = arith.addi %parallel_loop3A_403, %parallel_loop3A_404 : i32
        %parallel_loop3A_406 = arith.constant 0 : i32
        %parallel_loop3A_407 = arith.index_cast %parallel_loop3A_406 : i32 to index
        %parallel_loop3A_408 = arith.index_cast %parallel_loop3A_405 : i32 to index
        %parallel_loop3A_409 = arith.index_cast %parallel_loop3A_254 : i32 to index
        %parallel_loop3A_410 = tpu.vector_load %arg4[%parallel_loop3A_407, %parallel_loop3A_408, %parallel_loop3A_409] {strides = array<i32>} : memref<2x40x1024xf32, #tpu.memory_space<vmem>>, vector<1x1x16xf32>,
        %parallel_loop3A_411 = vector.shape_cast %parallel_loop3A_410 : vector<1x1x16xf32> to vector<16xf32>
        %parallel_loop3A_412 = arith.constant 8 : i32
        %parallel_loop3A_413 = arith.addi %sub3A_146, %parallel_loop3A_412 : i32
        %parallel_loop3A_414 = arith.constant 3 : i32
        %parallel_loop3A_415 = arith.addi %parallel_loop3A_413, %parallel_loop3A_414 : i32
        %parallel_loop3A_416 = arith.constant 0 : i32
        %parallel_loop3A_417 = arith.index_cast %parallel_loop3A_416 : i32 to index
        %parallel_loop3A_418 = arith.index_cast %parallel_loop3A_415 : i32 to index
        %parallel_loop3A_419 = arith.index_cast %parallel_loop3A_254 : i32 to index
        %parallel_loop3A_420 = tpu.vector_load %arg4[%parallel_loop3A_417, %parallel_loop3A_418, %parallel_loop3A_419] {strides = array<i32>} : memref<2x40x1024xf32, #tpu.memory_space<vmem>>, vector<1x1x16xf32>,
        %parallel_loop3A_421 = vector.shape_cast %parallel_loop3A_420 : vector<1x1x16xf32> to vector<16xf32>
        %parallel_loop3A_422 = arith.addf %parallel_loop3A_411, %parallel_loop3A_421 : vector<16xf32>
        %parallel_loop3A_423 = arith.addf %parallel_loop3A_389, %parallel_loop3A_422 : vector<16xf32>
        %parallel_loop3A_424 = arith.constant 2.500000e-01 : f32
        %parallel_loop3A_425 = vector.broadcast %parallel_loop3A_424 : f32 to vector<16xf32>
        %parallel_loop3A_426 = arith.mulf %parallel_loop3A_423, %parallel_loop3A_425 : vector<16xf32>
        %parallel_loop3A_427 = arith.constant 0 : i32
        %parallel_loop3A_428 = arith.constant 4 : i32
        %parallel_loop3A_429 = arith.index_cast %parallel_loop3A_427 : i32 to index
        %parallel_loop3A_430 = arith.index_cast %parallel_loop3A_428 : i32 to index
        %parallel_loop3A_431 = arith.index_cast %parallel_loop3A_254 : i32 to index
        %parallel_loop3A_432 = tpu.vector_load %arg5[%parallel_loop3A_429, %parallel_loop3A_430, %parallel_loop3A_431] {strides = array<i32>} : memref<2x16x1024xf32, #tpu.memory_space<vmem>>, vector<1x1x16xf32>,
        %parallel_loop3A_433 = vector.shape_cast %parallel_loop3A_432 : vector<1x1x16xf32> to vector<16xf32>
        %parallel_loop3A_434 = vector.shape_cast %parallel_loop3A_426 : vector<16xf32> to vector<1x1x16xf32>
        tpu.vector_store %arg5[%parallel_loop3A_429, %parallel_loop3A_430, %parallel_loop3A_431], %parallel_loop3A_434 {strides = array<i32>} : memref<2x16x1024xf32, #tpu.memory_space<vmem>>, vector<1x1x16xf32>,
        %parallel_loop3A_435 = arith.constant 10 : i32
        %parallel_loop3A_436 = arith.addi %sub3A_146, %parallel_loop3A_435 : i32
        %parallel_loop3A_437 = arith.constant 2 : i32
        %parallel_loop3A_438 = arith.addi %parallel_loop3A_436, %parallel_loop3A_437 : i32
        %parallel_loop3A_439 = arith.constant 0 : i32
        %parallel_loop3A_440 = arith.index_cast %parallel_loop3A_439 : i32 to index
        %parallel_loop3A_441 = arith.index_cast %parallel_loop3A_438 : i32 to index
        %parallel_loop3A_442 = arith.index_cast %parallel_loop3A_254 : i32 to index
        %parallel_loop3A_443 = tpu.vector_load %arg4[%parallel_loop3A_440, %parallel_loop3A_441, %parallel_loop3A_442] {strides = array<i32>} : memref<2x40x1024xf32, #tpu.memory_space<vmem>>, vector<1x1x16xf32>,
        %parallel_loop3A_444 = vector.shape_cast %parallel_loop3A_443 : vector<1x1x16xf32> to vector<16xf32>
        %parallel_loop3A_445 = arith.constant 10 : i32
        %parallel_loop3A_446 = arith.addi %sub3A_146, %parallel_loop3A_445 : i32
        %parallel_loop3A_447 = arith.constant 3 : i32
        %parallel_loop3A_448 = arith.addi %parallel_loop3A_446, %parallel_loop3A_447 : i32
        %parallel_loop3A_449 = arith.constant 0 : i32
        %parallel_loop3A_450 = arith.index_cast %parallel_loop3A_449 : i32 to index
        %parallel_loop3A_451 = arith.index_cast %parallel_loop3A_448 : i32 to index
        %parallel_loop3A_452 = arith.index_cast %parallel_loop3A_254 : i32 to index
        %parallel_loop3A_453 = tpu.vector_load %arg4[%parallel_loop3A_450, %parallel_loop3A_451, %parallel_loop3A_452] {strides = array<i32>} : memref<2x40x1024xf32, #tpu.memory_space<vmem>>, vector<1x1x16xf32>,
        %parallel_loop3A_454 = vector.shape_cast %parallel_loop3A_453 : vector<1x1x16xf32> to vector<16xf32>
        %parallel_loop3A_455 = arith.addf %parallel_loop3A_444, %parallel_loop3A_454 : vector<16xf32>
        %parallel_loop3A_456 = arith.addf %parallel_loop3A_422, %parallel_loop3A_455 : vector<16xf32>
        %parallel_loop3A_457 = arith.constant 2.500000e-01 : f32
        %parallel_loop3A_458 = vector.broadcast %parallel_loop3A_457 : f32 to vector<16xf32>
        %parallel_loop3A_459 = arith.mulf %parallel_loop3A_456, %parallel_loop3A_458 : vector<16xf32>
        %parallel_loop3A_460 = arith.constant 0 : i32
        %parallel_loop3A_461 = arith.constant 5 : i32
        %parallel_loop3A_462 = arith.index_cast %parallel_loop3A_460 : i32 to index
        %parallel_loop3A_463 = arith.index_cast %parallel_loop3A_461 : i32 to index
        %parallel_loop3A_464 = arith.index_cast %parallel_loop3A_254 : i32 to index
        %parallel_loop3A_465 = tpu.vector_load %arg5[%parallel_loop3A_462, %parallel_loop3A_463, %parallel_loop3A_464] {strides = array<i32>} : memref<2x16x1024xf32, #tpu.memory_space<vmem>>, vector<1x1x16xf32>,
        %parallel_loop3A_466 = vector.shape_cast %parallel_loop3A_465 : vector<1x1x16xf32> to vector<16xf32>
        %parallel_loop3A_467 = vector.shape_cast %parallel_loop3A_459 : vector<16xf32> to vector<1x1x16xf32>
        tpu.vector_store %arg5[%parallel_loop3A_462, %parallel_loop3A_463, %parallel_loop3A_464], %parallel_loop3A_467 {strides = array<i32>} : memref<2x16x1024xf32, #tpu.memory_space<vmem>>, vector<1x1x16xf32>,
        %parallel_loop3A_468 = arith.constant 12 : i32
        %parallel_loop3A_469 = arith.addi %sub3A_146, %parallel_loop3A_468 : i32
        %parallel_loop3A_470 = arith.constant 2 : i32
        %parallel_loop3A_471 = arith.addi %parallel_loop3A_469, %parallel_loop3A_470 : i32
        %parallel_loop3A_472 = arith.constant 0 : i32
        %parallel_loop3A_473 = arith.index_cast %parallel_loop3A_472 : i32 to index
        %parallel_loop3A_474 = arith.index_cast %parallel_loop3A_471 : i32 to index
        %parallel_loop3A_475 = arith.index_cast %parallel_loop3A_254 : i32 to index
        %parallel_loop3A_476 = tpu.vector_load %arg4[%parallel_loop3A_473, %parallel_loop3A_474, %parallel_loop3A_475] {strides = array<i32>} : memref<2x40x1024xf32, #tpu.memory_space<vmem>>, vector<1x1x16xf32>,
        %parallel_loop3A_477 = vector.shape_cast %parallel_loop3A_476 : vector<1x1x16xf32> to vector<16xf32>
        %parallel_loop3A_478 = arith.constant 12 : i32
        %parallel_loop3A_479 = arith.addi %sub3A_146, %parallel_loop3A_478 : i32
        %parallel_loop3A_480 = arith.constant 3 : i32
        %parallel_loop3A_481 = arith.addi %parallel_loop3A_479, %parallel_loop3A_480 : i32
        %parallel_loop3A_482 = arith.constant 0 : i32
        %parallel_loop3A_483 = arith.index_cast %parallel_loop3A_482 : i32 to index
        %parallel_loop3A_484 = arith.index_cast %parallel_loop3A_481 : i32 to index
        %parallel_loop3A_485 = arith.index_cast %parallel_loop3A_254 : i32 to index
        %parallel_loop3A_486 = tpu.vector_load %arg4[%parallel_loop3A_483, %parallel_loop3A_484, %parallel_loop3A_485] {strides = array<i32>} : memref<2x40x1024xf32, #tpu.memory_space<vmem>>, vector<1x1x16xf32>,
        %parallel_loop3A_487 = vector.shape_cast %parallel_loop3A_486 : vector<1x1x16xf32> to vector<16xf32>
        %parallel_loop3A_488 = arith.addf %parallel_loop3A_477, %parallel_loop3A_487 : vector<16xf32>
        %parallel_loop3A_489 = arith.addf %parallel_loop3A_455, %parallel_loop3A_488 : vector<16xf32>
        %parallel_loop3A_490 = arith.constant 2.500000e-01 : f32
        %parallel_loop3A_491 = vector.broadcast %parallel_loop3A_490 : f32 to vector<16xf32>
        %parallel_loop3A_492 = arith.mulf %parallel_loop3A_489, %parallel_loop3A_491 : vector<16xf32>
        %parallel_loop3A_493 = arith.constant 0 : i32
        %parallel_loop3A_494 = arith.constant 6 : i32
        %parallel_loop3A_495 = arith.index_cast %parallel_loop3A_493 : i32 to index
        %parallel_loop3A_496 = arith.index_cast %parallel_loop3A_494 : i32 to index
        %parallel_loop3A_497 = arith.index_cast %parallel_loop3A_254 : i32 to index
        %parallel_loop3A_498 = tpu.vector_load %arg5[%parallel_loop3A_495, %parallel_loop3A_496, %parallel_loop3A_497] {strides = array<i32>} : memref<2x16x1024xf32, #tpu.memory_space<vmem>>, vector<1x1x16xf32>,
        %parallel_loop3A_499 = vector.shape_cast %parallel_loop3A_498 : vector<1x1x16xf32> to vector<16xf32>
        %parallel_loop3A_500 = vector.shape_cast %parallel_loop3A_492 : vector<16xf32> to vector<1x1x16xf32>
        tpu.vector_store %arg5[%parallel_loop3A_495, %parallel_loop3A_496, %parallel_loop3A_497], %parallel_loop3A_500 {strides = array<i32>} : memref<2x16x1024xf32, #tpu.memory_space<vmem>>, vector<1x1x16xf32>,
        %parallel_loop3A_501 = arith.constant 14 : i32
        %parallel_loop3A_502 = arith.addi %sub3A_146, %parallel_loop3A_501 : i32
        %parallel_loop3A_503 = arith.constant 2 : i32
        %parallel_loop3A_504 = arith.addi %parallel_loop3A_502, %parallel_loop3A_503 : i32
        %parallel_loop3A_505 = arith.constant 0 : i32
        %parallel_loop3A_506 = arith.index_cast %parallel_loop3A_505 : i32 to index
        %parallel_loop3A_507 = arith.index_cast %parallel_loop3A_504 : i32 to index
        %parallel_loop3A_508 = arith.index_cast %parallel_loop3A_254 : i32 to index
        %parallel_loop3A_509 = tpu.vector_load %arg4[%parallel_loop3A_506, %parallel_loop3A_507, %parallel_loop3A_508] {strides = array<i32>} : memref<2x40x1024xf32, #tpu.memory_space<vmem>>, vector<1x1x16xf32>,
        %parallel_loop3A_510 = vector.shape_cast %parallel_loop3A_509 : vector<1x1x16xf32> to vector<16xf32>
        %parallel_loop3A_511 = arith.constant 14 : i32
        %parallel_loop3A_512 = arith.addi %sub3A_146, %parallel_loop3A_511 : i32
        %parallel_loop3A_513 = arith.constant 3 : i32
        %parallel_loop3A_514 = arith.addi %parallel_loop3A_512, %parallel_loop3A_513 : i32
        %parallel_loop3A_515 = arith.constant 0 : i32
        %parallel_loop3A_516 = arith.index_cast %parallel_loop3A_515 : i32 to index
        %parallel_loop3A_517 = arith.index_cast %parallel_loop3A_514 : i32 to index
        %parallel_loop3A_518 = arith.index_cast %parallel_loop3A_254 : i32 to index
        %parallel_loop3A_519 = tpu.vector_load %arg4[%parallel_loop3A_516, %parallel_loop3A_517, %parallel_loop3A_518] {strides = array<i32>} : memref<2x40x1024xf32, #tpu.memory_space<vmem>>, vector<1x1x16xf32>,
        %parallel_loop3A_520 = vector.shape_cast %parallel_loop3A_519 : vector<1x1x16xf32> to vector<16xf32>
        %parallel_loop3A_521 = arith.addf %parallel_loop3A_510, %parallel_loop3A_520 : vector<16xf32>
        %parallel_loop3A_522 = arith.addf %parallel_loop3A_488, %parallel_loop3A_521 : vector<16xf32>
        %parallel_loop3A_523 = arith.constant 2.500000e-01 : f32
        %parallel_loop3A_524 = vector.broadcast %parallel_loop3A_523 : f32 to vector<16xf32>
        %parallel_loop3A_525 = arith.mulf %parallel_loop3A_522, %parallel_loop3A_524 : vector<16xf32>
        %parallel_loop3A_526 = arith.constant 0 : i32
        %parallel_loop3A_527 = arith.constant 7 : i32
        %parallel_loop3A_528 = arith.index_cast %parallel_loop3A_526 : i32 to index
        %parallel_loop3A_529 = arith.index_cast %parallel_loop3A_527 : i32 to index
        %parallel_loop3A_530 = arith.index_cast %parallel_loop3A_254 : i32 to index
        %parallel_loop3A_531 = tpu.vector_load %arg5[%parallel_loop3A_528, %parallel_loop3A_529, %parallel_loop3A_530] {strides = array<i32>} : memref<2x16x1024xf32, #tpu.memory_space<vmem>>, vector<1x1x16xf32>,
        %parallel_loop3A_532 = vector.shape_cast %parallel_loop3A_531 : vector<1x1x16xf32> to vector<16xf32>
        %parallel_loop3A_533 = vector.shape_cast %parallel_loop3A_525 : vector<16xf32> to vector<1x1x16xf32>
        tpu.vector_store %arg5[%parallel_loop3A_528, %parallel_loop3A_529, %parallel_loop3A_530], %parallel_loop3A_533 {strides = array<i32>} : memref<2x16x1024xf32, #tpu.memory_space<vmem>>, vector<1x1x16xf32>,
        %parallel_loop3A_534 = arith.constant 16 : i32
        %parallel_loop3A_535 = arith.addi %sub3A_146, %parallel_loop3A_534 : i32
        %parallel_loop3A_536 = arith.constant 2 : i32
        %parallel_loop3A_537 = arith.addi %parallel_loop3A_535, %parallel_loop3A_536 : i32
        %parallel_loop3A_538 = arith.constant 0 : i32
        %parallel_loop3A_539 = arith.index_cast %parallel_loop3A_538 : i32 to index
        %parallel_loop3A_540 = arith.index_cast %parallel_loop3A_537 : i32 to index
        %parallel_loop3A_541 = arith.index_cast %parallel_loop3A_254 : i32 to index
        %parallel_loop3A_542 = tpu.vector_load %arg4[%parallel_loop3A_539, %parallel_loop3A_540, %parallel_loop3A_541] {strides = array<i32>} : memref<2x40x1024xf32, #tpu.memory_space<vmem>>, vector<1x1x16xf32>,
        %parallel_loop3A_543 = vector.shape_cast %parallel_loop3A_542 : vector<1x1x16xf32> to vector<16xf32>
        %parallel_loop3A_544 = arith.constant 16 : i32
        %parallel_loop3A_545 = arith.addi %sub3A_146, %parallel_loop3A_544 : i32
        %parallel_loop3A_546 = arith.constant 3 : i32
        %parallel_loop3A_547 = arith.addi %parallel_loop3A_545, %parallel_loop3A_546 : i32
        %parallel_loop3A_548 = arith.constant 0 : i32
        %parallel_loop3A_549 = arith.index_cast %parallel_loop3A_548 : i32 to index
        %parallel_loop3A_550 = arith.index_cast %parallel_loop3A_547 : i32 to index
        %parallel_loop3A_551 = arith.index_cast %parallel_loop3A_254 : i32 to index
        %parallel_loop3A_552 = tpu.vector_load %arg4[%parallel_loop3A_549, %parallel_loop3A_550, %parallel_loop3A_551] {strides = array<i32>} : memref<2x40x1024xf32, #tpu.memory_space<vmem>>, vector<1x1x16xf32>,
        %parallel_loop3A_553 = vector.shape_cast %parallel_loop3A_552 : vector<1x1x16xf32> to vector<16xf32>
        %parallel_loop3A_554 = arith.addf %parallel_loop3A_543, %parallel_loop3A_553 : vector<16xf32>
        %parallel_loop3A_555 = arith.addf %parallel_loop3A_521, %parallel_loop3A_554 : vector<16xf32>
        %parallel_loop3A_556 = arith.constant 2.500000e-01 : f32
        %parallel_loop3A_557 = vector.broadcast %parallel_loop3A_556 : f32 to vector<16xf32>
        %parallel_loop3A_558 = arith.mulf %parallel_loop3A_555, %parallel_loop3A_557 : vector<16xf32>
        %parallel_loop3A_559 = arith.constant 0 : i32
        %parallel_loop3A_560 = arith.constant 8 : i32
        %parallel_loop3A_561 = arith.index_cast %parallel_loop3A_559 : i32 to index
        %parallel_loop3A_562 = arith.index_cast %parallel_loop3A_560 : i32 to index
        %parallel_loop3A_563 = arith.index_cast %parallel_loop3A_254 : i32 to index
        %parallel_loop3A_564 = tpu.vector_load %arg5[%parallel_loop3A_561, %parallel_loop3A_562, %parallel_loop3A_563] {strides = array<i32>} : memref<2x16x1024xf32, #tpu.memory_space<vmem>>, vector<1x1x16xf32>,
        %parallel_loop3A_565 = vector.shape_cast %parallel_loop3A_564 : vector<1x1x16xf32> to vector<16xf32>
        %parallel_loop3A_566 = vector.shape_cast %parallel_loop3A_558 : vector<16xf32> to vector<1x1x16xf32>
        tpu.vector_store %arg5[%parallel_loop3A_561, %parallel_loop3A_562, %parallel_loop3A_563], %parallel_loop3A_566 {strides = array<i32>} : memref<2x16x1024xf32, #tpu.memory_space<vmem>>, vector<1x1x16xf32>,
        %parallel_loop3A_567 = arith.constant 18 : i32
        %parallel_loop3A_568 = arith.addi %sub3A_146, %parallel_loop3A_567 : i32
        %parallel_loop3A_569 = arith.constant 2 : i32
        %parallel_loop3A_570 = arith.addi %parallel_loop3A_568, %parallel_loop3A_569 : i32
        %parallel_loop3A_571 = arith.constant 0 : i32
        %parallel_loop3A_572 = arith.index_cast %parallel_loop3A_571 : i32 to index
        %parallel_loop3A_573 = arith.index_cast %parallel_loop3A_570 : i32 to index
        %parallel_loop3A_574 = arith.index_cast %parallel_loop3A_254 : i32 to index
        %parallel_loop3A_575 = tpu.vector_load %arg4[%parallel_loop3A_572, %parallel_loop3A_573, %parallel_loop3A_574] {strides = array<i32>} : memref<2x40x1024xf32, #tpu.memory_space<vmem>>, vector<1x1x16xf32>,
        %parallel_loop3A_576 = vector.shape_cast %parallel_loop3A_575 : vector<1x1x16xf32> to vector<16xf32>
        %parallel_loop3A_577 = arith.constant 18 : i32
        %parallel_loop3A_578 = arith.addi %sub3A_146, %parallel_loop3A_577 : i32
        %parallel_loop3A_579 = arith.constant 3 : i32
        %parallel_loop3A_580 = arith.addi %parallel_loop3A_578, %parallel_loop3A_579 : i32
        %parallel_loop3A_581 = arith.constant 0 : i32
        %parallel_loop3A_582 = arith.index_cast %parallel_loop3A_581 : i32 to index
        %parallel_loop3A_583 = arith.index_cast %parallel_loop3A_580 : i32 to index
        %parallel_loop3A_584 = arith.index_cast %parallel_loop3A_254 : i32 to index
        %parallel_loop3A_585 = tpu.vector_load %arg4[%parallel_loop3A_582, %parallel_loop3A_583, %parallel_loop3A_584] {strides = array<i32>} : memref<2x40x1024xf32, #tpu.memory_space<vmem>>, vector<1x1x16xf32>,
        %parallel_loop3A_586 = vector.shape_cast %parallel_loop3A_585 : vector<1x1x16xf32> to vector<16xf32>
        %parallel_loop3A_587 = arith.addf %parallel_loop3A_576, %parallel_loop3A_586 : vector<16xf32>
        %parallel_loop3A_588 = arith.addf %parallel_loop3A_554, %parallel_loop3A_587 : vector<16xf32>
        %parallel_loop3A_589 = arith.constant 2.500000e-01 : f32
        %parallel_loop3A_590 = vector.broadcast %parallel_loop3A_589 : f32 to vector<16xf32>
        %parallel_loop3A_591 = arith.mulf %parallel_loop3A_588, %parallel_loop3A_590 : vector<16xf32>
        %parallel_loop3A_592 = arith.constant 0 : i32
        %parallel_loop3A_593 = arith.constant 9 : i32
        %parallel_loop3A_594 = arith.index_cast %parallel_loop3A_592 : i32 to index
        %parallel_loop3A_595 = arith.index_cast %parallel_loop3A_593 : i32 to index
        %parallel_loop3A_596 = arith.index_cast %parallel_loop3A_254 : i32 to index
        %parallel_loop3A_597 = tpu.vector_load %arg5[%parallel_loop3A_594, %parallel_loop3A_595, %parallel_loop3A_596] {strides = array<i32>} : memref<2x16x1024xf32, #tpu.memory_space<vmem>>, vector<1x1x16xf32>,
        %parallel_loop3A_598 = vector.shape_cast %parallel_loop3A_597 : vector<1x1x16xf32> to vector<16xf32>
        %parallel_loop3A_599 = vector.shape_cast %parallel_loop3A_591 : vector<16xf32> to vector<1x1x16xf32>
        tpu.vector_store %arg5[%parallel_loop3A_594, %parallel_loop3A_595, %parallel_loop3A_596], %parallel_loop3A_599 {strides = array<i32>} : memref<2x16x1024xf32, #tpu.memory_space<vmem>>, vector<1x1x16xf32>,
        %parallel_loop3A_600 = arith.constant 20 : i32
        %parallel_loop3A_601 = arith.addi %sub3A_146, %parallel_loop3A_600 : i32
        %parallel_loop3A_602 = arith.constant 2 : i32
        %parallel_loop3A_603 = arith.addi %parallel_loop3A_601, %parallel_loop3A_602 : i32
        %parallel_loop3A_604 = arith.constant 0 : i32
        %parallel_loop3A_605 = arith.index_cast %parallel_loop3A_604 : i32 to index
        %parallel_loop3A_606 = arith.index_cast %parallel_loop3A_603 : i32 to index
        %parallel_loop3A_607 = arith.index_cast %parallel_loop3A_254 : i32 to index
        %parallel_loop3A_608 = tpu.vector_load %arg4[%parallel_loop3A_605, %parallel_loop3A_606, %parallel_loop3A_607] {strides = array<i32>} : memref<2x40x1024xf32, #tpu.memory_space<vmem>>, vector<1x1x16xf32>,
        %parallel_loop3A_609 = vector.shape_cast %parallel_loop3A_608 : vector<1x1x16xf32> to vector<16xf32>
        %parallel_loop3A_610 = arith.constant 20 : i32
        %parallel_loop3A_611 = arith.addi %sub3A_146, %parallel_loop3A_610 : i32
        %parallel_loop3A_612 = arith.constant 3 : i32
        %parallel_loop3A_613 = arith.addi %parallel_loop3A_611, %parallel_loop3A_612 : i32
        %parallel_loop3A_614 = arith.constant 0 : i32
        %parallel_loop3A_615 = arith.index_cast %parallel_loop3A_614 : i32 to index
        %parallel_loop3A_616 = arith.index_cast %parallel_loop3A_613 : i32 to index
        %parallel_loop3A_617 = arith.index_cast %parallel_loop3A_254 : i32 to index
        %parallel_loop3A_618 = tpu.vector_load %arg4[%parallel_loop3A_615, %parallel_loop3A_616, %parallel_loop3A_617] {strides = array<i32>} : memref<2x40x1024xf32, #tpu.memory_space<vmem>>, vector<1x1x16xf32>,
        %parallel_loop3A_619 = vector.shape_cast %parallel_loop3A_618 : vector<1x1x16xf32> to vector<16xf32>
        %parallel_loop3A_620 = arith.addf %parallel_loop3A_609, %parallel_loop3A_619 : vector<16xf32>
        %parallel_loop3A_621 = arith.addf %parallel_loop3A_587, %parallel_loop3A_620 : vector<16xf32>
        %parallel_loop3A_622 = arith.constant 2.500000e-01 : f32
        %parallel_loop3A_623 = vector.broadcast %parallel_loop3A_622 : f32 to vector<16xf32>
        %parallel_loop3A_624 = arith.mulf %parallel_loop3A_621, %parallel_loop3A_623 : vector<16xf32>
        %parallel_loop3A_625 = arith.constant 0 : i32
        %parallel_loop3A_626 = arith.constant 10 : i32
        %parallel_loop3A_627 = arith.index_cast %parallel_loop3A_625 : i32 to index
        %parallel_loop3A_628 = arith.index_cast %parallel_loop3A_626 : i32 to index
        %parallel_loop3A_629 = arith.index_cast %parallel_loop3A_254 : i32 to index
        %parallel_loop3A_630 = tpu.vector_load %arg5[%parallel_loop3A_627, %parallel_loop3A_628, %parallel_loop3A_629] {strides = array<i32>} : memref<2x16x1024xf32, #tpu.memory_space<vmem>>, vector<1x1x16xf32>,
        %parallel_loop3A_631 = vector.shape_cast %parallel_loop3A_630 : vector<1x1x16xf32> to vector<16xf32>
        %parallel_loop3A_632 = vector.shape_cast %parallel_loop3A_624 : vector<16xf32> to vector<1x1x16xf32>
        tpu.vector_store %arg5[%parallel_loop3A_627, %parallel_loop3A_628, %parallel_loop3A_629], %parallel_loop3A_632 {strides = array<i32>} : memref<2x16x1024xf32, #tpu.memory_space<vmem>>, vector<1x1x16xf32>,
        %parallel_loop3A_633 = arith.constant 22 : i32
        %parallel_loop3A_634 = arith.addi %sub3A_146, %parallel_loop3A_633 : i32
        %parallel_loop3A_635 = arith.constant 2 : i32
        %parallel_loop3A_636 = arith.addi %parallel_loop3A_634, %parallel_loop3A_635 : i32
        %parallel_loop3A_637 = arith.constant 0 : i32
        %parallel_loop3A_638 = arith.index_cast %parallel_loop3A_637 : i32 to index
        %parallel_loop3A_639 = arith.index_cast %parallel_loop3A_636 : i32 to index
        %parallel_loop3A_640 = arith.index_cast %parallel_loop3A_254 : i32 to index
        %parallel_loop3A_641 = tpu.vector_load %arg4[%parallel_loop3A_638, %parallel_loop3A_639, %parallel_loop3A_640] {strides = array<i32>} : memref<2x40x1024xf32, #tpu.memory_space<vmem>>, vector<1x1x16xf32>,
        %parallel_loop3A_642 = vector.shape_cast %parallel_loop3A_641 : vector<1x1x16xf32> to vector<16xf32>
        %parallel_loop3A_643 = arith.constant 22 : i32
        %parallel_loop3A_644 = arith.addi %sub3A_146, %parallel_loop3A_643 : i32
        %parallel_loop3A_645 = arith.constant 3 : i32
        %parallel_loop3A_646 = arith.addi %parallel_loop3A_644, %parallel_loop3A_645 : i32
        %parallel_loop3A_647 = arith.constant 0 : i32
        %parallel_loop3A_648 = arith.index_cast %parallel_loop3A_647 : i32 to index
        %parallel_loop3A_649 = arith.index_cast %parallel_loop3A_646 : i32 to index
        %parallel_loop3A_650 = arith.index_cast %parallel_loop3A_254 : i32 to index
        %parallel_loop3A_651 = tpu.vector_load %arg4[%parallel_loop3A_648, %parallel_loop3A_649, %parallel_loop3A_650] {strides = array<i32>} : memref<2x40x1024xf32, #tpu.memory_space<vmem>>, vector<1x1x16xf32>,
        %parallel_loop3A_652 = vector.shape_cast %parallel_loop3A_651 : vector<1x1x16xf32> to vector<16xf32>
        %parallel_loop3A_653 = arith.addf %parallel_loop3A_642, %parallel_loop3A_652 : vector<16xf32>
        %parallel_loop3A_654 = arith.addf %parallel_loop3A_620, %parallel_loop3A_653 : vector<16xf32>
        %parallel_loop3A_655 = arith.constant 2.500000e-01 : f32
        %parallel_loop3A_656 = vector.broadcast %parallel_loop3A_655 : f32 to vector<16xf32>
        %parallel_loop3A_657 = arith.mulf %parallel_loop3A_654, %parallel_loop3A_656 : vector<16xf32>
        %parallel_loop3A_658 = arith.constant 0 : i32
        %parallel_loop3A_659 = arith.constant 11 : i32
        %parallel_loop3A_660 = arith.index_cast %parallel_loop3A_658 : i32 to index
        %parallel_loop3A_661 = arith.index_cast %parallel_loop3A_659 : i32 to index
        %parallel_loop3A_662 = arith.index_cast %parallel_loop3A_254 : i32 to index
        %parallel_loop3A_663 = tpu.vector_load %arg5[%parallel_loop3A_660, %parallel_loop3A_661, %parallel_loop3A_662] {strides = array<i32>} : memref<2x16x1024xf32, #tpu.memory_space<vmem>>, vector<1x1x16xf32>,
        %parallel_loop3A_664 = vector.shape_cast %parallel_loop3A_663 : vector<1x1x16xf32> to vector<16xf32>
        %parallel_loop3A_665 = vector.shape_cast %parallel_loop3A_657 : vector<16xf32> to vector<1x1x16xf32>
        tpu.vector_store %arg5[%parallel_loop3A_660, %parallel_loop3A_661, %parallel_loop3A_662], %parallel_loop3A_665 {strides = array<i32>} : memref<2x16x1024xf32, #tpu.memory_space<vmem>>, vector<1x1x16xf32>,
        %parallel_loop3A_666 = arith.constant 24 : i32
        %parallel_loop3A_667 = arith.addi %sub3A_146, %parallel_loop3A_666 : i32
        %parallel_loop3A_668 = arith.constant 2 : i32
        %parallel_loop3A_669 = arith.addi %parallel_loop3A_667, %parallel_loop3A_668 : i32
        %parallel_loop3A_670 = arith.constant 0 : i32
        %parallel_loop3A_671 = arith.index_cast %parallel_loop3A_670 : i32 to index
        %parallel_loop3A_672 = arith.index_cast %parallel_loop3A_669 : i32 to index
        %parallel_loop3A_673 = arith.index_cast %parallel_loop3A_254 : i32 to index
        %parallel_loop3A_674 = tpu.vector_load %arg4[%parallel_loop3A_671, %parallel_loop3A_672, %parallel_loop3A_673] {strides = array<i32>} : memref<2x40x1024xf32, #tpu.memory_space<vmem>>, vector<1x1x16xf32>,
        %parallel_loop3A_675 = vector.shape_cast %parallel_loop3A_674 : vector<1x1x16xf32> to vector<16xf32>
        %parallel_loop3A_676 = arith.constant 24 : i32
        %parallel_loop3A_677 = arith.addi %sub3A_146, %parallel_loop3A_676 : i32
        %parallel_loop3A_678 = arith.constant 3 : i32
        %parallel_loop3A_679 = arith.addi %parallel_loop3A_677, %parallel_loop3A_678 : i32
        %parallel_loop3A_680 = arith.constant 0 : i32
        %parallel_loop3A_681 = arith.index_cast %parallel_loop3A_680 : i32 to index
        %parallel_loop3A_682 = arith.index_cast %parallel_loop3A_679 : i32 to index
        %parallel_loop3A_683 = arith.index_cast %parallel_loop3A_254 : i32 to index
        %parallel_loop3A_684 = tpu.vector_load %arg4[%parallel_loop3A_681, %parallel_loop3A_682, %parallel_loop3A_683] {strides = array<i32>} : memref<2x40x1024xf32, #tpu.memory_space<vmem>>, vector<1x1x16xf32>,
        %parallel_loop3A_685 = vector.shape_cast %parallel_loop3A_684 : vector<1x1x16xf32> to vector<16xf32>
        %parallel_loop3A_686 = arith.addf %parallel_loop3A_675, %parallel_loop3A_685 : vector<16xf32>
        %parallel_loop3A_687 = arith.addf %parallel_loop3A_653, %parallel_loop3A_686 : vector<16xf32>
        %parallel_loop3A_688 = arith.constant 2.500000e-01 : f32
        %parallel_loop3A_689 = vector.broadcast %parallel_loop3A_688 : f32 to vector<16xf32>
        %parallel_loop3A_690 = arith.mulf %parallel_loop3A_687, %parallel_loop3A_689 : vector<16xf32>
        %parallel_loop3A_691 = arith.constant 0 : i32
        %parallel_loop3A_692 = arith.constant 12 : i32
        %parallel_loop3A_693 = arith.index_cast %parallel_loop3A_691 : i32 to index
        %parallel_loop3A_694 = arith.index_cast %parallel_loop3A_692 : i32 to index
        %parallel_loop3A_695 = arith.index_cast %parallel_loop3A_254 : i32 to index
        %parallel_loop3A_696 = tpu.vector_load %arg5[%parallel_loop3A_693, %parallel_loop3A_694, %parallel_loop3A_695] {strides = array<i32>} : memref<2x16x1024xf32, #tpu.memory_space<vmem>>, vector<1x1x16xf32>,
        %parallel_loop3A_697 = vector.shape_cast %parallel_loop3A_696 : vector<1x1x16xf32> to vector<16xf32>
        %parallel_loop3A_698 = vector.shape_cast %parallel_loop3A_690 : vector<16xf32> to vector<1x1x16xf32>
        tpu.vector_store %arg5[%parallel_loop3A_693, %parallel_loop3A_694, %parallel_loop3A_695], %parallel_loop3A_698 {strides = array<i32>} : memref<2x16x1024xf32, #tpu.memory_space<vmem>>, vector<1x1x16xf32>,
        %parallel_loop3A_699 = arith.constant 26 : i32
        %parallel_loop3A_700 = arith.addi %sub3A_146, %parallel_loop3A_699 : i32
        %parallel_loop3A_701 = arith.constant 2 : i32
        %parallel_loop3A_702 = arith.addi %parallel_loop3A_700, %parallel_loop3A_701 : i32
        %parallel_loop3A_703 = arith.constant 0 : i32
        %parallel_loop3A_704 = arith.index_cast %parallel_loop3A_703 : i32 to index
        %parallel_loop3A_705 = arith.index_cast %parallel_loop3A_702 : i32 to index
        %parallel_loop3A_706 = arith.index_cast %parallel_loop3A_254 : i32 to index
        %parallel_loop3A_707 = tpu.vector_load %arg4[%parallel_loop3A_704, %parallel_loop3A_705, %parallel_loop3A_706] {strides = array<i32>} : memref<2x40x1024xf32, #tpu.memory_space<vmem>>, vector<1x1x16xf32>,
        %parallel_loop3A_708 = vector.shape_cast %parallel_loop3A_707 : vector<1x1x16xf32> to vector<16xf32>
        %parallel_loop3A_709 = arith.constant 26 : i32
        %parallel_loop3A_710 = arith.addi %sub3A_146, %parallel_loop3A_709 : i32
        %parallel_loop3A_711 = arith.constant 3 : i32
        %parallel_loop3A_712 = arith.addi %parallel_loop3A_710, %parallel_loop3A_711 : i32
        %parallel_loop3A_713 = arith.constant 0 : i32
        %parallel_loop3A_714 = arith.index_cast %parallel_loop3A_713 : i32 to index
        %parallel_loop3A_715 = arith.index_cast %parallel_loop3A_712 : i32 to index
        %parallel_loop3A_716 = arith.index_cast %parallel_loop3A_254 : i32 to index
        %parallel_loop3A_717 = tpu.vector_load %arg4[%parallel_loop3A_714, %parallel_loop3A_715, %parallel_loop3A_716] {strides = array<i32>} : memref<2x40x1024xf32, #tpu.memory_space<vmem>>, vector<1x1x16xf32>,
        %parallel_loop3A_718 = vector.shape_cast %parallel_loop3A_717 : vector<1x1x16xf32> to vector<16xf32>
        %parallel_loop3A_719 = arith.addf %parallel_loop3A_708, %parallel_loop3A_718 : vector<16xf32>
        %parallel_loop3A_720 = arith.addf %parallel_loop3A_686, %parallel_loop3A_719 : vector<16xf32>
        %parallel_loop3A_721 = arith.constant 2.500000e-01 : f32
        %parallel_loop3A_722 = vector.broadcast %parallel_loop3A_721 : f32 to vector<16xf32>
        %parallel_loop3A_723 = arith.mulf %parallel_loop3A_720, %parallel_loop3A_722 : vector<16xf32>
        %parallel_loop3A_724 = arith.constant 0 : i32
        %parallel_loop3A_725 = arith.constant 13 : i32
        %parallel_loop3A_726 = arith.index_cast %parallel_loop3A_724 : i32 to index
        %parallel_loop3A_727 = arith.index_cast %parallel_loop3A_725 : i32 to index
        %parallel_loop3A_728 = arith.index_cast %parallel_loop3A_254 : i32 to index
        %parallel_loop3A_729 = tpu.vector_load %arg5[%parallel_loop3A_726, %parallel_loop3A_727, %parallel_loop3A_728] {strides = array<i32>} : memref<2x16x1024xf32, #tpu.memory_space<vmem>>, vector<1x1x16xf32>,
        %parallel_loop3A_730 = vector.shape_cast %parallel_loop3A_729 : vector<1x1x16xf32> to vector<16xf32>
        %parallel_loop3A_731 = vector.shape_cast %parallel_loop3A_723 : vector<16xf32> to vector<1x1x16xf32>
        tpu.vector_store %arg5[%parallel_loop3A_726, %parallel_loop3A_727, %parallel_loop3A_728], %parallel_loop3A_731 {strides = array<i32>} : memref<2x16x1024xf32, #tpu.memory_space<vmem>>, vector<1x1x16xf32>,
        %parallel_loop3A_732 = arith.constant 28 : i32
        %parallel_loop3A_733 = arith.addi %sub3A_146, %parallel_loop3A_732 : i32
        %parallel_loop3A_734 = arith.constant 2 : i32
        %parallel_loop3A_735 = arith.addi %parallel_loop3A_733, %parallel_loop3A_734 : i32
        %parallel_loop3A_736 = arith.constant 0 : i32
        %parallel_loop3A_737 = arith.index_cast %parallel_loop3A_736 : i32 to index
        %parallel_loop3A_738 = arith.index_cast %parallel_loop3A_735 : i32 to index
        %parallel_loop3A_739 = arith.index_cast %parallel_loop3A_254 : i32 to index
        %parallel_loop3A_740 = tpu.vector_load %arg4[%parallel_loop3A_737, %parallel_loop3A_738, %parallel_loop3A_739] {strides = array<i32>} : memref<2x40x1024xf32, #tpu.memory_space<vmem>>, vector<1x1x16xf32>,
        %parallel_loop3A_741 = vector.shape_cast %parallel_loop3A_740 : vector<1x1x16xf32> to vector<16xf32>
        %parallel_loop3A_742 = arith.constant 28 : i32
        %parallel_loop3A_743 = arith.addi %sub3A_146, %parallel_loop3A_742 : i32
        %parallel_loop3A_744 = arith.constant 3 : i32
        %parallel_loop3A_745 = arith.addi %parallel_loop3A_743, %parallel_loop3A_744 : i32
        %parallel_loop3A_746 = arith.constant 0 : i32
        %parallel_loop3A_747 = arith.index_cast %parallel_loop3A_746 : i32 to index
        %parallel_loop3A_748 = arith.index_cast %parallel_loop3A_745 : i32 to index
        %parallel_loop3A_749 = arith.index_cast %parallel_loop3A_254 : i32 to index
        %parallel_loop3A_750 = tpu.vector_load %arg4[%parallel_loop3A_747, %parallel_loop3A_748, %parallel_loop3A_749] {strides = array<i32>} : memref<2x40x1024xf32, #tpu.memory_space<vmem>>, vector<1x1x16xf32>,
        %parallel_loop3A_751 = vector.shape_cast %parallel_loop3A_750 : vector<1x1x16xf32> to vector<16xf32>
        %parallel_loop3A_752 = arith.addf %parallel_loop3A_741, %parallel_loop3A_751 : vector<16xf32>
        %parallel_loop3A_753 = arith.addf %parallel_loop3A_719, %parallel_loop3A_752 : vector<16xf32>
        %parallel_loop3A_754 = arith.constant 2.500000e-01 : f32
        %parallel_loop3A_755 = vector.broadcast %parallel_loop3A_754 : f32 to vector<16xf32>
        %parallel_loop3A_756 = arith.mulf %parallel_loop3A_753, %parallel_loop3A_755 : vector<16xf32>
        %parallel_loop3A_757 = arith.constant 0 : i32
        %parallel_loop3A_758 = arith.constant 14 : i32
        %parallel_loop3A_759 = arith.index_cast %parallel_loop3A_757 : i32 to index
        %parallel_loop3A_760 = arith.index_cast %parallel_loop3A_758 : i32 to index
        %parallel_loop3A_761 = arith.index_cast %parallel_loop3A_254 : i32 to index
        %parallel_loop3A_762 = tpu.vector_load %arg5[%parallel_loop3A_759, %parallel_loop3A_760, %parallel_loop3A_761] {strides = array<i32>} : memref<2x16x1024xf32, #tpu.memory_space<vmem>>, vector<1x1x16xf32>,
        %parallel_loop3A_763 = vector.shape_cast %parallel_loop3A_762 : vector<1x1x16xf32> to vector<16xf32>
        %parallel_loop3A_764 = vector.shape_cast %parallel_loop3A_756 : vector<16xf32> to vector<1x1x16xf32>
        tpu.vector_store %arg5[%parallel_loop3A_759, %parallel_loop3A_760, %parallel_loop3A_761], %parallel_loop3A_764 {strides = array<i32>} : memref<2x16x1024xf32, #tpu.memory_space<vmem>>, vector<1x1x16xf32>,
        %parallel_loop3A_765 = arith.constant 30 : i32
        %parallel_loop3A_766 = arith.addi %sub3A_146, %parallel_loop3A_765 : i32
        %parallel_loop3A_767 = arith.constant 2 : i32
        %parallel_loop3A_768 = arith.addi %parallel_loop3A_766, %parallel_loop3A_767 : i32
        %parallel_loop3A_769 = arith.constant 0 : i32
        %parallel_loop3A_770 = arith.index_cast %parallel_loop3A_769 : i32 to index
        %parallel_loop3A_771 = arith.index_cast %parallel_loop3A_768 : i32 to index
        %parallel_loop3A_772 = arith.index_cast %parallel_loop3A_254 : i32 to index
        %parallel_loop3A_773 = tpu.vector_load %arg4[%parallel_loop3A_770, %parallel_loop3A_771, %parallel_loop3A_772] {strides = array<i32>} : memref<2x40x1024xf32, #tpu.memory_space<vmem>>, vector<1x1x16xf32>,
        %parallel_loop3A_774 = vector.shape_cast %parallel_loop3A_773 : vector<1x1x16xf32> to vector<16xf32>
        %parallel_loop3A_775 = arith.constant 30 : i32
        %parallel_loop3A_776 = arith.addi %sub3A_146, %parallel_loop3A_775 : i32
        %parallel_loop3A_777 = arith.constant 3 : i32
        %parallel_loop3A_778 = arith.addi %parallel_loop3A_776, %parallel_loop3A_777 : i32
        %parallel_loop3A_779 = arith.constant 0 : i32
        %parallel_loop3A_780 = arith.index_cast %parallel_loop3A_779 : i32 to index
        %parallel_loop3A_781 = arith.index_cast %parallel_loop3A_778 : i32 to index
        %parallel_loop3A_782 = arith.index_cast %parallel_loop3A_254 : i32 to index
        %parallel_loop3A_783 = tpu.vector_load %arg4[%parallel_loop3A_780, %parallel_loop3A_781, %parallel_loop3A_782] {strides = array<i32>} : memref<2x40x1024xf32, #tpu.memory_space<vmem>>, vector<1x1x16xf32>,
        %parallel_loop3A_784 = vector.shape_cast %parallel_loop3A_783 : vector<1x1x16xf32> to vector<16xf32>
        %parallel_loop3A_785 = arith.addf %parallel_loop3A_774, %parallel_loop3A_784 : vector<16xf32>
        %parallel_loop3A_786 = arith.addf %parallel_loop3A_752, %parallel_loop3A_785 : vector<16xf32>
        %parallel_loop3A_787 = arith.constant 2.500000e-01 : f32
        %parallel_loop3A_788 = vector.broadcast %parallel_loop3A_787 : f32 to vector<16xf32>
        %parallel_loop3A_789 = arith.mulf %parallel_loop3A_786, %parallel_loop3A_788 : vector<16xf32>
        %parallel_loop3A_790 = arith.constant 0 : i32
        %parallel_loop3A_791 = arith.constant 15 : i32
        %parallel_loop3A_792 = arith.index_cast %parallel_loop3A_790 : i32 to index
        %parallel_loop3A_793 = arith.index_cast %parallel_loop3A_791 : i32 to index
        %parallel_loop3A_794 = arith.index_cast %parallel_loop3A_254 : i32 to index
        %parallel_loop3A_795 = tpu.vector_load %arg5[%parallel_loop3A_792, %parallel_loop3A_793, %parallel_loop3A_794] {strides = array<i32>} : memref<2x16x1024xf32, #tpu.memory_space<vmem>>, vector<1x1x16xf32>,
        %parallel_loop3A_796 = vector.shape_cast %parallel_loop3A_795 : vector<1x1x16xf32> to vector<16xf32>
        %parallel_loop3A_797 = vector.shape_cast %parallel_loop3A_789 : vector<16xf32> to vector<1x1x16xf32>
        tpu.vector_store %arg5[%parallel_loop3A_792, %parallel_loop3A_793, %parallel_loop3A_794], %parallel_loop3A_797 {strides = array<i32>} : memref<2x16x1024xf32, #tpu.memory_space<vmem>>, vector<1x1x16xf32>,
      } {sc.loop_unroll_factor = 1 : i64, sc.parallel_access}
      %add3A_149 = arith.constant 2 : i32
      %add3A_150 = arith.addi %mul3A_110, %add3A_149 : i32
      %lt3A_151 = arith.constant 8 : i32
      %lt3A_152 = arith.cmpi slt, %add3A_150, %lt3A_151 : i32
      %convert_element_type3A_153 = arith.extui %lt3A_152 : i1 to i32
      %cond3A_154 = arith.constant 0 : i32
      %cond3A_155 = arith.cmpi ne, %convert_element_type3A_153, %cond3A_154 : i32
      scf.if %cond3A_155 {
        %add3A_254 = arith.constant 2 : i32
        %add3A_255 = arith.addi %mul3A_110, %add3A_254 : i32
        %mul3A_256 = arith.constant 1024 : i32
        %mul3A_257 = arith.muli %select_n3A, %mul3A_256 : i32
        %mul3A_258 = arith.constant 16 : i32
        %mul3A_259 = arith.muli %add3A_255, %mul3A_258 : i32
        %add3A_260 = arith.addi %mul3A_32, %mul3A_259 : i32
        %min3A_261 = arith.constant 495 : i32
        %min3A_262 = arith.minsi %add3A_260, %min3A_261 : i32
        %mul3A_263 = arith.constant 2 : i32
        %mul3A_264 = arith.muli %mul3A_263, %min3A_262 : i32
        %min3A_265 = arith.constant 984 : i32
        %min3A_266 = arith.minsi %mul3A_264, %min3A_265 : i32
        %add3A_267 = arith.addi %mul3A_257, %min3A_266 : i32
        %multiple_of3A_268 = tpu.assume_multiple %add3A_267, 8 : i32
        %dma_start3A_269 = arith.constant 0 : i32
        %dma_start3A_270 = arith.constant 0 : i32
        %dma_start3A_271 = arith.constant 0 : i32
        %dma_start3A_272 = tpu.memref_slice %arg4[%dma_start3A_269, %dma_start3A_270, %dma_start3A_271] : memref<2x40x1024xf32, #tpu.memory_space<vmem>> -> memref<1x40x1024xf32, #tpu.memory_space<vmem>>
        %dma_start3A_273 = tpu.memref_squeeze %dma_start3A_272 : memref<1x40x1024xf32, #tpu.memory_space<vmem>> -> memref<40x1024xf32, #tpu.memory_space<vmem>>
        %dma_start3A_274 = arith.constant 0 : i32
        %dma_start3A_275 = tpu.memref_slice %arg2[%multiple_of3A_268, %dma_start3A_274] : memref<8192x1024xf32, #tpu.memory_space<hbm>> -> memref<40x1024xf32, #tpu.memory_space<hbm>>
        %dma_start3A_276 = arith.constant 0 : i32
        %dma_start3A_277 = arith.constant 0 : i32
        %dma_start3A_278 = tpu.memref_slice %arg4[%dma_start3A_269, %dma_start3A_276, %dma_start3A_277] : memref<2x40x1024xf32, #tpu.memory_space<vmem>> -> memref<1x40x1024xf32, #tpu.memory_space<vmem>>
        %dma_start3A_279 = tpu.memref_squeeze %dma_start3A_278 : memref<1x40x1024xf32, #tpu.memory_space<vmem>> -> memref<40x1024xf32, #tpu.memory_space<vmem>>
        %dma_start3A_280 = arith.constant 0 : i32
        %dma_start3A_281 = tpu.memref_slice %arg2[%multiple_of3A_268, %dma_start3A_280] : memref<8192x1024xf32, #tpu.memory_space<hbm>> -> memref<40x1024xf32, #tpu.memory_space<hbm>>
        tpu.enqueue_dma source(%dma_start3A_281 : memref<40x1024xf32, #tpu.memory_space<hbm>>) target(%dma_start3A_279 : memref<40x1024xf32, #tpu.memory_space<vmem>>) target_semaphore(%arg7 : memref<!tpu.dma_semaphore, #tpu.memory_space<semaphore_mem>>)
      } else {
      }
      %mul3A_156 = arith.constant 511 : i32
      %mul3A_157 = arith.muli %select_n3A, %mul3A_156 : i32
      %add3A_158 = arith.addi %mul3A_157, %min3A_134 : i32
      %add3A_159 = vector.broadcast %add3A_158 : i32 to vector<16xi32>
      %add3A_160 = arith.addi %add3A_159, %iota3A : vector<16xi32>
      %swap3A = arith.constant 0 : i32
      %swap3A_161 = arith.index_cast %swap3A : i32 to index
      %swap3A_162 = arith.constant 0 : index
      %swap3A_163 = tpu.vector_load %arg6[%swap3A_161, %swap3A_162] {strides = array<i32>} : memref<2x16xi32, #tpu.memory_space<vmem>>, vector<1x16xi32>,
      %swap3A_164 = vector.shape_cast %swap3A_163 : vector<1x16xi32> to vector<16xi32>
      %swap3A_165 = vector.shape_cast %add3A_160 : vector<16xi32> to vector<1x16xi32>
      tpu.vector_store %arg6[%swap3A_161, %swap3A_162], %swap3A_165 {strides = array<i32>} : memref<2x16xi32, #tpu.memory_space<vmem>>, vector<1x16xi32>,
      %dma_start3A_166 = arith.constant 0 : i32
      %dma_start3A_167 = arith.constant 0 : i32
      %dma_start3A_168 = arith.constant 0 : i32
      %dma_start3A_169 = arith.constant 0 : i32
      %dma_start3A_170 = tpu.memref_slice %arg5[%dma_start3A_166, %dma_start3A_168, %dma_start3A_169] : memref<2x16x1024xf32, #tpu.memory_space<vmem>> -> memref<1x16x1024xf32, #tpu.memory_space<vmem>>
      %dma_start3A_171 = tpu.memref_squeeze %dma_start3A_170 : memref<1x16x1024xf32, #tpu.memory_space<vmem>> -> memref<16x1024xf32, #tpu.memory_space<vmem>>
      %dma_start3A_172 = arith.constant 0 : i32
      %dma_start3A_173 = tpu.memref_slice %arg6[%dma_start3A_167, %dma_start3A_172] : memref<2x16xi32, #tpu.memory_space<vmem>> -> memref<1x16xi32, #tpu.memory_space<vmem>>
      %dma_start3A_174 = tpu.memref_squeeze %dma_start3A_173 : memref<1x16xi32, #tpu.memory_space<vmem>> -> memref<16xi32, #tpu.memory_space<vmem>>
      %dma_start3A_175 = arith.constant 0 : i32
      %dma_start3A_176 = arith.constant 0 : i32
      %dma_start3A_177 = tpu.memref_slice %arg3[%dma_start3A_175, %dma_start3A_176] : memref<4088x1024xf32, #tpu.memory_space<hbm>> -> memref<4088x1024xf32, #tpu.memory_space<hbm>>
      tpu.enqueue_indirect_dma source(%dma_start3A_171 : memref<16x1024xf32, #tpu.memory_space<vmem>>) target(%dma_start3A_177 : memref<4088x1024xf32, #tpu.memory_space<hbm>>) offsets(%dma_start3A_174 : memref<16xi32, #tpu.memory_space<vmem>>) semaphore(%arg9 : memref<!tpu.dma_semaphore, #tpu.memory_space<semaphore_mem>>)
      %mul3A_178 = arith.constant 2 : i32
      %mul3A_179 = arith.muli %mul3A_178, %scan3A_108 : i32
      %add3A_180 = arith.constant 1 : i32
      %add3A_181 = arith.addi %mul3A_179, %add3A_180 : i32
      %eq3A_182 = arith.constant 0 : i32
      %eq3A_183 = arith.cmpi eq, %scan3A_108, %eq3A_182 : i32
      %dma_wait3A_184 = arith.constant 1 : i32
      %dma_wait3A_185 = arith.constant 0 : i32
      %dma_wait3A_186 = arith.constant 0 : i32
      %dma_wait3A_187 = tpu.memref_slice %arg4[%dma_wait3A_184, %dma_wait3A_185, %dma_wait3A_186] : memref<2x40x1024xf32, #tpu.memory_space<vmem>> -> memref<1x40x1024xf32, #tpu.memory_space<vmem>>
      %dma_wait3A_188 = tpu.memref_squeeze %dma_wait3A_187 : memref<1x40x1024xf32, #tpu.memory_space<vmem>> -> memref<40x1024xf32, #tpu.memory_space<vmem>>
      %dma_wait3A_189 = arith.constant 0 : i32
      %dma_wait3A_190 = arith.constant 0 : i32
      %dma_wait3A_191 = tpu.memref_slice %arg2[%dma_wait3A_189, %dma_wait3A_190] : memref<8192x1024xf32, #tpu.memory_space<hbm>> -> memref<40x1024xf32, #tpu.memory_space<hbm>>
      %dma_wait3A_192 = arith.constant 0 : i32
      %dma_wait3A_193 = arith.constant 0 : i32
      %dma_wait3A_194 = tpu.memref_slice %arg4[%dma_wait3A_184, %dma_wait3A_192, %dma_wait3A_193] : memref<2x40x1024xf32, #tpu.memory_space<vmem>> -> memref<1x40x1024xf32, #tpu.memory_space<vmem>>
      %dma_wait3A_195 = tpu.memref_squeeze %dma_wait3A_194 : memref<1x40x1024xf32, #tpu.memory_space<vmem>> -> memref<40x1024xf32, #tpu.memory_space<vmem>>
      %dma_wait3A_196 = arith.constant 0 : i32
      %dma_wait3A_197 = arith.constant 0 : i32
      %dma_wait3A_198 = tpu.memref_slice %arg2[%dma_wait3A_196, %dma_wait3A_197] : memref<8192x1024xf32, #tpu.memory_space<hbm>> -> memref<40x1024xf32, #tpu.memory_space<hbm>>
      tpu.wait_dma2 semaphore(%arg8 : memref<!tpu.dma_semaphore, #tpu.memory_space<semaphore_mem>>) src(%dma_wait3A_198 : memref<40x1024xf32, #tpu.memory_space<hbm>>) dst(%dma_wait3A_195 : memref<40x1024xf32, #tpu.memory_space<vmem>>)
      %not3A_199 = arith.constant true
      %not3A_200 = arith.xori %eq3A_183, %not3A_199 : i1
      %convert_element_type3A_201 = arith.extui %not3A_200 : i1 to i32
      %cond3A_202 = arith.constant 0 : i32
      %cond3A_203 = arith.cmpi ne, %convert_element_type3A_201, %cond3A_202 : i32
      scf.if %cond3A_203 {
        %dma_wait3A_254 = arith.constant 1 : i32
        %dma_wait3A_255 = arith.constant 1 : i32
        %dma_wait3A_256 = arith.constant 0 : i32
        %dma_wait3A_257 = arith.constant 0 : i32
        %dma_wait3A_258 = tpu.memref_slice %arg5[%dma_wait3A_254, %dma_wait3A_256, %dma_wait3A_257] : memref<2x16x1024xf32, #tpu.memory_space<vmem>> -> memref<1x16x1024xf32, #tpu.memory_space<vmem>>
        %dma_wait3A_259 = tpu.memref_squeeze %dma_wait3A_258 : memref<1x16x1024xf32, #tpu.memory_space<vmem>> -> memref<16x1024xf32, #tpu.memory_space<vmem>>
        %dma_wait3A_260 = arith.constant 0 : i32
        %dma_wait3A_261 = tpu.memref_slice %arg6[%dma_wait3A_255, %dma_wait3A_260] : memref<2x16xi32, #tpu.memory_space<vmem>> -> memref<1x16xi32, #tpu.memory_space<vmem>>
        %dma_wait3A_262 = tpu.memref_squeeze %dma_wait3A_261 : memref<1x16xi32, #tpu.memory_space<vmem>> -> memref<16xi32, #tpu.memory_space<vmem>>
        %dma_wait3A_263 = arith.constant 0 : i32
        %dma_wait3A_264 = arith.constant 0 : i32
        %dma_wait3A_265 = tpu.memref_slice %arg3[%dma_wait3A_263, %dma_wait3A_264] : memref<4088x1024xf32, #tpu.memory_space<hbm>> -> memref<4088x1024xf32, #tpu.memory_space<hbm>>
        tpu.wait_indirect_dma semaphore(%arg10 : memref<!tpu.dma_semaphore, #tpu.memory_space<semaphore_mem>>) src(%dma_wait3A_259 : memref<16x1024xf32, #tpu.memory_space<vmem>>) dst(%dma_wait3A_265 : memref<4088x1024xf32, #tpu.memory_space<hbm>>)
      } else {
      }
      %mul3A_204 = arith.constant 16 : i32
      %mul3A_205 = arith.muli %add3A_181, %mul3A_204 : i32
      %add3A_206 = arith.addi %mul3A_32, %mul3A_205 : i32
      %min3A_207 = arith.constant 495 : i32
      %min3A_208 = arith.minsi %add3A_206, %min3A_207 : i32
      %mul3A_209 = arith.constant 2 : i32
      %mul3A_210 = arith.muli %mul3A_209, %min3A_208 : i32
      %mul3A_211 = arith.constant 16 : i32
      %mul3A_212 = arith.muli %add3A_181, %mul3A_211 : i32
      %add3A_213 = arith.addi %mul3A_32, %mul3A_212 : i32
      %min3A_214 = arith.constant 495 : i32
      %min3A_215 = arith.minsi %add3A_213, %min3A_214 : i32
      %mul3A_216 = arith.constant 2 : i32
      %mul3A_217 = arith.muli %mul3A_216, %min3A_215 : i32
      %min3A_218 = arith.constant 984 : i32
      %min3A_219 = arith.minsi %mul3A_217, %min3A_218 : i32
      %sub3A_220 = arith.subi %mul3A_210, %min3A_219 : i32
      %parallel_loop3A_221 = arith.constant 0 : i32
      %parallel_loop3A_222 = arith.constant 1024 : i32
      %parallel_loop3A_223 = arith.constant 16 : i32
      scf.for %parallel_loop3A_254 = %parallel_loop3A_221 to %parallel_loop3A_222 step %parallel_loop3A_223  : i32 {
        %parallel_loop3A_255 = arith.constant 1 : i32
        %parallel_loop3A_256 = arith.index_cast %parallel_loop3A_255 : i32 to index
        %parallel_loop3A_257 = arith.index_cast %sub3A_220 : i32 to index
        %parallel_loop3A_258 = arith.index_cast %parallel_loop3A_254 : i32 to index
        %parallel_loop3A_259 = tpu.vector_load %arg4[%parallel_loop3A_256, %parallel_loop3A_257, %parallel_loop3A_258] {strides = array<i32>} : memref<2x40x1024xf32, #tpu.memory_space<vmem>>, vector<1x1x16xf32>,
        %parallel_loop3A_260 = vector.shape_cast %parallel_loop3A_259 : vector<1x1x16xf32> to vector<16xf32>
        %parallel_loop3A_261 = arith.constant 1 : i32
        %parallel_loop3A_262 = arith.addi %sub3A_220, %parallel_loop3A_261 : i32
        %parallel_loop3A_263 = arith.constant 1 : i32
        %parallel_loop3A_264 = arith.index_cast %parallel_loop3A_263 : i32 to index
        %parallel_loop3A_265 = arith.index_cast %parallel_loop3A_262 : i32 to index
        %parallel_loop3A_266 = arith.index_cast %parallel_loop3A_254 : i32 to index
        %parallel_loop3A_267 = tpu.vector_load %arg4[%parallel_loop3A_264, %parallel_loop3A_265, %parallel_loop3A_266] {strides = array<i32>} : memref<2x40x1024xf32, #tpu.memory_space<vmem>>, vector<1x1x16xf32>,
        %parallel_loop3A_268 = vector.shape_cast %parallel_loop3A_267 : vector<1x1x16xf32> to vector<16xf32>
        %parallel_loop3A_269 = arith.addf %parallel_loop3A_260, %parallel_loop3A_268 : vector<16xf32>
        %parallel_loop3A_270 = arith.constant 0 : i32
        %parallel_loop3A_271 = arith.addi %sub3A_220, %parallel_loop3A_270 : i32
        %parallel_loop3A_272 = arith.constant 2 : i32
        %parallel_loop3A_273 = arith.addi %parallel_loop3A_271, %parallel_loop3A_272 : i32
        %parallel_loop3A_274 = arith.constant 1 : i32
        %parallel_loop3A_275 = arith.index_cast %parallel_loop3A_274 : i32 to index
        %parallel_loop3A_276 = arith.index_cast %parallel_loop3A_273 : i32 to index
        %parallel_loop3A_277 = arith.index_cast %parallel_loop3A_254 : i32 to index
        %parallel_loop3A_278 = tpu.vector_load %arg4[%parallel_loop3A_275, %parallel_loop3A_276, %parallel_loop3A_277] {strides = array<i32>} : memref<2x40x1024xf32, #tpu.memory_space<vmem>>, vector<1x1x16xf32>,
        %parallel_loop3A_279 = vector.shape_cast %parallel_loop3A_278 : vector<1x1x16xf32> to vector<16xf32>
        %parallel_loop3A_280 = arith.constant 0 : i32
        %parallel_loop3A_281 = arith.addi %sub3A_220, %parallel_loop3A_280 : i32
        %parallel_loop3A_282 = arith.constant 3 : i32
        %parallel_loop3A_283 = arith.addi %parallel_loop3A_281, %parallel_loop3A_282 : i32
        %parallel_loop3A_284 = arith.constant 1 : i32
        %parallel_loop3A_285 = arith.index_cast %parallel_loop3A_284 : i32 to index
        %parallel_loop3A_286 = arith.index_cast %parallel_loop3A_283 : i32 to index
        %parallel_loop3A_287 = arith.index_cast %parallel_loop3A_254 : i32 to index
        %parallel_loop3A_288 = tpu.vector_load %arg4[%parallel_loop3A_285, %parallel_loop3A_286, %parallel_loop3A_287] {strides = array<i32>} : memref<2x40x1024xf32, #tpu.memory_space<vmem>>, vector<1x1x16xf32>,
        %parallel_loop3A_289 = vector.shape_cast %parallel_loop3A_288 : vector<1x1x16xf32> to vector<16xf32>
        %parallel_loop3A_290 = arith.addf %parallel_loop3A_279, %parallel_loop3A_289 : vector<16xf32>
        %parallel_loop3A_291 = arith.addf %parallel_loop3A_269, %parallel_loop3A_290 : vector<16xf32>
        %parallel_loop3A_292 = arith.constant 2.500000e-01 : f32
        %parallel_loop3A_293 = vector.broadcast %parallel_loop3A_292 : f32 to vector<16xf32>
        %parallel_loop3A_294 = arith.mulf %parallel_loop3A_291, %parallel_loop3A_293 : vector<16xf32>
        %parallel_loop3A_295 = arith.constant 1 : i32
        %parallel_loop3A_296 = arith.constant 0 : i32
        %parallel_loop3A_297 = arith.index_cast %parallel_loop3A_295 : i32 to index
        %parallel_loop3A_298 = arith.index_cast %parallel_loop3A_296 : i32 to index
        %parallel_loop3A_299 = arith.index_cast %parallel_loop3A_254 : i32 to index
        %parallel_loop3A_300 = tpu.vector_load %arg5[%parallel_loop3A_297, %parallel_loop3A_298, %parallel_loop3A_299] {strides = array<i32>} : memref<2x16x1024xf32, #tpu.memory_space<vmem>>, vector<1x1x16xf32>,
        %parallel_loop3A_301 = vector.shape_cast %parallel_loop3A_300 : vector<1x1x16xf32> to vector<16xf32>
        %parallel_loop3A_302 = vector.shape_cast %parallel_loop3A_294 : vector<16xf32> to vector<1x1x16xf32>
        tpu.vector_store %arg5[%parallel_loop3A_297, %parallel_loop3A_298, %parallel_loop3A_299], %parallel_loop3A_302 {strides = array<i32>} : memref<2x16x1024xf32, #tpu.memory_space<vmem>>, vector<1x1x16xf32>,
        %parallel_loop3A_303 = arith.constant 2 : i32
        %parallel_loop3A_304 = arith.addi %sub3A_220, %parallel_loop3A_303 : i32
        %parallel_loop3A_305 = arith.constant 2 : i32
        %parallel_loop3A_306 = arith.addi %parallel_loop3A_304, %parallel_loop3A_305 : i32
        %parallel_loop3A_307 = arith.constant 1 : i32
        %parallel_loop3A_308 = arith.index_cast %parallel_loop3A_307 : i32 to index
        %parallel_loop3A_309 = arith.index_cast %parallel_loop3A_306 : i32 to index
        %parallel_loop3A_310 = arith.index_cast %parallel_loop3A_254 : i32 to index
        %parallel_loop3A_311 = tpu.vector_load %arg4[%parallel_loop3A_308, %parallel_loop3A_309, %parallel_loop3A_310] {strides = array<i32>} : memref<2x40x1024xf32, #tpu.memory_space<vmem>>, vector<1x1x16xf32>,
        %parallel_loop3A_312 = vector.shape_cast %parallel_loop3A_311 : vector<1x1x16xf32> to vector<16xf32>
        %parallel_loop3A_313 = arith.constant 2 : i32
        %parallel_loop3A_314 = arith.addi %sub3A_220, %parallel_loop3A_313 : i32
        %parallel_loop3A_315 = arith.constant 3 : i32
        %parallel_loop3A_316 = arith.addi %parallel_loop3A_314, %parallel_loop3A_315 : i32
        %parallel_loop3A_317 = arith.constant 1 : i32
        %parallel_loop3A_318 = arith.index_cast %parallel_loop3A_317 : i32 to index
        %parallel_loop3A_319 = arith.index_cast %parallel_loop3A_316 : i32 to index
        %parallel_loop3A_320 = arith.index_cast %parallel_loop3A_254 : i32 to index
        %parallel_loop3A_321 = tpu.vector_load %arg4[%parallel_loop3A_318, %parallel_loop3A_319, %parallel_loop3A_320] {strides = array<i32>} : memref<2x40x1024xf32, #tpu.memory_space<vmem>>, vector<1x1x16xf32>,
        %parallel_loop3A_322 = vector.shape_cast %parallel_loop3A_321 : vector<1x1x16xf32> to vector<16xf32>
        %parallel_loop3A_323 = arith.addf %parallel_loop3A_312, %parallel_loop3A_322 : vector<16xf32>
        %parallel_loop3A_324 = arith.addf %parallel_loop3A_290, %parallel_loop3A_323 : vector<16xf32>
        %parallel_loop3A_325 = arith.constant 2.500000e-01 : f32
        %parallel_loop3A_326 = vector.broadcast %parallel_loop3A_325 : f32 to vector<16xf32>
        %parallel_loop3A_327 = arith.mulf %parallel_loop3A_324, %parallel_loop3A_326 : vector<16xf32>
        %parallel_loop3A_328 = arith.constant 1 : i32
        %parallel_loop3A_329 = arith.constant 1 : i32
        %parallel_loop3A_330 = arith.index_cast %parallel_loop3A_328 : i32 to index
        %parallel_loop3A_331 = arith.index_cast %parallel_loop3A_329 : i32 to index
        %parallel_loop3A_332 = arith.index_cast %parallel_loop3A_254 : i32 to index
        %parallel_loop3A_333 = tpu.vector_load %arg5[%parallel_loop3A_330, %parallel_loop3A_331, %parallel_loop3A_332] {strides = array<i32>} : memref<2x16x1024xf32, #tpu.memory_space<vmem>>, vector<1x1x16xf32>,
        %parallel_loop3A_334 = vector.shape_cast %parallel_loop3A_333 : vector<1x1x16xf32> to vector<16xf32>
        %parallel_loop3A_335 = vector.shape_cast %parallel_loop3A_327 : vector<16xf32> to vector<1x1x16xf32>
        tpu.vector_store %arg5[%parallel_loop3A_330, %parallel_loop3A_331, %parallel_loop3A_332], %parallel_loop3A_335 {strides = array<i32>} : memref<2x16x1024xf32, #tpu.memory_space<vmem>>, vector<1x1x16xf32>,
        %parallel_loop3A_336 = arith.constant 4 : i32
        %parallel_loop3A_337 = arith.addi %sub3A_220, %parallel_loop3A_336 : i32
        %parallel_loop3A_338 = arith.constant 2 : i32
        %parallel_loop3A_339 = arith.addi %parallel_loop3A_337, %parallel_loop3A_338 : i32
        %parallel_loop3A_340 = arith.constant 1 : i32
        %parallel_loop3A_341 = arith.index_cast %parallel_loop3A_340 : i32 to index
        %parallel_loop3A_342 = arith.index_cast %parallel_loop3A_339 : i32 to index
        %parallel_loop3A_343 = arith.index_cast %parallel_loop3A_254 : i32 to index
        %parallel_loop3A_344 = tpu.vector_load %arg4[%parallel_loop3A_341, %parallel_loop3A_342, %parallel_loop3A_343] {strides = array<i32>} : memref<2x40x1024xf32, #tpu.memory_space<vmem>>, vector<1x1x16xf32>,
        %parallel_loop3A_345 = vector.shape_cast %parallel_loop3A_344 : vector<1x1x16xf32> to vector<16xf32>
        %parallel_loop3A_346 = arith.constant 4 : i32
        %parallel_loop3A_347 = arith.addi %sub3A_220, %parallel_loop3A_346 : i32
        %parallel_loop3A_348 = arith.constant 3 : i32
        %parallel_loop3A_349 = arith.addi %parallel_loop3A_347, %parallel_loop3A_348 : i32
        %parallel_loop3A_350 = arith.constant 1 : i32
        %parallel_loop3A_351 = arith.index_cast %parallel_loop3A_350 : i32 to index
        %parallel_loop3A_352 = arith.index_cast %parallel_loop3A_349 : i32 to index
        %parallel_loop3A_353 = arith.index_cast %parallel_loop3A_254 : i32 to index
        %parallel_loop3A_354 = tpu.vector_load %arg4[%parallel_loop3A_351, %parallel_loop3A_352, %parallel_loop3A_353] {strides = array<i32>} : memref<2x40x1024xf32, #tpu.memory_space<vmem>>, vector<1x1x16xf32>,
        %parallel_loop3A_355 = vector.shape_cast %parallel_loop3A_354 : vector<1x1x16xf32> to vector<16xf32>
        %parallel_loop3A_356 = arith.addf %parallel_loop3A_345, %parallel_loop3A_355 : vector<16xf32>
        %parallel_loop3A_357 = arith.addf %parallel_loop3A_323, %parallel_loop3A_356 : vector<16xf32>
        %parallel_loop3A_358 = arith.constant 2.500000e-01 : f32
        %parallel_loop3A_359 = vector.broadcast %parallel_loop3A_358 : f32 to vector<16xf32>
        %parallel_loop3A_360 = arith.mulf %parallel_loop3A_357, %parallel_loop3A_359 : vector<16xf32>
        %parallel_loop3A_361 = arith.constant 1 : i32
        %parallel_loop3A_362 = arith.constant 2 : i32
        %parallel_loop3A_363 = arith.index_cast %parallel_loop3A_361 : i32 to index
        %parallel_loop3A_364 = arith.index_cast %parallel_loop3A_362 : i32 to index
        %parallel_loop3A_365 = arith.index_cast %parallel_loop3A_254 : i32 to index
        %parallel_loop3A_366 = tpu.vector_load %arg5[%parallel_loop3A_363, %parallel_loop3A_364, %parallel_loop3A_365] {strides = array<i32>} : memref<2x16x1024xf32, #tpu.memory_space<vmem>>, vector<1x1x16xf32>,
        %parallel_loop3A_367 = vector.shape_cast %parallel_loop3A_366 : vector<1x1x16xf32> to vector<16xf32>
        %parallel_loop3A_368 = vector.shape_cast %parallel_loop3A_360 : vector<16xf32> to vector<1x1x16xf32>
        tpu.vector_store %arg5[%parallel_loop3A_363, %parallel_loop3A_364, %parallel_loop3A_365], %parallel_loop3A_368 {strides = array<i32>} : memref<2x16x1024xf32, #tpu.memory_space<vmem>>, vector<1x1x16xf32>,
        %parallel_loop3A_369 = arith.constant 6 : i32
        %parallel_loop3A_370 = arith.addi %sub3A_220, %parallel_loop3A_369 : i32
        %parallel_loop3A_371 = arith.constant 2 : i32
        %parallel_loop3A_372 = arith.addi %parallel_loop3A_370, %parallel_loop3A_371 : i32
        %parallel_loop3A_373 = arith.constant 1 : i32
        %parallel_loop3A_374 = arith.index_cast %parallel_loop3A_373 : i32 to index
        %parallel_loop3A_375 = arith.index_cast %parallel_loop3A_372 : i32 to index
        %parallel_loop3A_376 = arith.index_cast %parallel_loop3A_254 : i32 to index
        %parallel_loop3A_377 = tpu.vector_load %arg4[%parallel_loop3A_374, %parallel_loop3A_375, %parallel_loop3A_376] {strides = array<i32>} : memref<2x40x1024xf32, #tpu.memory_space<vmem>>, vector<1x1x16xf32>,
        %parallel_loop3A_378 = vector.shape_cast %parallel_loop3A_377 : vector<1x1x16xf32> to vector<16xf32>
        %parallel_loop3A_379 = arith.constant 6 : i32
        %parallel_loop3A_380 = arith.addi %sub3A_220, %parallel_loop3A_379 : i32
        %parallel_loop3A_381 = arith.constant 3 : i32
        %parallel_loop3A_382 = arith.addi %parallel_loop3A_380, %parallel_loop3A_381 : i32
        %parallel_loop3A_383 = arith.constant 1 : i32
        %parallel_loop3A_384 = arith.index_cast %parallel_loop3A_383 : i32 to index
        %parallel_loop3A_385 = arith.index_cast %parallel_loop3A_382 : i32 to index
        %parallel_loop3A_386 = arith.index_cast %parallel_loop3A_254 : i32 to index
        %parallel_loop3A_387 = tpu.vector_load %arg4[%parallel_loop3A_384, %parallel_loop3A_385, %parallel_loop3A_386] {strides = array<i32>} : memref<2x40x1024xf32, #tpu.memory_space<vmem>>, vector<1x1x16xf32>,
        %parallel_loop3A_388 = vector.shape_cast %parallel_loop3A_387 : vector<1x1x16xf32> to vector<16xf32>
        %parallel_loop3A_389 = arith.addf %parallel_loop3A_378, %parallel_loop3A_388 : vector<16xf32>
        %parallel_loop3A_390 = arith.addf %parallel_loop3A_356, %parallel_loop3A_389 : vector<16xf32>
        %parallel_loop3A_391 = arith.constant 2.500000e-01 : f32
        %parallel_loop3A_392 = vector.broadcast %parallel_loop3A_391 : f32 to vector<16xf32>
        %parallel_loop3A_393 = arith.mulf %parallel_loop3A_390, %parallel_loop3A_392 : vector<16xf32>
        %parallel_loop3A_394 = arith.constant 1 : i32
        %parallel_loop3A_395 = arith.constant 3 : i32
        %parallel_loop3A_396 = arith.index_cast %parallel_loop3A_394 : i32 to index
        %parallel_loop3A_397 = arith.index_cast %parallel_loop3A_395 : i32 to index
        %parallel_loop3A_398 = arith.index_cast %parallel_loop3A_254 : i32 to index
        %parallel_loop3A_399 = tpu.vector_load %arg5[%parallel_loop3A_396, %parallel_loop3A_397, %parallel_loop3A_398] {strides = array<i32>} : memref<2x16x1024xf32, #tpu.memory_space<vmem>>, vector<1x1x16xf32>,
        %parallel_loop3A_400 = vector.shape_cast %parallel_loop3A_399 : vector<1x1x16xf32> to vector<16xf32>
        %parallel_loop3A_401 = vector.shape_cast %parallel_loop3A_393 : vector<16xf32> to vector<1x1x16xf32>
        tpu.vector_store %arg5[%parallel_loop3A_396, %parallel_loop3A_397, %parallel_loop3A_398], %parallel_loop3A_401 {strides = array<i32>} : memref<2x16x1024xf32, #tpu.memory_space<vmem>>, vector<1x1x16xf32>,
        %parallel_loop3A_402 = arith.constant 8 : i32
        %parallel_loop3A_403 = arith.addi %sub3A_220, %parallel_loop3A_402 : i32
        %parallel_loop3A_404 = arith.constant 2 : i32
        %parallel_loop3A_405 = arith.addi %parallel_loop3A_403, %parallel_loop3A_404 : i32
        %parallel_loop3A_406 = arith.constant 1 : i32
        %parallel_loop3A_407 = arith.index_cast %parallel_loop3A_406 : i32 to index
        %parallel_loop3A_408 = arith.index_cast %parallel_loop3A_405 : i32 to index
        %parallel_loop3A_409 = arith.index_cast %parallel_loop3A_254 : i32 to index
        %parallel_loop3A_410 = tpu.vector_load %arg4[%parallel_loop3A_407, %parallel_loop3A_408, %parallel_loop3A_409] {strides = array<i32>} : memref<2x40x1024xf32, #tpu.memory_space<vmem>>, vector<1x1x16xf32>,
        %parallel_loop3A_411 = vector.shape_cast %parallel_loop3A_410 : vector<1x1x16xf32> to vector<16xf32>
        %parallel_loop3A_412 = arith.constant 8 : i32
        %parallel_loop3A_413 = arith.addi %sub3A_220, %parallel_loop3A_412 : i32
        %parallel_loop3A_414 = arith.constant 3 : i32
        %parallel_loop3A_415 = arith.addi %parallel_loop3A_413, %parallel_loop3A_414 : i32
        %parallel_loop3A_416 = arith.constant 1 : i32
        %parallel_loop3A_417 = arith.index_cast %parallel_loop3A_416 : i32 to index
        %parallel_loop3A_418 = arith.index_cast %parallel_loop3A_415 : i32 to index
        %parallel_loop3A_419 = arith.index_cast %parallel_loop3A_254 : i32 to index
        %parallel_loop3A_420 = tpu.vector_load %arg4[%parallel_loop3A_417, %parallel_loop3A_418, %parallel_loop3A_419] {strides = array<i32>} : memref<2x40x1024xf32, #tpu.memory_space<vmem>>, vector<1x1x16xf32>,
        %parallel_loop3A_421 = vector.shape_cast %parallel_loop3A_420 : vector<1x1x16xf32> to vector<16xf32>
        %parallel_loop3A_422 = arith.addf %parallel_loop3A_411, %parallel_loop3A_421 : vector<16xf32>
        %parallel_loop3A_423 = arith.addf %parallel_loop3A_389, %parallel_loop3A_422 : vector<16xf32>
        %parallel_loop3A_424 = arith.constant 2.500000e-01 : f32
        %parallel_loop3A_425 = vector.broadcast %parallel_loop3A_424 : f32 to vector<16xf32>
        %parallel_loop3A_426 = arith.mulf %parallel_loop3A_423, %parallel_loop3A_425 : vector<16xf32>
        %parallel_loop3A_427 = arith.constant 1 : i32
        %parallel_loop3A_428 = arith.constant 4 : i32
        %parallel_loop3A_429 = arith.index_cast %parallel_loop3A_427 : i32 to index
        %parallel_loop3A_430 = arith.index_cast %parallel_loop3A_428 : i32 to index
        %parallel_loop3A_431 = arith.index_cast %parallel_loop3A_254 : i32 to index
        %parallel_loop3A_432 = tpu.vector_load %arg5[%parallel_loop3A_429, %parallel_loop3A_430, %parallel_loop3A_431] {strides = array<i32>} : memref<2x16x1024xf32, #tpu.memory_space<vmem>>, vector<1x1x16xf32>,
        %parallel_loop3A_433 = vector.shape_cast %parallel_loop3A_432 : vector<1x1x16xf32> to vector<16xf32>
        %parallel_loop3A_434 = vector.shape_cast %parallel_loop3A_426 : vector<16xf32> to vector<1x1x16xf32>
        tpu.vector_store %arg5[%parallel_loop3A_429, %parallel_loop3A_430, %parallel_loop3A_431], %parallel_loop3A_434 {strides = array<i32>} : memref<2x16x1024xf32, #tpu.memory_space<vmem>>, vector<1x1x16xf32>,
        %parallel_loop3A_435 = arith.constant 10 : i32
        %parallel_loop3A_436 = arith.addi %sub3A_220, %parallel_loop3A_435 : i32
        %parallel_loop3A_437 = arith.constant 2 : i32
        %parallel_loop3A_438 = arith.addi %parallel_loop3A_436, %parallel_loop3A_437 : i32
        %parallel_loop3A_439 = arith.constant 1 : i32
        %parallel_loop3A_440 = arith.index_cast %parallel_loop3A_439 : i32 to index
        %parallel_loop3A_441 = arith.index_cast %parallel_loop3A_438 : i32 to index
        %parallel_loop3A_442 = arith.index_cast %parallel_loop3A_254 : i32 to index
        %parallel_loop3A_443 = tpu.vector_load %arg4[%parallel_loop3A_440, %parallel_loop3A_441, %parallel_loop3A_442] {strides = array<i32>} : memref<2x40x1024xf32, #tpu.memory_space<vmem>>, vector<1x1x16xf32>,
        %parallel_loop3A_444 = vector.shape_cast %parallel_loop3A_443 : vector<1x1x16xf32> to vector<16xf32>
        %parallel_loop3A_445 = arith.constant 10 : i32
        %parallel_loop3A_446 = arith.addi %sub3A_220, %parallel_loop3A_445 : i32
        %parallel_loop3A_447 = arith.constant 3 : i32
        %parallel_loop3A_448 = arith.addi %parallel_loop3A_446, %parallel_loop3A_447 : i32
        %parallel_loop3A_449 = arith.constant 1 : i32
        %parallel_loop3A_450 = arith.index_cast %parallel_loop3A_449 : i32 to index
        %parallel_loop3A_451 = arith.index_cast %parallel_loop3A_448 : i32 to index
        %parallel_loop3A_452 = arith.index_cast %parallel_loop3A_254 : i32 to index
        %parallel_loop3A_453 = tpu.vector_load %arg4[%parallel_loop3A_450, %parallel_loop3A_451, %parallel_loop3A_452] {strides = array<i32>} : memref<2x40x1024xf32, #tpu.memory_space<vmem>>, vector<1x1x16xf32>,
        %parallel_loop3A_454 = vector.shape_cast %parallel_loop3A_453 : vector<1x1x16xf32> to vector<16xf32>
        %parallel_loop3A_455 = arith.addf %parallel_loop3A_444, %parallel_loop3A_454 : vector<16xf32>
        %parallel_loop3A_456 = arith.addf %parallel_loop3A_422, %parallel_loop3A_455 : vector<16xf32>
        %parallel_loop3A_457 = arith.constant 2.500000e-01 : f32
        %parallel_loop3A_458 = vector.broadcast %parallel_loop3A_457 : f32 to vector<16xf32>
        %parallel_loop3A_459 = arith.mulf %parallel_loop3A_456, %parallel_loop3A_458 : vector<16xf32>
        %parallel_loop3A_460 = arith.constant 1 : i32
        %parallel_loop3A_461 = arith.constant 5 : i32
        %parallel_loop3A_462 = arith.index_cast %parallel_loop3A_460 : i32 to index
        %parallel_loop3A_463 = arith.index_cast %parallel_loop3A_461 : i32 to index
        %parallel_loop3A_464 = arith.index_cast %parallel_loop3A_254 : i32 to index
        %parallel_loop3A_465 = tpu.vector_load %arg5[%parallel_loop3A_462, %parallel_loop3A_463, %parallel_loop3A_464] {strides = array<i32>} : memref<2x16x1024xf32, #tpu.memory_space<vmem>>, vector<1x1x16xf32>,
        %parallel_loop3A_466 = vector.shape_cast %parallel_loop3A_465 : vector<1x1x16xf32> to vector<16xf32>
        %parallel_loop3A_467 = vector.shape_cast %parallel_loop3A_459 : vector<16xf32> to vector<1x1x16xf32>
        tpu.vector_store %arg5[%parallel_loop3A_462, %parallel_loop3A_463, %parallel_loop3A_464], %parallel_loop3A_467 {strides = array<i32>} : memref<2x16x1024xf32, #tpu.memory_space<vmem>>, vector<1x1x16xf32>,
        %parallel_loop3A_468 = arith.constant 12 : i32
        %parallel_loop3A_469 = arith.addi %sub3A_220, %parallel_loop3A_468 : i32
        %parallel_loop3A_470 = arith.constant 2 : i32
        %parallel_loop3A_471 = arith.addi %parallel_loop3A_469, %parallel_loop3A_470 : i32
        %parallel_loop3A_472 = arith.constant 1 : i32
        %parallel_loop3A_473 = arith.index_cast %parallel_loop3A_472 : i32 to index
        %parallel_loop3A_474 = arith.index_cast %parallel_loop3A_471 : i32 to index
        %parallel_loop3A_475 = arith.index_cast %parallel_loop3A_254 : i32 to index
        %parallel_loop3A_476 = tpu.vector_load %arg4[%parallel_loop3A_473, %parallel_loop3A_474, %parallel_loop3A_475] {strides = array<i32>} : memref<2x40x1024xf32, #tpu.memory_space<vmem>>, vector<1x1x16xf32>,
        %parallel_loop3A_477 = vector.shape_cast %parallel_loop3A_476 : vector<1x1x16xf32> to vector<16xf32>
        %parallel_loop3A_478 = arith.constant 12 : i32
        %parallel_loop3A_479 = arith.addi %sub3A_220, %parallel_loop3A_478 : i32
        %parallel_loop3A_480 = arith.constant 3 : i32
        %parallel_loop3A_481 = arith.addi %parallel_loop3A_479, %parallel_loop3A_480 : i32
        %parallel_loop3A_482 = arith.constant 1 : i32
        %parallel_loop3A_483 = arith.index_cast %parallel_loop3A_482 : i32 to index
        %parallel_loop3A_484 = arith.index_cast %parallel_loop3A_481 : i32 to index
        %parallel_loop3A_485 = arith.index_cast %parallel_loop3A_254 : i32 to index
        %parallel_loop3A_486 = tpu.vector_load %arg4[%parallel_loop3A_483, %parallel_loop3A_484, %parallel_loop3A_485] {strides = array<i32>} : memref<2x40x1024xf32, #tpu.memory_space<vmem>>, vector<1x1x16xf32>,
        %parallel_loop3A_487 = vector.shape_cast %parallel_loop3A_486 : vector<1x1x16xf32> to vector<16xf32>
        %parallel_loop3A_488 = arith.addf %parallel_loop3A_477, %parallel_loop3A_487 : vector<16xf32>
        %parallel_loop3A_489 = arith.addf %parallel_loop3A_455, %parallel_loop3A_488 : vector<16xf32>
        %parallel_loop3A_490 = arith.constant 2.500000e-01 : f32
        %parallel_loop3A_491 = vector.broadcast %parallel_loop3A_490 : f32 to vector<16xf32>
        %parallel_loop3A_492 = arith.mulf %parallel_loop3A_489, %parallel_loop3A_491 : vector<16xf32>
        %parallel_loop3A_493 = arith.constant 1 : i32
        %parallel_loop3A_494 = arith.constant 6 : i32
        %parallel_loop3A_495 = arith.index_cast %parallel_loop3A_493 : i32 to index
        %parallel_loop3A_496 = arith.index_cast %parallel_loop3A_494 : i32 to index
        %parallel_loop3A_497 = arith.index_cast %parallel_loop3A_254 : i32 to index
        %parallel_loop3A_498 = tpu.vector_load %arg5[%parallel_loop3A_495, %parallel_loop3A_496, %parallel_loop3A_497] {strides = array<i32>} : memref<2x16x1024xf32, #tpu.memory_space<vmem>>, vector<1x1x16xf32>,
        %parallel_loop3A_499 = vector.shape_cast %parallel_loop3A_498 : vector<1x1x16xf32> to vector<16xf32>
        %parallel_loop3A_500 = vector.shape_cast %parallel_loop3A_492 : vector<16xf32> to vector<1x1x16xf32>
        tpu.vector_store %arg5[%parallel_loop3A_495, %parallel_loop3A_496, %parallel_loop3A_497], %parallel_loop3A_500 {strides = array<i32>} : memref<2x16x1024xf32, #tpu.memory_space<vmem>>, vector<1x1x16xf32>,
        %parallel_loop3A_501 = arith.constant 14 : i32
        %parallel_loop3A_502 = arith.addi %sub3A_220, %parallel_loop3A_501 : i32
        %parallel_loop3A_503 = arith.constant 2 : i32
        %parallel_loop3A_504 = arith.addi %parallel_loop3A_502, %parallel_loop3A_503 : i32
        %parallel_loop3A_505 = arith.constant 1 : i32
        %parallel_loop3A_506 = arith.index_cast %parallel_loop3A_505 : i32 to index
        %parallel_loop3A_507 = arith.index_cast %parallel_loop3A_504 : i32 to index
        %parallel_loop3A_508 = arith.index_cast %parallel_loop3A_254 : i32 to index
        %parallel_loop3A_509 = tpu.vector_load %arg4[%parallel_loop3A_506, %parallel_loop3A_507, %parallel_loop3A_508] {strides = array<i32>} : memref<2x40x1024xf32, #tpu.memory_space<vmem>>, vector<1x1x16xf32>,
        %parallel_loop3A_510 = vector.shape_cast %parallel_loop3A_509 : vector<1x1x16xf32> to vector<16xf32>
        %parallel_loop3A_511 = arith.constant 14 : i32
        %parallel_loop3A_512 = arith.addi %sub3A_220, %parallel_loop3A_511 : i32
        %parallel_loop3A_513 = arith.constant 3 : i32
        %parallel_loop3A_514 = arith.addi %parallel_loop3A_512, %parallel_loop3A_513 : i32
        %parallel_loop3A_515 = arith.constant 1 : i32
        %parallel_loop3A_516 = arith.index_cast %parallel_loop3A_515 : i32 to index
        %parallel_loop3A_517 = arith.index_cast %parallel_loop3A_514 : i32 to index
        %parallel_loop3A_518 = arith.index_cast %parallel_loop3A_254 : i32 to index
        %parallel_loop3A_519 = tpu.vector_load %arg4[%parallel_loop3A_516, %parallel_loop3A_517, %parallel_loop3A_518] {strides = array<i32>} : memref<2x40x1024xf32, #tpu.memory_space<vmem>>, vector<1x1x16xf32>,
        %parallel_loop3A_520 = vector.shape_cast %parallel_loop3A_519 : vector<1x1x16xf32> to vector<16xf32>
        %parallel_loop3A_521 = arith.addf %parallel_loop3A_510, %parallel_loop3A_520 : vector<16xf32>
        %parallel_loop3A_522 = arith.addf %parallel_loop3A_488, %parallel_loop3A_521 : vector<16xf32>
        %parallel_loop3A_523 = arith.constant 2.500000e-01 : f32
        %parallel_loop3A_524 = vector.broadcast %parallel_loop3A_523 : f32 to vector<16xf32>
        %parallel_loop3A_525 = arith.mulf %parallel_loop3A_522, %parallel_loop3A_524 : vector<16xf32>
        %parallel_loop3A_526 = arith.constant 1 : i32
        %parallel_loop3A_527 = arith.constant 7 : i32
        %parallel_loop3A_528 = arith.index_cast %parallel_loop3A_526 : i32 to index
        %parallel_loop3A_529 = arith.index_cast %parallel_loop3A_527 : i32 to index
        %parallel_loop3A_530 = arith.index_cast %parallel_loop3A_254 : i32 to index
        %parallel_loop3A_531 = tpu.vector_load %arg5[%parallel_loop3A_528, %parallel_loop3A_529, %parallel_loop3A_530] {strides = array<i32>} : memref<2x16x1024xf32, #tpu.memory_space<vmem>>, vector<1x1x16xf32>,
        %parallel_loop3A_532 = vector.shape_cast %parallel_loop3A_531 : vector<1x1x16xf32> to vector<16xf32>
        %parallel_loop3A_533 = vector.shape_cast %parallel_loop3A_525 : vector<16xf32> to vector<1x1x16xf32>
        tpu.vector_store %arg5[%parallel_loop3A_528, %parallel_loop3A_529, %parallel_loop3A_530], %parallel_loop3A_533 {strides = array<i32>} : memref<2x16x1024xf32, #tpu.memory_space<vmem>>, vector<1x1x16xf32>,
        %parallel_loop3A_534 = arith.constant 16 : i32
        %parallel_loop3A_535 = arith.addi %sub3A_220, %parallel_loop3A_534 : i32
        %parallel_loop3A_536 = arith.constant 2 : i32
        %parallel_loop3A_537 = arith.addi %parallel_loop3A_535, %parallel_loop3A_536 : i32
        %parallel_loop3A_538 = arith.constant 1 : i32
        %parallel_loop3A_539 = arith.index_cast %parallel_loop3A_538 : i32 to index
        %parallel_loop3A_540 = arith.index_cast %parallel_loop3A_537 : i32 to index
        %parallel_loop3A_541 = arith.index_cast %parallel_loop3A_254 : i32 to index
        %parallel_loop3A_542 = tpu.vector_load %arg4[%parallel_loop3A_539, %parallel_loop3A_540, %parallel_loop3A_541] {strides = array<i32>} : memref<2x40x1024xf32, #tpu.memory_space<vmem>>, vector<1x1x16xf32>,
        %parallel_loop3A_543 = vector.shape_cast %parallel_loop3A_542 : vector<1x1x16xf32> to vector<16xf32>
        %parallel_loop3A_544 = arith.constant 16 : i32
        %parallel_loop3A_545 = arith.addi %sub3A_220, %parallel_loop3A_544 : i32
        %parallel_loop3A_546 = arith.constant 3 : i32
        %parallel_loop3A_547 = arith.addi %parallel_loop3A_545, %parallel_loop3A_546 : i32
        %parallel_loop3A_548 = arith.constant 1 : i32
        %parallel_loop3A_549 = arith.index_cast %parallel_loop3A_548 : i32 to index
        %parallel_loop3A_550 = arith.index_cast %parallel_loop3A_547 : i32 to index
        %parallel_loop3A_551 = arith.index_cast %parallel_loop3A_254 : i32 to index
        %parallel_loop3A_552 = tpu.vector_load %arg4[%parallel_loop3A_549, %parallel_loop3A_550, %parallel_loop3A_551] {strides = array<i32>} : memref<2x40x1024xf32, #tpu.memory_space<vmem>>, vector<1x1x16xf32>,
        %parallel_loop3A_553 = vector.shape_cast %parallel_loop3A_552 : vector<1x1x16xf32> to vector<16xf32>
        %parallel_loop3A_554 = arith.addf %parallel_loop3A_543, %parallel_loop3A_553 : vector<16xf32>
        %parallel_loop3A_555 = arith.addf %parallel_loop3A_521, %parallel_loop3A_554 : vector<16xf32>
        %parallel_loop3A_556 = arith.constant 2.500000e-01 : f32
        %parallel_loop3A_557 = vector.broadcast %parallel_loop3A_556 : f32 to vector<16xf32>
        %parallel_loop3A_558 = arith.mulf %parallel_loop3A_555, %parallel_loop3A_557 : vector<16xf32>
        %parallel_loop3A_559 = arith.constant 1 : i32
        %parallel_loop3A_560 = arith.constant 8 : i32
        %parallel_loop3A_561 = arith.index_cast %parallel_loop3A_559 : i32 to index
        %parallel_loop3A_562 = arith.index_cast %parallel_loop3A_560 : i32 to index
        %parallel_loop3A_563 = arith.index_cast %parallel_loop3A_254 : i32 to index
        %parallel_loop3A_564 = tpu.vector_load %arg5[%parallel_loop3A_561, %parallel_loop3A_562, %parallel_loop3A_563] {strides = array<i32>} : memref<2x16x1024xf32, #tpu.memory_space<vmem>>, vector<1x1x16xf32>,
        %parallel_loop3A_565 = vector.shape_cast %parallel_loop3A_564 : vector<1x1x16xf32> to vector<16xf32>
        %parallel_loop3A_566 = vector.shape_cast %parallel_loop3A_558 : vector<16xf32> to vector<1x1x16xf32>
        tpu.vector_store %arg5[%parallel_loop3A_561, %parallel_loop3A_562, %parallel_loop3A_563], %parallel_loop3A_566 {strides = array<i32>} : memref<2x16x1024xf32, #tpu.memory_space<vmem>>, vector<1x1x16xf32>,
        %parallel_loop3A_567 = arith.constant 18 : i32
        %parallel_loop3A_568 = arith.addi %sub3A_220, %parallel_loop3A_567 : i32
        %parallel_loop3A_569 = arith.constant 2 : i32
        %parallel_loop3A_570 = arith.addi %parallel_loop3A_568, %parallel_loop3A_569 : i32
        %parallel_loop3A_571 = arith.constant 1 : i32
        %parallel_loop3A_572 = arith.index_cast %parallel_loop3A_571 : i32 to index
        %parallel_loop3A_573 = arith.index_cast %parallel_loop3A_570 : i32 to index
        %parallel_loop3A_574 = arith.index_cast %parallel_loop3A_254 : i32 to index
        %parallel_loop3A_575 = tpu.vector_load %arg4[%parallel_loop3A_572, %parallel_loop3A_573, %parallel_loop3A_574] {strides = array<i32>} : memref<2x40x1024xf32, #tpu.memory_space<vmem>>, vector<1x1x16xf32>,
        %parallel_loop3A_576 = vector.shape_cast %parallel_loop3A_575 : vector<1x1x16xf32> to vector<16xf32>
        %parallel_loop3A_577 = arith.constant 18 : i32
        %parallel_loop3A_578 = arith.addi %sub3A_220, %parallel_loop3A_577 : i32
        %parallel_loop3A_579 = arith.constant 3 : i32
        %parallel_loop3A_580 = arith.addi %parallel_loop3A_578, %parallel_loop3A_579 : i32
        %parallel_loop3A_581 = arith.constant 1 : i32
        %parallel_loop3A_582 = arith.index_cast %parallel_loop3A_581 : i32 to index
        %parallel_loop3A_583 = arith.index_cast %parallel_loop3A_580 : i32 to index
        %parallel_loop3A_584 = arith.index_cast %parallel_loop3A_254 : i32 to index
        %parallel_loop3A_585 = tpu.vector_load %arg4[%parallel_loop3A_582, %parallel_loop3A_583, %parallel_loop3A_584] {strides = array<i32>} : memref<2x40x1024xf32, #tpu.memory_space<vmem>>, vector<1x1x16xf32>,
        %parallel_loop3A_586 = vector.shape_cast %parallel_loop3A_585 : vector<1x1x16xf32> to vector<16xf32>
        %parallel_loop3A_587 = arith.addf %parallel_loop3A_576, %parallel_loop3A_586 : vector<16xf32>
        %parallel_loop3A_588 = arith.addf %parallel_loop3A_554, %parallel_loop3A_587 : vector<16xf32>
        %parallel_loop3A_589 = arith.constant 2.500000e-01 : f32
        %parallel_loop3A_590 = vector.broadcast %parallel_loop3A_589 : f32 to vector<16xf32>
        %parallel_loop3A_591 = arith.mulf %parallel_loop3A_588, %parallel_loop3A_590 : vector<16xf32>
        %parallel_loop3A_592 = arith.constant 1 : i32
        %parallel_loop3A_593 = arith.constant 9 : i32
        %parallel_loop3A_594 = arith.index_cast %parallel_loop3A_592 : i32 to index
        %parallel_loop3A_595 = arith.index_cast %parallel_loop3A_593 : i32 to index
        %parallel_loop3A_596 = arith.index_cast %parallel_loop3A_254 : i32 to index
        %parallel_loop3A_597 = tpu.vector_load %arg5[%parallel_loop3A_594, %parallel_loop3A_595, %parallel_loop3A_596] {strides = array<i32>} : memref<2x16x1024xf32, #tpu.memory_space<vmem>>, vector<1x1x16xf32>,
        %parallel_loop3A_598 = vector.shape_cast %parallel_loop3A_597 : vector<1x1x16xf32> to vector<16xf32>
        %parallel_loop3A_599 = vector.shape_cast %parallel_loop3A_591 : vector<16xf32> to vector<1x1x16xf32>
        tpu.vector_store %arg5[%parallel_loop3A_594, %parallel_loop3A_595, %parallel_loop3A_596], %parallel_loop3A_599 {strides = array<i32>} : memref<2x16x1024xf32, #tpu.memory_space<vmem>>, vector<1x1x16xf32>,
        %parallel_loop3A_600 = arith.constant 20 : i32
        %parallel_loop3A_601 = arith.addi %sub3A_220, %parallel_loop3A_600 : i32
        %parallel_loop3A_602 = arith.constant 2 : i32
        %parallel_loop3A_603 = arith.addi %parallel_loop3A_601, %parallel_loop3A_602 : i32
        %parallel_loop3A_604 = arith.constant 1 : i32
        %parallel_loop3A_605 = arith.index_cast %parallel_loop3A_604 : i32 to index
        %parallel_loop3A_606 = arith.index_cast %parallel_loop3A_603 : i32 to index
        %parallel_loop3A_607 = arith.index_cast %parallel_loop3A_254 : i32 to index
        %parallel_loop3A_608 = tpu.vector_load %arg4[%parallel_loop3A_605, %parallel_loop3A_606, %parallel_loop3A_607] {strides = array<i32>} : memref<2x40x1024xf32, #tpu.memory_space<vmem>>, vector<1x1x16xf32>,
        %parallel_loop3A_609 = vector.shape_cast %parallel_loop3A_608 : vector<1x1x16xf32> to vector<16xf32>
        %parallel_loop3A_610 = arith.constant 20 : i32
        %parallel_loop3A_611 = arith.addi %sub3A_220, %parallel_loop3A_610 : i32
        %parallel_loop3A_612 = arith.constant 3 : i32
        %parallel_loop3A_613 = arith.addi %parallel_loop3A_611, %parallel_loop3A_612 : i32
        %parallel_loop3A_614 = arith.constant 1 : i32
        %parallel_loop3A_615 = arith.index_cast %parallel_loop3A_614 : i32 to index
        %parallel_loop3A_616 = arith.index_cast %parallel_loop3A_613 : i32 to index
        %parallel_loop3A_617 = arith.index_cast %parallel_loop3A_254 : i32 to index
        %parallel_loop3A_618 = tpu.vector_load %arg4[%parallel_loop3A_615, %parallel_loop3A_616, %parallel_loop3A_617] {strides = array<i32>} : memref<2x40x1024xf32, #tpu.memory_space<vmem>>, vector<1x1x16xf32>,
        %parallel_loop3A_619 = vector.shape_cast %parallel_loop3A_618 : vector<1x1x16xf32> to vector<16xf32>
        %parallel_loop3A_620 = arith.addf %parallel_loop3A_609, %parallel_loop3A_619 : vector<16xf32>
        %parallel_loop3A_621 = arith.addf %parallel_loop3A_587, %parallel_loop3A_620 : vector<16xf32>
        %parallel_loop3A_622 = arith.constant 2.500000e-01 : f32
        %parallel_loop3A_623 = vector.broadcast %parallel_loop3A_622 : f32 to vector<16xf32>
        %parallel_loop3A_624 = arith.mulf %parallel_loop3A_621, %parallel_loop3A_623 : vector<16xf32>
        %parallel_loop3A_625 = arith.constant 1 : i32
        %parallel_loop3A_626 = arith.constant 10 : i32
        %parallel_loop3A_627 = arith.index_cast %parallel_loop3A_625 : i32 to index
        %parallel_loop3A_628 = arith.index_cast %parallel_loop3A_626 : i32 to index
        %parallel_loop3A_629 = arith.index_cast %parallel_loop3A_254 : i32 to index
        %parallel_loop3A_630 = tpu.vector_load %arg5[%parallel_loop3A_627, %parallel_loop3A_628, %parallel_loop3A_629] {strides = array<i32>} : memref<2x16x1024xf32, #tpu.memory_space<vmem>>, vector<1x1x16xf32>,
        %parallel_loop3A_631 = vector.shape_cast %parallel_loop3A_630 : vector<1x1x16xf32> to vector<16xf32>
        %parallel_loop3A_632 = vector.shape_cast %parallel_loop3A_624 : vector<16xf32> to vector<1x1x16xf32>
        tpu.vector_store %arg5[%parallel_loop3A_627, %parallel_loop3A_628, %parallel_loop3A_629], %parallel_loop3A_632 {strides = array<i32>} : memref<2x16x1024xf32, #tpu.memory_space<vmem>>, vector<1x1x16xf32>,
        %parallel_loop3A_633 = arith.constant 22 : i32
        %parallel_loop3A_634 = arith.addi %sub3A_220, %parallel_loop3A_633 : i32
        %parallel_loop3A_635 = arith.constant 2 : i32
        %parallel_loop3A_636 = arith.addi %parallel_loop3A_634, %parallel_loop3A_635 : i32
        %parallel_loop3A_637 = arith.constant 1 : i32
        %parallel_loop3A_638 = arith.index_cast %parallel_loop3A_637 : i32 to index
        %parallel_loop3A_639 = arith.index_cast %parallel_loop3A_636 : i32 to index
        %parallel_loop3A_640 = arith.index_cast %parallel_loop3A_254 : i32 to index
        %parallel_loop3A_641 = tpu.vector_load %arg4[%parallel_loop3A_638, %parallel_loop3A_639, %parallel_loop3A_640] {strides = array<i32>} : memref<2x40x1024xf32, #tpu.memory_space<vmem>>, vector<1x1x16xf32>,
        %parallel_loop3A_642 = vector.shape_cast %parallel_loop3A_641 : vector<1x1x16xf32> to vector<16xf32>
        %parallel_loop3A_643 = arith.constant 22 : i32
        %parallel_loop3A_644 = arith.addi %sub3A_220, %parallel_loop3A_643 : i32
        %parallel_loop3A_645 = arith.constant 3 : i32
        %parallel_loop3A_646 = arith.addi %parallel_loop3A_644, %parallel_loop3A_645 : i32
        %parallel_loop3A_647 = arith.constant 1 : i32
        %parallel_loop3A_648 = arith.index_cast %parallel_loop3A_647 : i32 to index
        %parallel_loop3A_649 = arith.index_cast %parallel_loop3A_646 : i32 to index
        %parallel_loop3A_650 = arith.index_cast %parallel_loop3A_254 : i32 to index
        %parallel_loop3A_651 = tpu.vector_load %arg4[%parallel_loop3A_648, %parallel_loop3A_649, %parallel_loop3A_650] {strides = array<i32>} : memref<2x40x1024xf32, #tpu.memory_space<vmem>>, vector<1x1x16xf32>,
        %parallel_loop3A_652 = vector.shape_cast %parallel_loop3A_651 : vector<1x1x16xf32> to vector<16xf32>
        %parallel_loop3A_653 = arith.addf %parallel_loop3A_642, %parallel_loop3A_652 : vector<16xf32>
        %parallel_loop3A_654 = arith.addf %parallel_loop3A_620, %parallel_loop3A_653 : vector<16xf32>
        %parallel_loop3A_655 = arith.constant 2.500000e-01 : f32
        %parallel_loop3A_656 = vector.broadcast %parallel_loop3A_655 : f32 to vector<16xf32>
        %parallel_loop3A_657 = arith.mulf %parallel_loop3A_654, %parallel_loop3A_656 : vector<16xf32>
        %parallel_loop3A_658 = arith.constant 1 : i32
        %parallel_loop3A_659 = arith.constant 11 : i32
        %parallel_loop3A_660 = arith.index_cast %parallel_loop3A_658 : i32 to index
        %parallel_loop3A_661 = arith.index_cast %parallel_loop3A_659 : i32 to index
        %parallel_loop3A_662 = arith.index_cast %parallel_loop3A_254 : i32 to index
        %parallel_loop3A_663 = tpu.vector_load %arg5[%parallel_loop3A_660, %parallel_loop3A_661, %parallel_loop3A_662] {strides = array<i32>} : memref<2x16x1024xf32, #tpu.memory_space<vmem>>, vector<1x1x16xf32>,
        %parallel_loop3A_664 = vector.shape_cast %parallel_loop3A_663 : vector<1x1x16xf32> to vector<16xf32>
        %parallel_loop3A_665 = vector.shape_cast %parallel_loop3A_657 : vector<16xf32> to vector<1x1x16xf32>
        tpu.vector_store %arg5[%parallel_loop3A_660, %parallel_loop3A_661, %parallel_loop3A_662], %parallel_loop3A_665 {strides = array<i32>} : memref<2x16x1024xf32, #tpu.memory_space<vmem>>, vector<1x1x16xf32>,
        %parallel_loop3A_666 = arith.constant 24 : i32
        %parallel_loop3A_667 = arith.addi %sub3A_220, %parallel_loop3A_666 : i32
        %parallel_loop3A_668 = arith.constant 2 : i32
        %parallel_loop3A_669 = arith.addi %parallel_loop3A_667, %parallel_loop3A_668 : i32
        %parallel_loop3A_670 = arith.constant 1 : i32
        %parallel_loop3A_671 = arith.index_cast %parallel_loop3A_670 : i32 to index
        %parallel_loop3A_672 = arith.index_cast %parallel_loop3A_669 : i32 to index
        %parallel_loop3A_673 = arith.index_cast %parallel_loop3A_254 : i32 to index
        %parallel_loop3A_674 = tpu.vector_load %arg4[%parallel_loop3A_671, %parallel_loop3A_672, %parallel_loop3A_673] {strides = array<i32>} : memref<2x40x1024xf32, #tpu.memory_space<vmem>>, vector<1x1x16xf32>,
        %parallel_loop3A_675 = vector.shape_cast %parallel_loop3A_674 : vector<1x1x16xf32> to vector<16xf32>
        %parallel_loop3A_676 = arith.constant 24 : i32
        %parallel_loop3A_677 = arith.addi %sub3A_220, %parallel_loop3A_676 : i32
        %parallel_loop3A_678 = arith.constant 3 : i32
        %parallel_loop3A_679 = arith.addi %parallel_loop3A_677, %parallel_loop3A_678 : i32
        %parallel_loop3A_680 = arith.constant 1 : i32
        %parallel_loop3A_681 = arith.index_cast %parallel_loop3A_680 : i32 to index
        %parallel_loop3A_682 = arith.index_cast %parallel_loop3A_679 : i32 to index
        %parallel_loop3A_683 = arith.index_cast %parallel_loop3A_254 : i32 to index
        %parallel_loop3A_684 = tpu.vector_load %arg4[%parallel_loop3A_681, %parallel_loop3A_682, %parallel_loop3A_683] {strides = array<i32>} : memref<2x40x1024xf32, #tpu.memory_space<vmem>>, vector<1x1x16xf32>,
        %parallel_loop3A_685 = vector.shape_cast %parallel_loop3A_684 : vector<1x1x16xf32> to vector<16xf32>
        %parallel_loop3A_686 = arith.addf %parallel_loop3A_675, %parallel_loop3A_685 : vector<16xf32>
        %parallel_loop3A_687 = arith.addf %parallel_loop3A_653, %parallel_loop3A_686 : vector<16xf32>
        %parallel_loop3A_688 = arith.constant 2.500000e-01 : f32
        %parallel_loop3A_689 = vector.broadcast %parallel_loop3A_688 : f32 to vector<16xf32>
        %parallel_loop3A_690 = arith.mulf %parallel_loop3A_687, %parallel_loop3A_689 : vector<16xf32>
        %parallel_loop3A_691 = arith.constant 1 : i32
        %parallel_loop3A_692 = arith.constant 12 : i32
        %parallel_loop3A_693 = arith.index_cast %parallel_loop3A_691 : i32 to index
        %parallel_loop3A_694 = arith.index_cast %parallel_loop3A_692 : i32 to index
        %parallel_loop3A_695 = arith.index_cast %parallel_loop3A_254 : i32 to index
        %parallel_loop3A_696 = tpu.vector_load %arg5[%parallel_loop3A_693, %parallel_loop3A_694, %parallel_loop3A_695] {strides = array<i32>} : memref<2x16x1024xf32, #tpu.memory_space<vmem>>, vector<1x1x16xf32>,
        %parallel_loop3A_697 = vector.shape_cast %parallel_loop3A_696 : vector<1x1x16xf32> to vector<16xf32>
        %parallel_loop3A_698 = vector.shape_cast %parallel_loop3A_690 : vector<16xf32> to vector<1x1x16xf32>
        tpu.vector_store %arg5[%parallel_loop3A_693, %parallel_loop3A_694, %parallel_loop3A_695], %parallel_loop3A_698 {strides = array<i32>} : memref<2x16x1024xf32, #tpu.memory_space<vmem>>, vector<1x1x16xf32>,
        %parallel_loop3A_699 = arith.constant 26 : i32
        %parallel_loop3A_700 = arith.addi %sub3A_220, %parallel_loop3A_699 : i32
        %parallel_loop3A_701 = arith.constant 2 : i32
        %parallel_loop3A_702 = arith.addi %parallel_loop3A_700, %parallel_loop3A_701 : i32
        %parallel_loop3A_703 = arith.constant 1 : i32
        %parallel_loop3A_704 = arith.index_cast %parallel_loop3A_703 : i32 to index
        %parallel_loop3A_705 = arith.index_cast %parallel_loop3A_702 : i32 to index
        %parallel_loop3A_706 = arith.index_cast %parallel_loop3A_254 : i32 to index
        %parallel_loop3A_707 = tpu.vector_load %arg4[%parallel_loop3A_704, %parallel_loop3A_705, %parallel_loop3A_706] {strides = array<i32>} : memref<2x40x1024xf32, #tpu.memory_space<vmem>>, vector<1x1x16xf32>,
        %parallel_loop3A_708 = vector.shape_cast %parallel_loop3A_707 : vector<1x1x16xf32> to vector<16xf32>
        %parallel_loop3A_709 = arith.constant 26 : i32
        %parallel_loop3A_710 = arith.addi %sub3A_220, %parallel_loop3A_709 : i32
        %parallel_loop3A_711 = arith.constant 3 : i32
        %parallel_loop3A_712 = arith.addi %parallel_loop3A_710, %parallel_loop3A_711 : i32
        %parallel_loop3A_713 = arith.constant 1 : i32
        %parallel_loop3A_714 = arith.index_cast %parallel_loop3A_713 : i32 to index
        %parallel_loop3A_715 = arith.index_cast %parallel_loop3A_712 : i32 to index
        %parallel_loop3A_716 = arith.index_cast %parallel_loop3A_254 : i32 to index
        %parallel_loop3A_717 = tpu.vector_load %arg4[%parallel_loop3A_714, %parallel_loop3A_715, %parallel_loop3A_716] {strides = array<i32>} : memref<2x40x1024xf32, #tpu.memory_space<vmem>>, vector<1x1x16xf32>,
        %parallel_loop3A_718 = vector.shape_cast %parallel_loop3A_717 : vector<1x1x16xf32> to vector<16xf32>
        %parallel_loop3A_719 = arith.addf %parallel_loop3A_708, %parallel_loop3A_718 : vector<16xf32>
        %parallel_loop3A_720 = arith.addf %parallel_loop3A_686, %parallel_loop3A_719 : vector<16xf32>
        %parallel_loop3A_721 = arith.constant 2.500000e-01 : f32
        %parallel_loop3A_722 = vector.broadcast %parallel_loop3A_721 : f32 to vector<16xf32>
        %parallel_loop3A_723 = arith.mulf %parallel_loop3A_720, %parallel_loop3A_722 : vector<16xf32>
        %parallel_loop3A_724 = arith.constant 1 : i32
        %parallel_loop3A_725 = arith.constant 13 : i32
        %parallel_loop3A_726 = arith.index_cast %parallel_loop3A_724 : i32 to index
        %parallel_loop3A_727 = arith.index_cast %parallel_loop3A_725 : i32 to index
        %parallel_loop3A_728 = arith.index_cast %parallel_loop3A_254 : i32 to index
        %parallel_loop3A_729 = tpu.vector_load %arg5[%parallel_loop3A_726, %parallel_loop3A_727, %parallel_loop3A_728] {strides = array<i32>} : memref<2x16x1024xf32, #tpu.memory_space<vmem>>, vector<1x1x16xf32>,
        %parallel_loop3A_730 = vector.shape_cast %parallel_loop3A_729 : vector<1x1x16xf32> to vector<16xf32>
        %parallel_loop3A_731 = vector.shape_cast %parallel_loop3A_723 : vector<16xf32> to vector<1x1x16xf32>
        tpu.vector_store %arg5[%parallel_loop3A_726, %parallel_loop3A_727, %parallel_loop3A_728], %parallel_loop3A_731 {strides = array<i32>} : memref<2x16x1024xf32, #tpu.memory_space<vmem>>, vector<1x1x16xf32>,
        %parallel_loop3A_732 = arith.constant 28 : i32
        %parallel_loop3A_733 = arith.addi %sub3A_220, %parallel_loop3A_732 : i32
        %parallel_loop3A_734 = arith.constant 2 : i32
        %parallel_loop3A_735 = arith.addi %parallel_loop3A_733, %parallel_loop3A_734 : i32
        %parallel_loop3A_736 = arith.constant 1 : i32
        %parallel_loop3A_737 = arith.index_cast %parallel_loop3A_736 : i32 to index
        %parallel_loop3A_738 = arith.index_cast %parallel_loop3A_735 : i32 to index
        %parallel_loop3A_739 = arith.index_cast %parallel_loop3A_254 : i32 to index
        %parallel_loop3A_740 = tpu.vector_load %arg4[%parallel_loop3A_737, %parallel_loop3A_738, %parallel_loop3A_739] {strides = array<i32>} : memref<2x40x1024xf32, #tpu.memory_space<vmem>>, vector<1x1x16xf32>,
        %parallel_loop3A_741 = vector.shape_cast %parallel_loop3A_740 : vector<1x1x16xf32> to vector<16xf32>
        %parallel_loop3A_742 = arith.constant 28 : i32
        %parallel_loop3A_743 = arith.addi %sub3A_220, %parallel_loop3A_742 : i32
        %parallel_loop3A_744 = arith.constant 3 : i32
        %parallel_loop3A_745 = arith.addi %parallel_loop3A_743, %parallel_loop3A_744 : i32
        %parallel_loop3A_746 = arith.constant 1 : i32
        %parallel_loop3A_747 = arith.index_cast %parallel_loop3A_746 : i32 to index
        %parallel_loop3A_748 = arith.index_cast %parallel_loop3A_745 : i32 to index
        %parallel_loop3A_749 = arith.index_cast %parallel_loop3A_254 : i32 to index
        %parallel_loop3A_750 = tpu.vector_load %arg4[%parallel_loop3A_747, %parallel_loop3A_748, %parallel_loop3A_749] {strides = array<i32>} : memref<2x40x1024xf32, #tpu.memory_space<vmem>>, vector<1x1x16xf32>,
        %parallel_loop3A_751 = vector.shape_cast %parallel_loop3A_750 : vector<1x1x16xf32> to vector<16xf32>
        %parallel_loop3A_752 = arith.addf %parallel_loop3A_741, %parallel_loop3A_751 : vector<16xf32>
        %parallel_loop3A_753 = arith.addf %parallel_loop3A_719, %parallel_loop3A_752 : vector<16xf32>
        %parallel_loop3A_754 = arith.constant 2.500000e-01 : f32
        %parallel_loop3A_755 = vector.broadcast %parallel_loop3A_754 : f32 to vector<16xf32>
        %parallel_loop3A_756 = arith.mulf %parallel_loop3A_753, %parallel_loop3A_755 : vector<16xf32>
        %parallel_loop3A_757 = arith.constant 1 : i32
        %parallel_loop3A_758 = arith.constant 14 : i32
        %parallel_loop3A_759 = arith.index_cast %parallel_loop3A_757 : i32 to index
        %parallel_loop3A_760 = arith.index_cast %parallel_loop3A_758 : i32 to index
        %parallel_loop3A_761 = arith.index_cast %parallel_loop3A_254 : i32 to index
        %parallel_loop3A_762 = tpu.vector_load %arg5[%parallel_loop3A_759, %parallel_loop3A_760, %parallel_loop3A_761] {strides = array<i32>} : memref<2x16x1024xf32, #tpu.memory_space<vmem>>, vector<1x1x16xf32>,
        %parallel_loop3A_763 = vector.shape_cast %parallel_loop3A_762 : vector<1x1x16xf32> to vector<16xf32>
        %parallel_loop3A_764 = vector.shape_cast %parallel_loop3A_756 : vector<16xf32> to vector<1x1x16xf32>
        tpu.vector_store %arg5[%parallel_loop3A_759, %parallel_loop3A_760, %parallel_loop3A_761], %parallel_loop3A_764 {strides = array<i32>} : memref<2x16x1024xf32, #tpu.memory_space<vmem>>, vector<1x1x16xf32>,
        %parallel_loop3A_765 = arith.constant 30 : i32
        %parallel_loop3A_766 = arith.addi %sub3A_220, %parallel_loop3A_765 : i32
        %parallel_loop3A_767 = arith.constant 2 : i32
        %parallel_loop3A_768 = arith.addi %parallel_loop3A_766, %parallel_loop3A_767 : i32
        %parallel_loop3A_769 = arith.constant 1 : i32
        %parallel_loop3A_770 = arith.index_cast %parallel_loop3A_769 : i32 to index
        %parallel_loop3A_771 = arith.index_cast %parallel_loop3A_768 : i32 to index
        %parallel_loop3A_772 = arith.index_cast %parallel_loop3A_254 : i32 to index
        %parallel_loop3A_773 = tpu.vector_load %arg4[%parallel_loop3A_770, %parallel_loop3A_771, %parallel_loop3A_772] {strides = array<i32>} : memref<2x40x1024xf32, #tpu.memory_space<vmem>>, vector<1x1x16xf32>,
        %parallel_loop3A_774 = vector.shape_cast %parallel_loop3A_773 : vector<1x1x16xf32> to vector<16xf32>
        %parallel_loop3A_775 = arith.constant 30 : i32
        %parallel_loop3A_776 = arith.addi %sub3A_220, %parallel_loop3A_775 : i32
        %parallel_loop3A_777 = arith.constant 3 : i32
        %parallel_loop3A_778 = arith.addi %parallel_loop3A_776, %parallel_loop3A_777 : i32
        %parallel_loop3A_779 = arith.constant 1 : i32
        %parallel_loop3A_780 = arith.index_cast %parallel_loop3A_779 : i32 to index
        %parallel_loop3A_781 = arith.index_cast %parallel_loop3A_778 : i32 to index
        %parallel_loop3A_782 = arith.index_cast %parallel_loop3A_254 : i32 to index
        %parallel_loop3A_783 = tpu.vector_load %arg4[%parallel_loop3A_780, %parallel_loop3A_781, %parallel_loop3A_782] {strides = array<i32>} : memref<2x40x1024xf32, #tpu.memory_space<vmem>>, vector<1x1x16xf32>,
        %parallel_loop3A_784 = vector.shape_cast %parallel_loop3A_783 : vector<1x1x16xf32> to vector<16xf32>
        %parallel_loop3A_785 = arith.addf %parallel_loop3A_774, %parallel_loop3A_784 : vector<16xf32>
        %parallel_loop3A_786 = arith.addf %parallel_loop3A_752, %parallel_loop3A_785 : vector<16xf32>
        %parallel_loop3A_787 = arith.constant 2.500000e-01 : f32
        %parallel_loop3A_788 = vector.broadcast %parallel_loop3A_787 : f32 to vector<16xf32>
        %parallel_loop3A_789 = arith.mulf %parallel_loop3A_786, %parallel_loop3A_788 : vector<16xf32>
        %parallel_loop3A_790 = arith.constant 1 : i32
        %parallel_loop3A_791 = arith.constant 15 : i32
        %parallel_loop3A_792 = arith.index_cast %parallel_loop3A_790 : i32 to index
        %parallel_loop3A_793 = arith.index_cast %parallel_loop3A_791 : i32 to index
        %parallel_loop3A_794 = arith.index_cast %parallel_loop3A_254 : i32 to index
        %parallel_loop3A_795 = tpu.vector_load %arg5[%parallel_loop3A_792, %parallel_loop3A_793, %parallel_loop3A_794] {strides = array<i32>} : memref<2x16x1024xf32, #tpu.memory_space<vmem>>, vector<1x1x16xf32>,
        %parallel_loop3A_796 = vector.shape_cast %parallel_loop3A_795 : vector<1x1x16xf32> to vector<16xf32>
        %parallel_loop3A_797 = vector.shape_cast %parallel_loop3A_789 : vector<16xf32> to vector<1x1x16xf32>
        tpu.vector_store %arg5[%parallel_loop3A_792, %parallel_loop3A_793, %parallel_loop3A_794], %parallel_loop3A_797 {strides = array<i32>} : memref<2x16x1024xf32, #tpu.memory_space<vmem>>, vector<1x1x16xf32>,
      } {sc.loop_unroll_factor = 1 : i64, sc.parallel_access}
      %add3A_224 = arith.constant 2 : i32
      %add3A_225 = arith.addi %add3A_181, %add3A_224 : i32
      %lt3A_226 = arith.constant 8 : i32
      %lt3A_227 = arith.cmpi slt, %add3A_225, %lt3A_226 : i32
      %convert_element_type3A_228 = arith.extui %lt3A_227 : i1 to i32
      %cond3A_229 = arith.constant 0 : i32
      %cond3A_230 = arith.cmpi ne, %convert_element_type3A_228, %cond3A_229 : i32
      scf.if %cond3A_230 {
        %add3A_254 = arith.constant 2 : i32
        %add3A_255 = arith.addi %add3A_181, %add3A_254 : i32
        %mul3A_256 = arith.constant 1024 : i32
        %mul3A_257 = arith.muli %select_n3A, %mul3A_256 : i32
        %mul3A_258 = arith.constant 16 : i32
        %mul3A_259 = arith.muli %add3A_255, %mul3A_258 : i32
        %add3A_260 = arith.addi %mul3A_32, %mul3A_259 : i32
        %min3A_261 = arith.constant 495 : i32
        %min3A_262 = arith.minsi %add3A_260, %min3A_261 : i32
        %mul3A_263 = arith.constant 2 : i32
        %mul3A_264 = arith.muli %mul3A_263, %min3A_262 : i32
        %min3A_265 = arith.constant 984 : i32
        %min3A_266 = arith.minsi %mul3A_264, %min3A_265 : i32
        %add3A_267 = arith.addi %mul3A_257, %min3A_266 : i32
        %multiple_of3A_268 = tpu.assume_multiple %add3A_267, 8 : i32
        %dma_start3A_269 = arith.constant 1 : i32
        %dma_start3A_270 = arith.constant 0 : i32
        %dma_start3A_271 = arith.constant 0 : i32
        %dma_start3A_272 = tpu.memref_slice %arg4[%dma_start3A_269, %dma_start3A_270, %dma_start3A_271] : memref<2x40x1024xf32, #tpu.memory_space<vmem>> -> memref<1x40x1024xf32, #tpu.memory_space<vmem>>
        %dma_start3A_273 = tpu.memref_squeeze %dma_start3A_272 : memref<1x40x1024xf32, #tpu.memory_space<vmem>> -> memref<40x1024xf32, #tpu.memory_space<vmem>>
        %dma_start3A_274 = arith.constant 0 : i32
        %dma_start3A_275 = tpu.memref_slice %arg2[%multiple_of3A_268, %dma_start3A_274] : memref<8192x1024xf32, #tpu.memory_space<hbm>> -> memref<40x1024xf32, #tpu.memory_space<hbm>>
        %dma_start3A_276 = arith.constant 0 : i32
        %dma_start3A_277 = arith.constant 0 : i32
        %dma_start3A_278 = tpu.memref_slice %arg4[%dma_start3A_269, %dma_start3A_276, %dma_start3A_277] : memref<2x40x1024xf32, #tpu.memory_space<vmem>> -> memref<1x40x1024xf32, #tpu.memory_space<vmem>>
        %dma_start3A_279 = tpu.memref_squeeze %dma_start3A_278 : memref<1x40x1024xf32, #tpu.memory_space<vmem>> -> memref<40x1024xf32, #tpu.memory_space<vmem>>
        %dma_start3A_280 = arith.constant 0 : i32
        %dma_start3A_281 = tpu.memref_slice %arg2[%multiple_of3A_268, %dma_start3A_280] : memref<8192x1024xf32, #tpu.memory_space<hbm>> -> memref<40x1024xf32, #tpu.memory_space<hbm>>
        tpu.enqueue_dma source(%dma_start3A_281 : memref<40x1024xf32, #tpu.memory_space<hbm>>) target(%dma_start3A_279 : memref<40x1024xf32, #tpu.memory_space<vmem>>) target_semaphore(%arg8 : memref<!tpu.dma_semaphore, #tpu.memory_space<semaphore_mem>>)
      } else {
      }
      %mul3A_231 = arith.constant 511 : i32
      %mul3A_232 = arith.muli %select_n3A, %mul3A_231 : i32
      %add3A_233 = arith.addi %mul3A_232, %min3A_208 : i32
      %add3A_234 = vector.broadcast %add3A_233 : i32 to vector<16xi32>
      %add3A_235 = arith.addi %add3A_234, %iota3A : vector<16xi32>
      %swap3A_236 = arith.constant 1 : i32
      %swap3A_237 = arith.index_cast %swap3A_236 : i32 to index
      %swap3A_238 = arith.constant 0 : index
      %swap3A_239 = tpu.vector_load %arg6[%swap3A_237, %swap3A_238] {strides = array<i32>} : memref<2x16xi32, #tpu.memory_space<vmem>>, vector<1x16xi32>,
      %swap3A_240 = vector.shape_cast %swap3A_239 : vector<1x16xi32> to vector<16xi32>
      %swap3A_241 = vector.shape_cast %add3A_235 : vector<16xi32> to vector<1x16xi32>
      tpu.vector_store %arg6[%swap3A_237, %swap3A_238], %swap3A_241 {strides = array<i32>} : memref<2x16xi32, #tpu.memory_space<vmem>>, vector<1x16xi32>,
      %dma_start3A_242 = arith.constant 1 : i32
      %dma_start3A_243 = arith.constant 1 : i32
      %dma_start3A_244 = arith.constant 0 : i32
      %dma_start3A_245 = arith.constant 0 : i32
      %dma_start3A_246 = tpu.memref_slice %arg5[%dma_start3A_242, %dma_start3A_244, %dma_start3A_245] : memref<2x16x1024xf32, #tpu.memory_space<vmem>> -> memref<1x16x1024xf32, #tpu.memory_space<vmem>>
      %dma_start3A_247 = tpu.memref_squeeze %dma_start3A_246 : memref<1x16x1024xf32, #tpu.memory_space<vmem>> -> memref<16x1024xf32, #tpu.memory_space<vmem>>
      %dma_start3A_248 = arith.constant 0 : i32
      %dma_start3A_249 = tpu.memref_slice %arg6[%dma_start3A_243, %dma_start3A_248] : memref<2x16xi32, #tpu.memory_space<vmem>> -> memref<1x16xi32, #tpu.memory_space<vmem>>
      %dma_start3A_250 = tpu.memref_squeeze %dma_start3A_249 : memref<1x16xi32, #tpu.memory_space<vmem>> -> memref<16xi32, #tpu.memory_space<vmem>>
      %dma_start3A_251 = arith.constant 0 : i32
      %dma_start3A_252 = arith.constant 0 : i32
      %dma_start3A_253 = tpu.memref_slice %arg3[%dma_start3A_251, %dma_start3A_252] : memref<4088x1024xf32, #tpu.memory_space<hbm>> -> memref<4088x1024xf32, #tpu.memory_space<hbm>>
      tpu.enqueue_indirect_dma source(%dma_start3A_247 : memref<16x1024xf32, #tpu.memory_space<vmem>>) target(%dma_start3A_253 : memref<4088x1024xf32, #tpu.memory_space<hbm>>) offsets(%dma_start3A_250 : memref<16xi32, #tpu.memory_space<vmem>>) semaphore(%arg10 : memref<!tpu.dma_semaphore, #tpu.memory_space<semaphore_mem>>)
    }
    %scan3A_84 = arith.constant 4 : i32
    %dma_wait3A = arith.constant 0 : i32
    %dma_wait3A_85 = arith.constant 0 : i32
    %dma_wait3A_86 = arith.constant 0 : i32
    %dma_wait3A_87 = arith.constant 0 : i32
    %dma_wait3A_88 = tpu.memref_slice %arg5[%dma_wait3A, %dma_wait3A_86, %dma_wait3A_87] : memref<2x16x1024xf32, #tpu.memory_space<vmem>> -> memref<1x16x1024xf32, #tpu.memory_space<vmem>>
    %dma_wait3A_89 = tpu.memref_squeeze %dma_wait3A_88 : memref<1x16x1024xf32, #tpu.memory_space<vmem>> -> memref<16x1024xf32, #tpu.memory_space<vmem>>
    %dma_wait3A_90 = arith.constant 0 : i32
    %dma_wait3A_91 = tpu.memref_slice %arg6[%dma_wait3A_85, %dma_wait3A_90] : memref<2x16xi32, #tpu.memory_space<vmem>> -> memref<1x16xi32, #tpu.memory_space<vmem>>
    %dma_wait3A_92 = tpu.memref_squeeze %dma_wait3A_91 : memref<1x16xi32, #tpu.memory_space<vmem>> -> memref<16xi32, #tpu.memory_space<vmem>>
    %dma_wait3A_93 = arith.constant 0 : i32
    %dma_wait3A_94 = arith.constant 0 : i32
    %dma_wait3A_95 = tpu.memref_slice %arg3[%dma_wait3A_93, %dma_wait3A_94] : memref<4088x1024xf32, #tpu.memory_space<hbm>> -> memref<4088x1024xf32, #tpu.memory_space<hbm>>
    tpu.wait_indirect_dma semaphore(%arg9 : memref<!tpu.dma_semaphore, #tpu.memory_space<semaphore_mem>>) src(%dma_wait3A_89 : memref<16x1024xf32, #tpu.memory_space<vmem>>) dst(%dma_wait3A_95 : memref<4088x1024xf32, #tpu.memory_space<hbm>>)
    %dma_wait3A_96 = arith.constant 1 : i32
    %dma_wait3A_97 = arith.constant 1 : i32
    %dma_wait3A_98 = arith.constant 0 : i32
    %dma_wait3A_99 = arith.constant 0 : i32
    %dma_wait3A_100 = tpu.memref_slice %arg5[%dma_wait3A_96, %dma_wait3A_98, %dma_wait3A_99] : memref<2x16x1024xf32, #tpu.memory_space<vmem>> -> memref<1x16x1024xf32, #tpu.memory_space<vmem>>
    %dma_wait3A_101 = tpu.memref_squeeze %dma_wait3A_100 : memref<1x16x1024xf32, #tpu.memory_space<vmem>> -> memref<16x1024xf32, #tpu.memory_space<vmem>>
    %dma_wait3A_102 = arith.constant 0 : i32
    %dma_wait3A_103 = tpu.memref_slice %arg6[%dma_wait3A_97, %dma_wait3A_102] : memref<2x16xi32, #tpu.memory_space<vmem>> -> memref<1x16xi32, #tpu.memory_space<vmem>>
    %dma_wait3A_104 = tpu.memref_squeeze %dma_wait3A_103 : memref<1x16xi32, #tpu.memory_space<vmem>> -> memref<16xi32, #tpu.memory_space<vmem>>
    %dma_wait3A_105 = arith.constant 0 : i32
    %dma_wait3A_106 = arith.constant 0 : i32
    %dma_wait3A_107 = tpu.memref_slice %arg3[%dma_wait3A_105, %dma_wait3A_106] : memref<4088x1024xf32, #tpu.memory_space<hbm>> -> memref<4088x1024xf32, #tpu.memory_space<hbm>>
    tpu.wait_indirect_dma semaphore(%arg10 : memref<!tpu.dma_semaphore, #tpu.memory_space<semaphore_mem>>) src(%dma_wait3A_101 : memref<16x1024xf32, #tpu.memory_space<vmem>>) dst(%dma_wait3A_107 : memref<4088x1024xf32, #tpu.memory_space<hbm>>)
    return
  }
}

</mosaic_0001>

<sc_bundles>
// kernel: kernel.3.cloned.1.call-start
scs
__scs_entry_jumppad:
0x0: {  	(pc) =	sbr.rel $0x88, $3  }
0x1: {  	(tag) =	ssettag $0x0;
	lr =	simm.s32 $0x1  }
0x2: {  	[smem:$0x3FA0] =	sst lr;
	_ =	strace $0xD0000000  }
0x3: {  	_ = 	snop  }
0x4: {  	_ = 	snop  }
0x5: {  	_ = 	snop  }
0x6: {  	_ = 	snop  }
0x7: {  	_ = 	snop  }
__scs_overlays_trampoline_lowered:
0x8: {  	[smem:$0x3FAF] =	sst s0  }
0x9: {  	[smem:$0x3FB0] =	sst s1  }
0xa: {  	[smem:$0x3FB1] =	sst s2  }
0xb: {  	[smem:$0x3FB2] =	sst s3  }
0xc: {  	[smem:$0x3FB3] =	sst s4  }
0xd: {  	[smem:$0x3FB4] =	sst s5  }
0xe: {  	[smem:$0x3FB5] =	sst s6  }
0xf: {  	[smem:$0x3FB6] =	sst s7  }
0x10: {  	[smem:$0x3FB7] =	sst s8  }
0x11: {  	[smem:$0x3FB8] =	sst s9;
	s0 =	simm.s32 @!p0 $0x0  }
0x12: {  	s1 =	sld [smem:$0x3F9E];
	s0 =	simm.s32 @p0 $0x1  }
0x13: {  	[smem:$0x3FB9] =	sst s0;
	s0 =	simm.s32 @!p1 $0x0  }
0x14: {  	s2 =	sld [smem:$0x3F9D];
	s0 =	simm.s32 @p1 $0x1  }
0x15: {  	[smem:$0x3FBA] =	sst s0;
	s0 =	simm.s32 @!p2 $0x0  }
0x16: {  	s3 =	sld [smem:$0x3FDB];
	s0 =	simm.s32 @p2 $0x1  }
0x17: {  	s4 =	simm.s32 $0x1BF5;
	[smem:$0x3FBC] =	sst s0  }
0x18: {  	s0 =	sld [smem:$0x3F9F];
	_ =	swait.ge [sflag:s4], $0x0  }
0x19: {  	s7 =	sld [smem:$0x3FA0]  }
0x1a: {  	s8 =	sadd.s32 $0xFFFFE003, lr  }
0x1b: {  	s9 =	sadd.s32 $0xFFFFFEF7, lr;
	s5 =	simm.s32 $0xFFFFFFFF;
	p2 =	slt.u32 s8, $0xFFFFF086  }
0x1c: {  	p1 =	slt.u32 s9, $0xF7A;
	s5 =	simm.s32 @!p2 $0x0  }
0x1d: {  	s5 =	simm.s32 @p1 $0x1;
	p0 =	seq.s32 s7, s2  }
0x1e: {  	s7 =	smul.u32 @!p0 $0xF7A, s2;
	p2 =	seq.s32 @!p0 s5, $0x0  }
0x1f: {  	s9 =	smul.u32 $0xF7A, s1;
	s8 =	simm.s32 @!p0 $0x1BF5;
	p2 =	por !p2, p0  }
0x20: {  	[sflag:s8] =	ssyncset.s32 @!p0 $0xFFFFF086;
	s6 =	sadd.s32 @!p0 s3, s7;
	s7 =	simm.s32 @!p0 $0x108  }
0x21: {  	s3 =	sadd.s32 s3, s9;
	s6 =	sadd.s32 @!p0 $0x88, s6;
	s7 =	simm.s32 @p2 $0x1082  }
0x22: {  	[simem:s7], [sflag:s8] =	dma.local @!p0 [hbm:s6], $0xF7A  }
0x23: {  	s9 =	sor.u32 $0xD0000000, s2;
	s6 =	simm.s32 $0x108;
	_ =	swait.ge @!p0 [sflag:s8], $0x0  }
0x24: {  	s3 =	sadd.s32 $0x88, s3;
	s6 =	simm.s32 @!p1 $0x1082;
	[sflag:s4] =	ssyncset.s32 $0xFFFFF086  }
0x25: {  	[simem:s6], [sflag:s4] =	dma.local [hbm:s3], $0xF7A  }
0x26: {  	[smem:$0x3FA0] =	sst s1;
	(tag) =	ssettag s2;
	_ =	strace s9  }
0x27: {  	s1 =	sld [smem:$0x3FB0]  }
0x28: {  	s2 =	sld [smem:$0x3FB1]  }
0x29: {  	s4 =	sld [smem:$0x3FB3]  }
0x2a: {  	p0 =	seq.s32 s5, $0x0;
	s5 =	sld [smem:$0x3FB4]  }
0x2b: {  	s6 =	sld [smem:$0x3FB5]  }
0x2c: {  	s7 =	sld [smem:$0x3FB6]  }
0x2d: {  	s3 =	simm.s32 $0x108;
	s8 =	sld [smem:$0x3FB7]  }
0x2e: {  	s3 =	simm.s32 @!p0 $0x1082;
	s9 =	sld [smem:$0x3FB8]  }
0x2f: {  	lr =	sadd.s32 s0, s3;
	s0 =	sld [smem:$0x3FAF]  }
0x30: {  	s3 =	sld [smem:$0x3FB2]  }
0x31: {  	[smem:$0x3FBB] =	sst s10  }
0x32: {  	s10 =	sld [smem:$0x3FB9];
	_ =	sdelay $0x3  }
0x33: {  	p0 =	seq.s32 s10, $0x1;
	s10 =	sld [smem:$0x3FBB];
	_ =	sdelay $0x3  }
0x34: {  	[smem:$0x3FBB] =	sst s10  }
0x35: {  	s10 =	sld [smem:$0x3FBA];
	_ =	sdelay $0x3  }
0x36: {  	p1 =	seq.s32 s10, $0x1;
	s10 =	sld [smem:$0x3FBB];
	_ =	sdelay $0x3  }
0x37: {  	[smem:$0x3FBB] =	sst s10  }
0x38: {  	s10 =	sld [smem:$0x3FBC]  }
0x39: {  	_ = 	snop;
	(pc) =	sbr.ind lr, $3  }
0x3a: {  	_ = 	snop  }
0x3b: {  	_ = 	snop  }
0x3c: {  	p2 =	seq.s32 s10, $0x1;
	s10 =	sld [smem:$0x3FBB]  }
0x3d: {  	_ =	shalt  }
0x3e: {  	_ =	shalt  }
0x3f: {  	_ =	shalt  }
0x40: {  	_ =	shalt  }
0x41: {  	_ =	shalt  }
0x42: {  	_ =	shalt  }
0x43: {  	_ =	shalt  }
0x44: {  	_ =	shalt  }
0x45: {  	_ =	shalt  }
0x46: {  	_ =	shalt  }
0x47: {  	_ =	shalt  }
0x48: {  	_ =	shalt  }
0x49: {  	_ =	shalt  }
0x4a: {  	_ =	shalt  }
0x4b: {  	_ =	shalt  }
0x4c: {  	_ =	shalt  }
0x4d: {  	_ =	shalt  }
0x4e: {  	_ =	shalt  }
0x4f: {  	_ =	shalt  }
0x50: {  	_ =	shalt  }
0x51: {  	_ =	shalt  }
0x52: {  	_ =	shalt  }
0x53: {  	_ =	shalt  }
0x54: {  	_ =	shalt  }
0x55: {  	_ =	shalt  }
0x56: {  	_ =	shalt  }
0x57: {  	_ =	shalt  }
0x58: {  	_ =	shalt  }
0x59: {  	_ =	shalt  }
0x5a: {  	_ =	shalt  }
0x5b: {  	_ =	shalt  }
0x5c: {  	_ =	shalt  }
0x5d: {  	_ =	shalt  }
0x5e: {  	_ =	shalt  }
0x5f: {  	_ =	shalt  }
0x60: {  	_ =	shalt  }
0x61: {  	_ =	shalt  }
0x62: {  	_ =	shalt  }
0x63: {  	_ =	shalt  }
0x64: {  	_ =	shalt  }
0x65: {  	_ =	shalt  }
0x66: {  	_ =	shalt  }
0x67: {  	_ =	shalt  }
0x68: {  	_ =	shalt  }
0x69: {  	_ =	shalt  }
0x6a: {  	_ =	shalt  }
0x6b: {  	_ =	shalt  }
0x6c: {  	_ =	shalt  }
0x6d: {  	_ =	shalt  }
0x6e: {  	_ =	shalt  }
0x6f: {  	_ =	shalt  }
0x70: {  	_ =	shalt  }
0x71: {  	_ =	shalt  }
0x72: {  	_ =	shalt  }
0x73: {  	_ =	shalt  }
0x74: {  	_ =	shalt  }
0x75: {  	_ =	shalt  }
0x76: {  	_ =	shalt  }
0x77: {  	_ =	shalt  }
0x78: {  	_ =	shalt  }
0x79: {  	_ =	shalt  }
0x7a: {  	_ =	shalt  }
0x7b: {  	_ =	shalt  }
0x7c: {  	_ =	shalt  }
0x7d: {  	_ =	shalt  }
0x7e: {  	_ =	shalt  }
0x7f: {  	_ =	shalt  }
0x80: {  	_ =	shalt  }
0x81: {  	_ =	shalt  }
0x82: {  	_ =	shalt  }
0x83: {  	_ =	shalt  }
0x84: {  	_ =	shalt  }
0x85: {  	_ =	shalt  }
0x86: {  	_ =	shalt  }
0x87: {  	_ =	shalt  }
.Lfunc_end0:
.L_simem_size_0:
called_computation_lowered:
.L_overlay_start_0:
0x88: {  	s2 =	sld [smem:$0x3FD9]  }
0x89: {  	s3 =	sld [smem:$0x3FFE];
	_ =	sdelay $0x1  }
0x8a: {  	s1 =	srdreg.scid  }
0x8b: {  	s0 =	sand.u32 $0x1, s1  }
0x8c: {  	s18 =	sshll.u32 s0, $0xA;
	s2 =	sadd.s32 s3, s2  }
0x8d: {  	s2 =	sadd.s32 s2, s18  }
0x8e: {  	[smem:$0x3FC7] =	sst s2  }
0x8f: {  	_ = 	snop  }
0x90: {  	s2 =	sld [smem:$0x3FC9]  }
0x91: {  	s19 =	sld [smem:$0x3FD0];
	(tm) =	ssettm $0x1  }
0x92: {  	s4 =	sld [smem:$0x3FFB];
	_ =	sdelay $0x3  }
0x93: {  	_ =	strace s4  }
0x94: {  	s4 =	sld [smem:$0x3FFC];
	_ =	sdelay $0x3  }
0x95: {  	_ =	strace s4  }
0x96: {  	s4 =	sld [smem:$0x3FFD];
	_ =	sdelay $0x3  }
0x97: {  	_ =	strace s4  }
0x98: {  	_ =	strace $0x8FFFFFFF  }
0x99: {  	s20 =	sld [smem:$0x3FDB];
	_ =	sdelay $0x1  }
0x9a: {  	s5 =	simm.s32 $_scs_section_size  }
0x9b: {  	s6 =	simm.s32 $_size__tile_overlayer_lowered;
	s7 =	simm.s32 $_tile_overlayer_lowered  }
0x9c: {  	s23 =	simm.s32 $0x1BFF;
	s22 =	sshll.u32 s7, $0x1;
	s4 =	sadd.s32 s5, s20  }
0x9d: {  	s8 =	simm.s32 $0x0;
	s21 =	sshll.u32 s6, $0x1;
	s6 =	sadd.s32 s22, s4  }
0x9e: {  	[timem:s8], [sflag:s23] =	dma.local [hbm:s6], s21  }
0x9f: {  	_ =	swait.ge [sflag:s23], s21  }
0xa0: {  	s5 =	ssub.s32 $0x0, s21;
	[sflag:s23] =	ssyncset.done $0x0  }
0xa1: {  	[sflag:s23] =	ssyncadd.s32 s5;
	_ =	sdelay $0x1  }
0xa2: {  	s24 =	simm.s32 $0x1B8B  }
0xa3: {  	_ =	swait.ge [sflag:s24], $0x1  }
0xa4: {  	[sflag:s24] =	ssyncset.done $0x0  }
0xa5: {  	s25 =	simm.s32 $0x1B8E;
	[sflag:s24] =	ssyncadd.s32 $0xFFFFFFFF  }
0xa6: {  	s26 =	simm.s32 $execute0_lowered;
	[smem:$0x3FD2] =	sst s25  }
0xa7: {  	s5 =	sshll.u32 s26, $0x1;
	_ =	strace $0x80000046;
	[dreg:$0x1] =	wrdreg $0xFFFFFFFF  }
0xa8: {  	s28 =	simm.s32 $_size_execute0_lowered;
	s4 =	sadd.s32 s4, s5;
	[dreg:$0x0] =	wrdreg $0x0  }
0xa9: {  	s5 =	sshll.u32 s28, $0x1;
	[dreg:$0x2] =	wrdreg s4  }
0xaa: {  	[dreg:$0x3] =	wrdreg s5  }
0xab: {  	[dreg:$0x4] =	wrdreg $0xC0  }
0xac: {  	_ =	task [dreg:s8], $0x5FFFF  }
0xad: {  	[dreg:$0x1] =	wrdreg $0xFFFFFFFF  }
0xae: {  	[dreg:$0x0] =	wrdreg $0x60  }
0xaf: {  	[dreg:$0x2] =	wrdreg s2  }
0xb0: {  	[dreg:$0x3] =	wrdreg s19  }
0xb1: {  	[dreg:$0x4] =	wrdreg $0x9  }
0xb2: {  	_ =	task.clear_ibuf [dreg:s8], $0x5FFFF;
	_ =	strace $0x90000046  }
0xb3: {  	s29 =	simm.s32 $0x9;
	_ =	strace $0x80000048  }
0xb4: {  	_ =	swait.ge [sflag:s29], $0x1  }
0xb5: {  	[sflag:s29] =	ssyncadd.s32 $0xFFFFFFFF  }
0xb6: {  	_ =	strace $0x90000048  }
0xb7: {  	_ =	sfence  }
0xb8: {  	s30 =	sld [smem:$0x0];
	_ =	sdelay $0x2  }
0xb9: {  	s31 =	sshll.u32 s1, $0xD;
	s1 =	sshrl.u32 s1, $0x2  }
0xba: {  	s3 =	sand.u32 $0x4000, s31;
	s1 =	sadd.s32 s1, s30  }
0xbb: {  	s0 =	sor.u32 s3, s0;
	s1 =	sshll.u32 s1, $0x11  }
0xbc: {  	s0 =	sor.u32 s1, s0  }
0xbd: {  	s0 =	sadd.s32 $0x8F2B, s0  }
0xbe: {  	[sflag:s0] =	ssyncadd.remote.s32 $0x1  }
0xbf: {  	_ =	sfence.sel $0xFFFF  }
0xc0: {  	[dreg:$0x0] =	wrdreg $0xFFFFFFFF;
	(pc) =	sbr.abs _section_cstart, $3  }
0xc1: {  	[dreg:$0x1] =	wrdreg $0xFFFFFFFF  }
0xc2: {  	_ =	task.clear_ibuf [dreg:s8], $0x2FFFF;
	_ =	strace $0x9FFFFFFF  }
0xc3: {  	(tm) =	ssettm $0x7FFFFFFF  }
tec
execute0_lowered:
.L_overlay_start_1:
0x0: {  	(tag) =	ssettag $0x1  }
0x1: {  	s7 =	rddreg [dreg:$0x0]  }
0x2: {  	s8 =	rddreg [dreg:$0x1];
	s4 =	simm.s32 $0x0;
	s3 =	stileid.u32  }
0x3: {  	s0 =	srdreg.scid;
	[smem:$0x7FF] =	sst s4  }
0x4: {  	s1 =	sshll.u32 s3, $0x1;
	s0 =	sand.u32 $0x1, s0;
	s3 =	sshrl.u32 s3, $0x1  }
0x5: {  	_ =	strace $0x80000047;
	s1 =	sand.u32 $0x2, s1;
	s2 =	ssub.s32 $0x2, s0  }
0x6: {  	s9 =	smul.u32 $0x1FF, s3;
	s10 =	sshll.u32 s3, $0xA;
	s0 =	sor.u32 s0, s1  }
0x7: {  	[smem:$0x7FC] =	sst s10;
	s5 =	sshll.u32 s0, $0xF;
	s0 =	sshll.u32 s0, $0x7  }
0x8: {  	[smem:$0x7F7] =	sst s9;
	s29 =	sor.u32 $0x20, s0  }
0x9: {  	s25 =	sshrl.u32 s2, $0x1;
	s30 =	sadd.s32 s9, s0;
	[smem:$0x7F6] =	sst s29  }
0xa: {  	s1 =	ssub.s32 s2, s25;
	s31 =	sor.u32 $0x30, s0;
	[smem:$0x7F8] =	sst s30  }
0xb: {  	s6 =	sshll.u32 s3, $0x11;
	s1 =	smax.u32 s1, $0x1;
	[smem:$0x7F9] =	sst s31  }
0xc: {  	s26 =	sor.u32 s6, s5;
	s0 =	sor.u32 $0x10, s0;
	[smem:$0x7FA] =	sst s1  }
0xd: {  	s6 =	sadd.s32 s7, s6;
	s9 =	sadd.s32 $0x100, s8;
	[smem:$0x7FB] =	sst s0  }
0xe: {  	v0 =	vlaneseq.u32;
	s2 =	sadd.s32 s26, s7;
	s28 =	sadd.s32 s5, s6;
	[smem:$0x7FD] =	sst s9  }
0xf: {  	vm0 =	vmmov $0xffff;
	s12 =	sadd.s32 $0x200, s8;
	v2 =	vshrl.u32 v0, $0x3;
	[smem:$0x7F4] =	sst s28;
	s2 =	sadd.s32 $0x1000, s2  }
0x10: {  	s13 =	sadd.s32 $0x300, s8;
	v1 =	vand.u32 $0x7, v0;
	v3 =	vor.u32 $0x8, v0;
	v2 =	vmul.u32 $0x8, v2;
	[smem:$0x7F5] =	sst s2;
	s2 =	simm.s32 $0x0  }
.LBB2_1:
0x11: {  	s0 =	sld [smem:$0x7F4];
	_ =	sdelay $0x1  }
0x12: {  	s31 =	sld [smem:$0x7F5]  }
0x13: {  	[tilespmem:s4], [sflag:$0x1] =	stream.linear.gather [hbm4b:s0+s4], $0xA000, $0x38;
	[tilespmem:$0x1C100] =	vst v63  }
0x14: {  	[smem:$0x7F3] =	sst s2;
	s1 =	simm.s32 $0xA000;
	s15 =	simm.s32 $0x0  }
0x15: {  	[tilespmem:s1], [sflag:$0x2] =	stream.linear.gather [hbm4b:s31+s4], $0xA000, $0x38;
	[tilespmem:$0x1C100] =	vst v63  }
.LBB2_2:
0x16: {  	s0 =	simm.s32 $0x1  }
0x17: {  	_ =	swait.ge [sflag:s0], $0xA000  }
0x18: {  	p1 =	seq.s32 s15, $0x0;
	[sflag:s0] =	ssyncset.done $0x0  }
0x19: {  	[sflag:s0] =	ssyncadd.s32 $0xFFFF6000;
	s0 =	simm.s32 @!p1 $0x3  }
0x1a: {  	s1 =	simm.s32 $0x0;
	s2 =	simm.s32 $0x0;
	_ =	swait.ge @!p1 [sflag:s0], $0x4000  }
0x1b: {  	s3 =	sand.u32 $0x70, s2;
	s5 =	sand.u32 $0x1C00, s1;
	[sflag:s0] =	ssyncset.done @!p1 $0x0  }
0x1c: {  	[sflag:s0] =	ssyncadd.s32 @!p1 $0xFFFFC000;
	s0 =	sor.u32 s3, s5  }
0x1d: {  	v4 =	vld [tilespmem:s0+$0x0]  }
0x1e: {  	v5 =	vld [tilespmem:s0+$0x80]  }
0x1f: {  	v6 =	vld [tilespmem:s0+$0x100]  }
0x20: {  	v7 =	vld [tilespmem:s0+$0x180]  }
0x21: {  	v8 =	vld [tilespmem:s0+$0x200]  }
0x22: {  	v9 =	vld [tilespmem:s0+$0x280]  }
0x23: {  	v10 =	vld [tilespmem:s0+$0x300]  }
0x24: {  	v11 =	vld [tilespmem:s0+$0x380]  }
0x25: {  	v12 =	vld [tilespmem:s0+$0x2000]  }
0x26: {  	v13 =	vld [tilespmem:s0+$0x2080]  }
0x27: {  	v14 =	vld [tilespmem:s0+$0x2100]  }
0x28: {  	v15 =	vld [tilespmem:s0+$0x2180]  }
0x29: {  	v16 =	vld [tilespmem:s0+$0x2200]  }
0x2a: {  	v17 =	vld [tilespmem:s0+$0x2280]  }
0x2b: {  	v18 =	vld [tilespmem:s0+$0x2300]  }
0x2c: {  	v4 =	vadd.f32 v5, v4;
	v5 =	vadd.f32 v7, v6;
	v6 =	vld [tilespmem:s0+$0x2380]  }
0x2d: {  	v7 =	vadd.f32 v9, v8;
	v8 =	vld [tilespmem:s0+$0x4000]  }
0x2e: {  	v9 =	vadd.f32 v11, v10;
	v10 =	vld [tilespmem:s0+$0x4080];
	v4 =	vadd.f32 v5, v4  }
0x2f: {  	v11 =	vadd.f32 v13, v12;
	v5 =	vadd.f32 v7, v5  }
0x30: {  	v12 =	vadd.f32 v15, v14;
	v7 =	vadd.f32 v9, v7;
	v4 =	vmul.f32 $2.500000000e-01, v4  }
0x31: {  	v13 =	vadd.f32 v17, v16;
	v9 =	vadd.f32 v11, v9;
	v5 =	vmul.f32 $2.500000000e-01, v5  }
0x32: {  	v6 =	vadd.f32 v6, v18;
	[tilespmem:s0+$0x14000] =	vst v4;
	v4 =	vmul.f32 $2.500000000e-01, v7;
	v7 =	vadd.f32 v12, v11  }
0x33: {  	v8 =	vadd.f32 v10, v8;
	[tilespmem:s0+$0x14080] =	vst v5;
	v5 =	vmul.f32 $2.500000000e-01, v9;
	v9 =	vadd.f32 v13, v12  }
0x34: {  	[tilespmem:s0+$0x14100] =	vst v4;
	v4 =	vmul.f32 $2.500000000e-01, v7;
	v7 =	vadd.f32 v6, v13  }
0x35: {  	[tilespmem:s0+$0x14180] =	vst v5;
	v5 =	vmul.f32 $2.500000000e-01, v9;
	v6 =	vadd.f32 v8, v6  }
0x36: {  	[tilespmem:s0+$0x14200] =	vst v4;
	v4 =	vmul.f32 $2.500000000e-01, v7  }
0x37: {  	s1 =	sor.u32 s1, s2;
	[tilespmem:s0+$0x14280] =	vst v5;
	v5 =	vmul.f32 $2.500000000e-01, v6  }
0x38: {  	s1 =	sor.u32 $0x380, s1;
	[tilespmem:s0+$0x14300] =	vst v4  }
0x39: {  	[tilespmem:s1+$0x14000] =	vst v5  }
0x3a: {  	v4 =	vld [tilespmem:s0+$0x6300]  }
0x3b: {  	v5 =	vld [tilespmem:s0+$0x6380]  }
0x3c: {  	s2 =	simm.s32 $0x10;
	s5 =	simm.s32 $0x80;
	v6 =	vld [tilespmem:s0+$0x8000]  }
0x3d: {  	s29 =	sand.u32 $0x70, s2;
	s30 =	sand.u32 $0x1C00, s5;
	v7 =	vld [tilespmem:s0+$0x8080]  }
0x3e: {  	s1 =	sor.u32 s29, s30;
	v9 =	vld [tilespmem:s0+$0x4100]  }
0x3f: {  	v10 =	vld [tilespmem:s1+$0x0]  }
0x40: {  	v11 =	vld [tilespmem:s1+$0x80]  }
0x41: {  	v12 =	vld [tilespmem:s1+$0x100]  }
0x42: {  	v13 =	vld [tilespmem:s1+$0x180]  }
0x43: {  	v14 =	vld [tilespmem:s1+$0x200]  }
0x44: {  	v15 =	vld [tilespmem:s1+$0x280]  }
0x45: {  	v16 =	vld [tilespmem:s1+$0x300]  }
0x46: {  	v17 =	vld [tilespmem:s1+$0x380]  }
0x47: {  	v60 =	vld [tilespmem:s1+$0x2000]  }
0x48: {  	v19 =	vld [tilespmem:s1+$0x2080]  }
0x49: {  	v20 =	vld [tilespmem:s1+$0x2100]  }
0x4a: {  	v21 =	vld [tilespmem:s1+$0x2280];
	v4 =	vadd.f32 v5, v4;
	v5 =	vadd.f32 v7, v6  }
0x4b: {  	v22 =	vld [tilespmem:s1+$0x2300]  }
0x4c: {  	v6 =	vld [tilespmem:s1+$0x2180];
	v5 =	vadd.f32 v5, v4  }
0x4d: {  	v7 =	vld [tilespmem:s1+$0x2200]  }
0x4e: {  	v10 =	vadd.f32 v11, v10;
	v11 =	vadd.f32 v13, v12;
	v12 =	vld [tilespmem:s1+$0x2380];
	v5 =	vmul.f32 $2.500000000e-01, v5  }
0x4f: {  	v13 =	vadd.f32 v15, v14;
	v14 =	vld [tilespmem:s1+$0x4000]  }
0x50: {  	v15 =	vld [tilespmem:s1+$0x4080];
	[tilespmem:s0+$0x16380] =	vst v5;
	v5 =	vadd.f32 v11, v10;
	v10 =	vadd.f32 v17, v16  }
0x51: {  	v11 =	vadd.f32 v13, v11;
	v16 =	vadd.f32 v19, v60;
	v17 =	vld [tilespmem:s0+$0x4180]  }
0x52: {  	v61 =	vld [tilespmem:s0+$0x4200];
	v6 =	vadd.f32 v6, v20;
	v5 =	vmul.f32 $2.500000000e-01, v5;
	v13 =	vadd.f32 v10, v13  }
0x53: {  	v62 =	vld [tilespmem:s0+$0x4280];
	v7 =	vadd.f32 v21, v7;
	v11 =	vmul.f32 $2.500000000e-01, v11;
	v10 =	vadd.f32 v16, v10  }
0x54: {  	v63 =	vld [tilespmem:s0+$0x4300];
	v12 =	vadd.f32 v12, v22;
	v16 =	vadd.f32 v6, v16;
	[tilespmem:s1+$0x14000] =	vst v5;
	v13 =	vmul.f32 $2.500000000e-01, v13  }
0x55: {  	v6 =	vadd.f32 v7, v6;
	[tilespmem:s1+$0x14080] =	vst v11;
	v10 =	vmul.f32 $2.500000000e-01, v10;
	v5 =	vadd.f32 v15, v14;
	v11 =	vld [tilespmem:s0+$0x4380]  }
0x56: {  	v7 =	vadd.f32 v12, v7;
	v14 =	vld [tilespmem:s0+$0x6000];
	v9 =	vadd.f32 v17, v9;
	[tilespmem:s1+$0x14100] =	vst v13;
	v13 =	vmul.f32 $2.500000000e-01, v16  }
0x57: {  	[tilespmem:s1+$0x14180] =	vst v10;
	v10 =	vmul.f32 $2.500000000e-01, v6;
	v12 =	vadd.f32 v5, v12;
	v16 =	vld [tilespmem:s0+$0x6080]  }
0x58: {  	v7 =	vmul.f32 $2.500000000e-01, v7;
	v15 =	vadd.f32 v62, v61;
	v6 =	vld [tilespmem:s0+$0x6100];
	[tilespmem:s1+$0x14200] =	vst v13;
	v13 =	vadd.f32 v9, v8  }
0x59: {  	s31 =	sor.u32 s5, s2;
	[tilespmem:s1+$0x14280] =	vst v10;
	v10 =	vmul.f32 $2.500000000e-01, v12;
	v8 =	vld [tilespmem:s0+$0x6180]  }
0x5a: {  	s3 =	sor.u32 $0x380, s31;
	[tilespmem:s1+$0x14300] =	vst v7;
	v7 =	vld [tilespmem:s0+$0x6200];
	v11 =	vadd.f32 v11, v63;
	v12 =	vmul.f32 $2.500000000e-01, v13;
	v13 =	vadd.f32 v15, v9  }
0x5b: {  	[tilespmem:s3+$0x14000] =	vst v10;
	v9 =	vld [tilespmem:s0+$0x6280]  }
0x5c: {  	v10 =	vld [tilespmem:s1+$0x6300];
	v15 =	vadd.f32 v11, v15;
	[tilespmem:s0+$0x16000] =	vst v12;
	v13 =	vmul.f32 $2.500000000e-01, v13;
	v12 =	vadd.f32 v16, v14  }
0x5d: {  	s19 =	sshll.u32 s15, $0x5;
	v14 =	vld [tilespmem:s1+$0x6380]  }
.LBB2_3:
0x5e: {  	s2 =	sadd.s32 $0x10, s2;
	v16 =	vld [tilespmem:s1+$0x8000];
	s5 =	sadd.s32 $0x80, s5;
	[tilespmem:s0+$0x16080] =	vst v13;
	v13 =	vmul.f32 $2.500000000e-01, v15;
	v11 =	vadd.f32 v12, v11;
	v6 =	vadd.f32 v8, v6  }
0x5f: {  	s3 =	sand.u32 $0x70, s2;
	s6 =	sand.u32 $0x1C00, s5;
	p0 =	slt.u32 s2, $0x3F0;
	v8 =	vld [tilespmem:s1+$0x8080]  }
0x60: {  	s3 =	sor.u32 s3, s6;
	v15 =	vld [tilespmem:s1+$0x4100];
	[tilespmem:s0+$0x16100] =	vst v13;
	v11 =	vmul.f32 $2.500000000e-01, v11;
	v12 =	vadd.f32 v6, v12;
	v7 =	vadd.f32 v9, v7  }
0x61: {  	v9 =	vld [tilespmem:s3+$0x0]  }
0x62: {  	v13 =	vld [tilespmem:s3+$0x80];
	[tilespmem:s0+$0x16180] =	vst v11;
	v11 =	vmul.f32 $2.500000000e-01, v12;
	v6 =	vadd.f32 v7, v6;
	v7 =	vadd.f32 v4, v7  }
0x63: {  	v12 =	vld [tilespmem:s3+$0x100]  }
0x64: {  	v4 =	vadd.f32 v14, v10;
	v17 =	vld [tilespmem:s3+$0x180];
	v8 =	vadd.f32 v8, v16;
	[tilespmem:s0+$0x16200] =	vst v11;
	v6 =	vmul.f32 $2.500000000e-01, v6  }
0x65: {  	v7 =	vmul.f32 $2.500000000e-01, v7;
	v10 =	vld [tilespmem:s3+$0x200]  }
0x66: {  	v11 =	vld [tilespmem:s3+$0x280];
	v8 =	vadd.f32 v8, v4;
	[tilespmem:s0+$0x16280] =	vst v6  }
0x67: {  	v6 =	vld [tilespmem:s3+$0x300];
	[tilespmem:s0+$0x16300] =	vst v7;
	s0 =	smov.u32 s1;
	s1 =	smov.u32 s3  }
0x68: {  	v7 =	vld [tilespmem:s1+$0x380];
	v8 =	vmul.f32 $2.500000000e-01, v8  }
0x69: {  	v14 =	vld [tilespmem:s1+$0x2000]  }
0x6a: {  	v16 =	vld [tilespmem:s1+$0x2080];
	[tilespmem:s0+$0x16380] =	vst v8  }
0x6b: {  	v8 =	vld [tilespmem:s1+$0x2100]  }
0x6c: {  	v18 =	vld [tilespmem:s1+$0x2180]  }
0x6d: {  	v19 =	vld [tilespmem:s1+$0x2200]  }
0x6e: {  	v20 =	vld [tilespmem:s1+$0x2280]  }
0x6f: {  	v21 =	vld [tilespmem:s1+$0x2300]  }
0x70: {  	v9 =	vadd.f32 v13, v9;
	v12 =	vadd.f32 v17, v12;
	v13 =	vld [tilespmem:s1+$0x2380]  }
0x71: {  	v10 =	vadd.f32 v11, v10;
	v11 =	vld [tilespmem:s1+$0x4000]  }
0x72: {  	v9 =	vadd.f32 v12, v9;
	v6 =	vadd.f32 v7, v6;
	v7 =	vld [tilespmem:s1+$0x4080]  }
0x73: {  	v12 =	vadd.f32 v10, v12;
	v14 =	vadd.f32 v16, v14;
	v16 =	vld [tilespmem:s0+$0x4180]  }
0x74: {  	v9 =	vmul.f32 $2.500000000e-01, v9;
	v10 =	vadd.f32 v6, v10;
	v8 =	vadd.f32 v18, v8;
	v17 =	vld [tilespmem:s0+$0x4200]  }
0x75: {  	v12 =	vmul.f32 $2.500000000e-01, v12;
	v6 =	vadd.f32 v14, v6;
	v18 =	vadd.f32 v20, v19;
	v19 =	vld [tilespmem:s0+$0x4280]  }
0x76: {  	v13 =	vadd.f32 v13, v21;
	[tilespmem:s1+$0x14000] =	vst v9;
	v9 =	vmul.f32 $2.500000000e-01, v10;
	v10 =	vadd.f32 v8, v14;
	v14 =	vld [tilespmem:s0+$0x4300]  }
0x77: {  	v6 =	vmul.f32 $2.500000000e-01, v6;
	v8 =	vadd.f32 v18, v8;
	[tilespmem:s1+$0x14080] =	vst v12;
	v7 =	vadd.f32 v7, v11;
	v11 =	vld [tilespmem:s0+$0x4380]  }
0x78: {  	[tilespmem:s1+$0x14100] =	vst v9;
	v9 =	vmul.f32 $2.500000000e-01, v10;
	v10 =	vadd.f32 v13, v18;
	v12 =	vadd.f32 v16, v15;
	v16 =	vld [tilespmem:s0+$0x6000]  }
0x79: {  	v8 =	vmul.f32 $2.500000000e-01, v8;
	[tilespmem:s1+$0x14180] =	vst v6;
	v13 =	vadd.f32 v7, v13;
	v18 =	vld [tilespmem:s0+$0x6080]  }
0x7a: {  	[tilespmem:s1+$0x14200] =	vst v9;
	v9 =	vmul.f32 $2.500000000e-01, v10;
	v10 =	vadd.f32 v12, v5;
	v15 =	vadd.f32 v19, v17;
	v6 =	vld [tilespmem:s0+$0x6100];
	v5 =	vmovc v7  }
.Ltmp0:
0x7b: {  	s3 =	sor.u32 s5, s2;
	[tilespmem:s1+$0x14280] =	vst v8;
	v13 =	vmul.f32 $2.500000000e-01, v13;
	v8 =	vld [tilespmem:s0+$0x6180];
	(pc) =	sbr.rel @p0 .LBB2_3-.Ltmp0, $4  }
0x7c: {  	s3 =	sor.u32 $0x380, s3;
	[tilespmem:s1+$0x14300] =	vst v9;
	v17 =	vmul.f32 $2.500000000e-01, v10;
	v12 =	vadd.f32 v15, v12;
	v11 =	vadd.f32 v11, v14;
	v7 =	vld [tilespmem:s0+$0x6200]  }
0x7d: {  	[tilespmem:s3+$0x14000] =	vst v13;
	v9 =	vld [tilespmem:s0+$0x6280]  }
0x7e: {  	v10 =	vld [tilespmem:s1+$0x6300];
	[tilespmem:s0+$0x16000] =	vst v17;
	v13 =	vmul.f32 $2.500000000e-01, v12;
	v15 =	vadd.f32 v11, v15;
	v12 =	vadd.f32 v18, v16  }
0x7f: {  	v14 =	vld [tilespmem:s1+$0x6380]  }
0x80: {  	v16 =	vld [tilespmem:s1+$0x8000]  }
0x81: {  	v17 =	vld [tilespmem:s1+$0x8080];
	_ =	sdelay $0x4  }
0x82: {  	v54 =	vld [tilespmem:s1+$0x4100];
	v10 =	vadd.f32 v14, v10;
	v14 =	vadd.f32 v17, v16  }
0x83: {  	v55 =	vld [tilespmem:s1+$0x4200]  }
0x84: {  	v18 =	vld [tilespmem:s1+$0x4280];
	v14 =	vadd.f32 v14, v10  }
0x85: {  	v19 =	vld [tilespmem:s1+$0x4300]  }
0x86: {  	v20 =	vld [tilespmem:s1+$0x4380];
	v6 =	vadd.f32 v8, v6;
	v14 =	vmul.f32 $2.500000000e-01, v14  }
0x87: {  	v21 =	vld [tilespmem:s1+$0x6000];
	v11 =	vadd.f32 v12, v11;
	v7 =	vadd.f32 v9, v7  }
0x88: {  	v15 =	vmul.f32 $2.500000000e-01, v15;
	v12 =	vadd.f32 v6, v12;
	[tilespmem:s1+$0x16380] =	vst v14;
	v14 =	vld [tilespmem:s1+$0x4180]  }
0x89: {  	v8 =	vld [tilespmem:s1+$0x6080];
	[tilespmem:s0+$0x16080] =	vst v13;
	v6 =	vadd.f32 v7, v6;
	v4 =	vadd.f32 v4, v7;
	v7 =	vmul.f32 $2.500000000e-01, v11  }
0x8a: {  	v56 =	vld [tilespmem:s1+$0x6180];
	[tilespmem:s0+$0x16100] =	vst v15;
	v12 =	vmul.f32 $2.500000000e-01, v12  }
0x8b: {  	v9 =	vld [tilespmem:s1+$0x6100];
	[tilespmem:s0+$0x16180] =	vst v7;
	v6 =	vmul.f32 $2.500000000e-01, v6  }
0x8c: {  	v57 =	vld [tilespmem:s1+$0x6200];
	v17 =	vadd.f32 v18, v55;
	v11 =	vadd.f32 v20, v19;
	v4 =	vmul.f32 $2.500000000e-01, v4;
	[tilespmem:s0+$0x16200] =	vst v12  }
0x8d: {  	v13 =	vld [tilespmem:s1+$0x6280];
	s2 =	sld [smem:$0x7F8];
	[tilespmem:s0+$0x16280] =	vst v6;
	v14 =	vadd.f32 v14, v54  }
0x8e: {  	v7 =	vadd.f32 v11, v17;
	[tilespmem:s0+$0x16300] =	vst v4  }
0x8f: {  	v8 =	vadd.f32 v8, v21;
	s0 =	sld [smem:$0x7F6];
	v5 =	vadd.f32 v14, v5  }
0x90: {  	v6 =	vmul.f32 $2.500000000e-01, v7;
	v7 =	vadd.f32 v56, v9;
	s2 =	sadd.s32 s19, s2  }
0x91: {  	p0 =	seq.s32 s15, $0x3;
	v4 =	vadd.f32 v8, v11;
	v9 =	vadd.s32 s2, v0;
	v5 =	vmul.f32 $2.500000000e-01, v5  }
0x92: {  	v11 =	vadd.f32 v13, v57;
	s0 =	sadd.s32 @!p0 s19, s0;
	v13 =	vshll.u32 v9, $0x3;
	v14 =	vadd.f32 v17, v14  }
0x93: {  	v4 =	vmul.f32 $2.500000000e-01, v4;
	s0 =	smin.u32 @!p0 s0, $0x1EF;
	v13 =	vand.u32 $0xFFFFFFC0, v13;
	[tilespmem:s1+$0x16000] =	vst v5;
	v5 =	vadd.f32 v7, v8  }
0x94: {  	[tilespmem:s1+$0x16100] =	vst v6;
	s0 =	sshll.u32 @!p0 s0, $0x1;
	v12 =	vmul.f32 $2.500000000e-01, v14;
	v8 =	vand.u32 $0x7, v9;
	v7 =	vadd.f32 v11, v7  }
0x95: {  	v6 =	vadd.f32 v10, v11;
	[tilespmem:s1+$0x16180] =	vst v4;
	s0 =	smin.u32 @!p0 s0, $0x3D8;
	v8 =	vor.u32 v8, v13;
	v5 =	vmul.f32 $2.500000000e-01, v5  }
0x96: {  	s0 =	sor.u32 @!p0 s10, s0;
	[tilespmem:s1+$0x16080] =	vst v12;
	v10 =	vperm.xlane v8, v1;
	v4 =	vmul.f32 $2.500000000e-01, v7  }
0x97: {  	s0 =	sshll.u32 @!p0 s0, $0x7;
	[tilespmem:s1+$0x16200] =	vst v5;
	v5 =	vmul.f32 $2.500000000e-01, v6  }
0x98: {  	s0 =	sand.u32 @!p0 $0xFFC00, s0;
	v6 =	vadd.s32 v2, v10;
	[tilespmem:s1+$0x16280] =	vst v4  }
0x99: {  	s0 =	sadd.s32 @!p0 s7, s0;
	[tilespmem:s1+$0x16300] =	vst v5;
	s1 =	simm.s32 @!p0 $0x0  }
0x9a: {  	[tilespmem:s1], [sflag:$0x1] =	stream.linear.gather @!p0 [hbm4b:s0+s1], $0xA000, $0x38;
	[tilespmem:$0x1C100] =	vst v63  }
0x9b: {  	s10 =	sld [smem:$0x7FB]  }
0x9c: {  	s1 =	simm.s32 $0x14000;
	[tilespmem:$0x1C000] =	vst v9  }
0x9d: {  	[hbm4b:s8+s4] =	stream.indirect_vreg.scatter [tilespmem:s1], [sflag:$0x3], $0x80, v6, vm0, $0xb8;
	[tilespmem:$0x1C100] =	vst v63  }
0x9e: {  	s2 =	simm.s32 $0x14800;
	s0 =	sor.u32 s10, s19  }
0x9f: {  	[hbm4b:s9+s4] =	stream.indirect_vreg.scatter [tilespmem:s2], [sflag:$0x3], $0x80, v6, vm0, $0xb8;
	[tilespmem:$0x1C100] =	vst v63  }
0xa0: {  	s3 =	simm.s32 $0x15000;
	s5 =	simm.s32 $0x15800;
	s0 =	smin.u32 s0, $0x1EF  }
0xa1: {  	s6 =	simm.s32 $0x16000;
	[smem:$0x7EE] =	sst s0;
	s0 =	sshll.u32 s0, $0x1  }
0xa2: {  	[hbm4b:s12+s4] =	stream.indirect_vreg.scatter [tilespmem:s3], [sflag:$0x3], $0x80, v6, vm0, $0xb8;
	[tilespmem:$0x1C100] =	vst v63  }
0xa3: {  	s7 =	simm.s32 $0x16800;
	v4 =	vperm.xlane v8, v3;
	s2 =	simm.s32 @!p1 $0x4;
	s1 =	smax.u32 s0, $0x3D8  }
0xa4: {  	s3 =	simm.s32 $0x2;
	s0 =	sadd.s32 $0xFFFFFC28, s1;
	s16 =	sadd.s32 $0xFFFFFC2A, s1  }
0xa5: {  	v4 =	vadd.s32 v2, v4;
	s17 =	sadd.s32 $0xFFFFFC2B, s1;
	s23 =	sadd.s32 $0xFFFFFC2C, s1;
	s25 =	sadd.s32 $0xFFFFFC2D, s1  }
0xa6: {  	[hbm4b:s13+s4] =	stream.indirect_vreg.scatter [tilespmem:s5], [sflag:$0x3], $0x80, v6, vm0, $0xb8;
	[tilespmem:$0x1C100] =	vst v63  }
0xa7: {  	s11 =	sshll.u32 s0, $0xA;
	s0 =	sshll.u32 s0, $0x7;
	s18 =	sshll.u32 s17, $0xA  }
0xa8: {  	s24 =	sshll.u32 s23, $0xA;
	s26 =	sshll.u32 s25, $0xA;
	s14 =	sand.u32 $0xFFFFE000, s11  }
0xa9: {  	s0 =	sand.u32 $0x300, s0;
	s20 =	sand.u32 $0xFFFFE000, s18;
	s11 =	sadd.s32 $0xFFFFFC2F, s1  }
0xaa: {  	[hbm4b:s8+s4] =	stream.indirect_vreg.scatter [tilespmem:s6], [sflag:$0x3], $0x80, v4, vm0, $0xb8;
	[tilespmem:$0x1C100] =	vst v63  }
0xab: {  	s8 =	simm.s32 $0x17000;
	s0 =	sor.u32 s0, s14;
	s6 =	sshll.u32 s16, $0xA  }
0xac: {  	[hbm4b:s9+s4] =	stream.indirect_vreg.scatter [tilespmem:s7], [sflag:$0x3], $0x80, v4, vm0, $0xb8;
	[tilespmem:$0x1C100] =	vst v63  }
0xad: {  	s14 =	sshll.u32 s11, $0xA;
	s5 =	sadd.s32 $0xA000, s0;
	s7 =	sshll.u32 s17, $0x7  }
0xae: {  	[hbm4b:s12+s4] =	stream.indirect_vreg.scatter [tilespmem:s8], [sflag:$0x3], $0x80, v4, vm0, $0xb8;
	[tilespmem:$0x1C100] =	vst v63  }
0xaf: {  	s6 =	sand.u32 $0xFFFFE000, s6;
	s9 =	simm.s32 $0x17800;
	s7 =	sand.u32 $0x380, s7  }
0xb0: {  	[hbm4b:s13+s4] =	stream.indirect_vreg.scatter [tilespmem:s9], [sflag:$0x3], $0x80, v4, vm0, $0xb8;
	[tilespmem:$0x1C100] =	vst v63  }
0xb1: {  	s21 =	sor.u32 s7, s20;
	s7 =	sand.u32 $0xFFFFE000, s26;
	_ =	swait.ge [sflag:s3], $0xA000  }
0xb2: {  	s8 =	sadd.s32 $0xFFFFFC2E, s1;
	s22 =	sadd.s32 $0xA000, s21;
	[sflag:s3] =	ssyncset.done $0x0  }
0xb3: {  	s10 =	sshll.u32 s8, $0xA;
	s21 =	sadd.s32 $0xFFFFFC31, s1;
	[sflag:s3] =	ssyncadd.s32 $0xFFFF6000  }
0xb4: {  	s3 =	sshll.u32 s16, $0x7;
	s16 =	sand.u32 $0xFFFFE000, s14;
	s14 =	sadd.s32 $0xFFFFFC34, s1  }
0xb5: {  	_ =	swait.ge @!p1 [sflag:s2], $0x4000;
	s3 =	sand.u32 $0x300, s3;
	[dreg:$0x3] =	wrdreg s5  }
0xb6: {  	[dreg:$0x5] =	wrdreg s22;
	s5 =	sshll.u32 s23, $0x7;
	s22 =	sadd.s32 $0xC000, s0  }
0xb7: {  	s23 =	sshll.u32 s21, $0xA;
	s3 =	sor.u32 s3, s6;
	s5 =	sand.u32 $0x300, s5  }
0xb8: {  	s6 =	sshll.u32 s25, $0x7;
	[dreg:$0xa] =	wrdreg s22;
	s22 =	sadd.s32 $0xFFFFFC36, s1  }
0xb9: {  	[sflag:s2] =	ssyncset.done @!p1 $0x0;
	s3 =	sadd.s32 $0xA000, s3;
	s6 =	sand.u32 $0x380, s6  }
0xba: {  	[sflag:s2] =	ssyncadd.s32 @!p1 $0xFFFFC000;
	[dreg:$0x4] =	wrdreg s3;
	s3 =	sand.u32 $0xFFFFE000, s24  }
0xbb: {  	s24 =	sadd.s32 $0xFFFFFC32, s1;
	s3 =	sor.u32 s5, s3;
	s5 =	sor.u32 s6, s7  }
0xbc: {  	s6 =	sshll.u32 s8, $0x7;
	s7 =	sshll.u32 s11, $0x7;
	s25 =	sshll.u32 s24, $0xA  }
0xbd: {  	s3 =	sadd.s32 $0xA000, s3;
	s9 =	sadd.s32 $0xA000, s5;
	s5 =	sand.u32 $0xFFFFE000, s10  }
0xbe: {  	s6 =	sand.u32 $0x300, s6;
	s7 =	sand.u32 $0x380, s7;
	s26 =	sand.u32 $0xFFFFE000, s25  }
0xbf: {  	s10 =	sadd.s32 $0xFFFFFC33, s1;
	[dreg:$0x6] =	wrdreg s3;
	s5 =	sor.u32 s6, s5  }
0xc0: {  	[dreg:$0x7] =	wrdreg s9;
	s18 =	sor.u32 s7, s16;
	s6 =	sand.u32 $0xFFFFE000, s23  }
0xc1: {  	s7 =	sshll.u32 s24, $0x7;
	s11 =	sshll.u32 s10, $0xA;
	s16 =	sshll.u32 s14, $0xA  }
0xc2: {  	s23 =	sshll.u32 s22, $0xA;
	s17 =	sadd.s32 $0xA000, s5;
	s20 =	sadd.s32 $0xA000, s18  }
0xc3: {  	s5 =	sshll.u32 s21, $0x7;
	s7 =	sand.u32 $0x300, s7;
	s3 =	sand.u32 $0xFFFFE000, s11  }
0xc4: {  	s18 =	sadd.s32 $0xFFFFFC35, s1;
	s24 =	sand.u32 $0xFFFFE000, s23;
	[dreg:$0x8] =	wrdreg s17  }
0xc5: {  	[dreg:$0x9] =	wrdreg s20;
	s5 =	sand.u32 $0x380, s5;
	s8 =	sor.u32 s7, s26  }
0xc6: {  	s17 =	sand.u32 $0xFFFFE000, s16;
	s21 =	sshll.u32 s18, $0xA;
	s7 =	sshll.u32 s22, $0x7  }
0xc7: {  	s5 =	sor.u32 s5, s6;
	s9 =	sadd.s32 $0xA000, s8;
	s6 =	sshll.u32 s14, $0x7  }
0xc8: {  	s7 =	sand.u32 $0x300, s7;
	s8 =	sadd.s32 $0xFFFFFC39, s1;
	s14 =	sadd.s32 $0xFFFFFC3A, s1  }
0xc9: {  	s5 =	sadd.s32 $0xA000, s5;
	[dreg:$0xc] =	wrdreg s9;
	s6 =	sand.u32 $0x300, s6  }
0xca: {  	s26 =	sor.u32 s7, s24;
	s9 =	sshll.u32 s8, $0xA;
	s16 =	sshll.u32 s14, $0xA  }
0xcb: {  	[dreg:$0xb] =	wrdreg s5;
	s5 =	sshll.u32 s10, $0x7;
	s10 =	sadd.s32 $0xE000, s0  }
0xcc: {  	s24 =	sadd.s32 $0xFFFFFC3D, s1;
	s5 =	sand.u32 $0x380, s5;
	[dreg:$0x12] =	wrdreg s10  }
0xcd: {  	s10 =	sadd.s32 $0xFFFFFC3E, s1;
	s3 =	sor.u32 s5, s3;
	s5 =	sor.u32 s6, s17  }
0xce: {  	s6 =	sshll.u32 s18, $0x7;
	s17 =	sadd.s32 $0xFFFFFC3B, s1;
	s3 =	sadd.s32 $0xA000, s3  }
0xcf: {  	s20 =	sadd.s32 $0xA000, s5;
	s5 =	sand.u32 $0xFFFFE000, s21;
	s6 =	sand.u32 $0x380, s6  }
0xd0: {  	s18 =	sshll.u32 s17, $0xA;
	s21 =	sadd.s32 $0xFFFFFC3C, s1;
	[dreg:$0xd] =	wrdreg s3  }
0xd1: {  	s5 =	sor.u32 s6, s5;
	[dreg:$0xe] =	wrdreg s20;
	s6 =	sadd.s32 $0xFFFFFC37, s1  }
0xd2: {  	s20 =	sand.u32 $0xFFFFE000, s18;
	s23 =	sshll.u32 s21, $0xA;
	s25 =	sadd.s32 $0xA000, s5  }
0xd3: {  	s18 =	sadd.s32 $0xFFFFFC41, s1;
	s5 =	sadd.s32 $0xA000, s26;
	[dreg:$0xf] =	wrdreg s25  }
0xd4: {  	s7 =	sshll.u32 s6, $0xA;
	[dreg:$0x10] =	wrdreg s5;
	s5 =	sshll.u32 s6, $0x7  }
0xd5: {  	s3 =	sand.u32 $0xFFFFE000, s7;
	s6 =	sshll.u32 s8, $0x7;
	s25 =	sshll.u32 s24, $0xA  }
0xd6: {  	s7 =	sshll.u32 s24, $0x7;
	s5 =	sand.u32 $0x380, s5;
	s6 =	sand.u32 $0x380, s6  }
0xd7: {  	s26 =	sand.u32 $0xFFFFE000, s25;
	s7 =	sand.u32 $0x380, s7;
	s25 =	sadd.s32 $0xFFFFFC43, s1  }
0xd8: {  	s3 =	sor.u32 s5, s3;
	s5 =	sand.u32 $0xFFFFE000, s9;
	s8 =	sor.u32 s7, s26  }
0xd9: {  	s26 =	sshll.u32 s25, $0xA;
	s7 =	sshll.u32 s25, $0x7;
	s3 =	sadd.s32 $0xA000, s3  }
0xda: {  	s5 =	sor.u32 s6, s5;
	s6 =	sshll.u32 s17, $0x7;
	s9 =	sadd.s32 $0xA000, s8  }
0xdb: {  	s8 =	sand.u32 $0xFFFFE000, s26;
	s7 =	sand.u32 $0x380, s7;
	[dreg:$0x11] =	wrdreg s3  }
0xdc: {  	s11 =	sadd.s32 $0xA000, s5;
	s3 =	sand.u32 $0xFFFFE000, s16;
	s5 =	sshll.u32 s14, $0x7  }
0xdd: {  	s6 =	sand.u32 $0x380, s6;
	[dreg:$0x17] =	wrdreg s9;
	s14 =	sadd.s32 $0xFFFFFC3F, s1  }
0xde: {  	[dreg:$0x13] =	wrdreg s11;
	s5 =	sand.u32 $0x300, s5;
	s11 =	sshll.u32 s10, $0xA  }
0xdf: {  	s16 =	sshll.u32 s14, $0xA;
	s3 =	sor.u32 s5, s3;
	s5 =	sor.u32 s6, s20  }
0xe0: {  	s6 =	sshll.u32 s21, $0x7;
	s20 =	sshll.u32 s18, $0xA;
	s3 =	sadd.s32 $0xA000, s3  }
0xe1: {  	s22 =	sadd.s32 $0xA000, s5;
	s5 =	sand.u32 $0xFFFFE000, s23;
	s6 =	sand.u32 $0x300, s6  }
0xe2: {  	s21 =	sand.u32 $0xFFFFE000, s20;
	s23 =	sadd.s32 $0xFFFFFC42, s1;
	[dreg:$0x14] =	wrdreg s3  }
0xe3: {  	s5 =	sor.u32 s6, s5;
	[dreg:$0x15] =	wrdreg s22;
	s3 =	sand.u32 $0xFFFFE000, s11  }
0xe4: {  	s6 =	sshll.u32 s14, $0x7;
	s22 =	sadd.s32 $0x10000, s0;
	s24 =	sshll.u32 s23, $0xA  }
0xe5: {  	s14 =	sadd.s32 $0xFFFFFC44, s1;
	s5 =	sadd.s32 $0xA000, s5;
	s6 =	sand.u32 $0x380, s6  }
0xe6: {  	[dreg:$0x16] =	wrdreg s5;
	s5 =	sshll.u32 s10, $0x7;
	s10 =	sor.u32 s7, s8  }
0xe7: {  	[dreg:$0x1a] =	wrdreg s22;
	s5 =	sand.u32 $0x300, s5;
	s11 =	sadd.s32 $0xA000, s10  }
0xe8: {  	s10 =	sadd.s32 $0x12000, s0;
	s3 =	sor.u32 s5, s3;
	[dreg:$0x1d] =	wrdreg s11  }
0xe9: {  	s5 =	sand.u32 $0xFFFFE000, s16;
	s16 =	sshll.u32 s14, $0xA;
	[smem:$0x7EF] =	sst s10  }
0xea: {  	s11 =	simm.s32 $0x0;
	s3 =	sadd.s32 $0xA000, s3;
	s17 =	sor.u32 s6, s5  }
0xeb: {  	s5 =	sshll.u32 s18, $0x7;
	s6 =	sand.u32 $0xFFFFE000, s24;
	s24 =	sadd.s32 $0xFFFFFC47, s1  }
0xec: {  	[dreg:$0x18] =	wrdreg s3;
	s3 =	sadd.s32 $0xA000, s17;
	s5 =	sand.u32 $0x380, s5  }
0xed: {  	s17 =	sadd.s32 $0xFFFFFC45, s1;
	s25 =	sshll.u32 s24, $0xA;
	s7 =	sshll.u32 s24, $0x7  }
0xee: {  	[dreg:$0x19] =	wrdreg s3;
	s3 =	sor.u32 s5, s21;
	s5 =	sshll.u32 s23, $0x7  }
0xef: {  	s18 =	sshll.u32 s17, $0xA;
	s21 =	sadd.s32 $0xFFFFFC46, s1;
	s26 =	sand.u32 $0xFFFFE000, s25  }
0xf0: {  	s7 =	sand.u32 $0x380, s7;
	s1 =	sadd.s32 $0xFFFFFC49, s1;
	s3 =	sadd.s32 $0xA000, s3  }
0xf1: {  	s5 =	sand.u32 $0x300, s5;
	s20 =	sand.u32 $0xFFFFE000, s18;
	s23 =	sshll.u32 s21, $0xA  }
0xf2: {  	s7 =	sor.u32 s7, s26;
	s5 =	sor.u32 s5, s6;
	[dreg:$0x1b] =	wrdreg s3  }
0xf3: {  	s6 =	sshll.u32 s17, $0x7;
	s8 =	sadd.s32 $0xA000, s7;
	s17 =	rddreg [dreg:$0x4]  }
0xf4: {  	s3 =	sand.u32 $0xFFFFE000, s16;
	s16 =	simm.s32 $0x0;
	[smem:$0x7F2] =	sst s8  }
0xf5: {  	s9 =	sadd.s32 $0xA000, s5;
	s5 =	sshll.u32 s14, $0x7;
	s14 =	rddreg [dreg:$0x3]  }
0xf6: {  	s6 =	sand.u32 $0x380, s6;
	[dreg:$0x1c] =	wrdreg s9;
	s5 =	sand.u32 $0x300, s5  }
0xf7: {  	s9 =	sshll.u32 s1, $0xA;
	s1 =	sshll.u32 s1, $0x7;
	s3 =	sor.u32 s5, s3  }
0xf8: {  	s5 =	sor.u32 s6, s20;
	s6 =	sshll.u32 s21, $0x7;
	s1 =	sand.u32 $0x380, s1  }
0xf9: {  	s3 =	sadd.s32 $0xA000, s3;
	s22 =	sadd.s32 $0xA000, s5;
	s5 =	sand.u32 $0xFFFFE000, s23  }
0xfa: {  	s6 =	sand.u32 $0x300, s6;
	s23 =	sand.u32 $0x70, s16;
	[dreg:$0x1e] =	wrdreg s3  }
0xfb: {  	s5 =	sor.u32 s6, s5;
	[dreg:$0x1f] =	wrdreg s22;
	s3 =	sand.u32 $0xFFFFE000, s9  }
0xfc: {  	s22 =	sand.u32 $0x1C00, s11;
	s5 =	sadd.s32 $0xA000, s5;
	s1 =	sor.u32 s1, s3  }
0xfd: {  	s20 =	sadd.s32 s22, s0;
	[smem:$0x7F1] =	sst s5;
	s1 =	sadd.s32 $0xA000, s1  }
0xfe: {  	s21 =	sadd.s32 s22, s14;
	s24 =	sadd.s32 s23, s20;
	[smem:$0x7F0] =	sst s1  }
0xff: {  	s18 =	rddreg [dreg:$0x5];
	s25 =	sadd.s32 s22, s17;
	s1 =	sadd.s32 s23, s21;
	v4 =	vld [tilespmem:s24+$0xA080]  }
0x100: {  	s2 =	sadd.s32 s22, s18;
	s26 =	sadd.s32 s23, s25;
	v5 =	vld [tilespmem:s1+$0x0]  }
0x101: {  	s3 =	sadd.s32 s23, s2;
	v6 =	vld [tilespmem:s26+$0x0]  }
0x102: {  	v7 =	vld [tilespmem:s3+$0x0];
	_ =	sdelay $0x4  }
0x103: {  	v4 =	vadd.f32 v4, v5;
	v5 =	vadd.f32 v7, v6;
	_ =	sdelay $0x1  }
0x104: {  	v4 =	vadd.f32 v5, v4;
	_ =	sdelay $0x1  }
0x105: {  	s5 =	rddreg [dreg:$0x6];
	v4 =	vmul.f32 $2.500000000e-01, v4  }
0x106: {  	s6 =	rddreg [dreg:$0x7];
	s21 =	sor.u32 s23, s22;
	s1 =	sadd.s32 s22, s5  }
0x107: {  	s2 =	sadd.s32 s22, s6;
	s1 =	sadd.s32 s23, s1;
	[tilespmem:s21+$0x18000] =	vst v4  }
0x108: {  	s7 =	sadd.s32 s23, s2;
	v4 =	vld [tilespmem:s1+$0x0]  }
0x109: {  	v6 =	vld [tilespmem:s7+$0x0];
	_ =	sdelay $0x4  }
0x10a: {  	v4 =	vadd.f32 v6, v4;
	_ =	sdelay $0x1  }
0x10b: {  	v5 =	vadd.f32 v4, v5;
	_ =	sdelay $0x1  }
0x10c: {  	s8 =	rddreg [dreg:$0x8];
	v5 =	vmul.f32 $2.500000000e-01, v5  }
0x10d: {  	s9 =	rddreg [dreg:$0x9];
	s1 =	sadd.s32 s22, s8  }
0x10e: {  	s2 =	sadd.s32 s22, s9;
	s1 =	sadd.s32 s23, s1;
	[tilespmem:s21+$0x18080] =	vst v5  }
0x10f: {  	s10 =	sadd.s32 s23, s2;
	v5 =	vld [tilespmem:s1+$0x0]  }
0x110: {  	v6 =	vld [tilespmem:s10+$0x0];
	_ =	sdelay $0x3  }
0x111: {  	s11 =	simm.s32 $0x80  }
0x112: {  	s16 =	simm.s32 $0x10;
	s17 =	rddreg [dreg:$0x4];
	s26 =	sand.u32 $0x1C00, s11;
	v5 =	vadd.f32 v6, v5  }
0x113: {  	s14 =	rddreg [dreg:$0x3];
	s25 =	sand.u32 $0x70, s16;
	s5 =	sadd.s32 s26, s17  }
0x114: {  	s18 =	rddreg [dreg:$0x5];
	s8 =	sadd.s32 s25, s5;
	s2 =	sadd.s32 s26, s14;
	v4 =	vadd.f32 v5, v4  }
0x115: {  	v8 =	vld [tilespmem:s8+$0x0];
	s2 =	sadd.s32 s25, s2;
	s1 =	sadd.s32 s26, s18  }
0x116: {  	s20 =	sadd.s32 s26, s0;
	v7 =	vld [tilespmem:s2+$0x0];
	s24 =	rddreg [dreg:$0xa];
	s1 =	sadd.s32 s25, s1;
	v4 =	vmul.f32 $2.500000000e-01, v4  }
0x117: {  	s3 =	sadd.s32 s25, s20;
	s7 =	rddreg [dreg:$0xb];
	s9 =	sadd.s32 s22, s24;
	v9 =	vld [tilespmem:s1+$0x0]  }
0x118: {  	s11 =	sadd.s32 s22, s7;
	s10 =	sadd.s32 s23, s9;
	v6 =	vld [tilespmem:s3+$0xA080];
	[tilespmem:s21+$0x18100] =	vst v4  }
0x119: {  	s14 =	sadd.s32 s23, s11;
	v4 =	vld [tilespmem:s10+$0x0]  }
0x11a: {  	v10 =	vld [tilespmem:s14+$0x0];
	_ =	sdelay $0x2  }
0x11b: {  	v6 =	vadd.f32 v6, v7;
	v7 =	vadd.f32 v9, v8;
	_ =	sdelay $0x1  }
0x11c: {  	v6 =	vadd.f32 v7, v6;
	v4 =	vadd.f32 v10, v4;
	_ =	sdelay $0x1  }
0x11d: {  	s16 =	rddreg [dreg:$0x6];
	v6 =	vmul.f32 $2.500000000e-01, v6;
	v5 =	vadd.f32 v4, v5  }
0x11e: {  	s17 =	rddreg [dreg:$0x7];
	s24 =	sor.u32 s25, s26;
	s1 =	sadd.s32 s26, s16  }
0x11f: {  	s2 =	sadd.s32 s26, s17;
	s1 =	sadd.s32 s25, s1;
	s18 =	rddreg [dreg:$0xc];
	[tilespmem:s24+$0x18000] =	vst v6;
	v5 =	vmul.f32 $2.500000000e-01, v5  }
0x120: {  	s6 =	sadd.s32 s25, s2;
	s20 =	rddreg [dreg:$0xd];
	s7 =	sadd.s32 s22, s18;
	v6 =	vld [tilespmem:s1+$0x0]  }
0x121: {  	s9 =	sadd.s32 s22, s20;
	s8 =	sadd.s32 s23, s7;
	v8 =	vld [tilespmem:s6+$0x0];
	[tilespmem:s21+$0x18180] =	vst v5  }
0x122: {  	s10 =	sadd.s32 s23, s9;
	v5 =	vld [tilespmem:s8+$0x0]  }
0x123: {  	v9 =	vld [tilespmem:s10+$0x0];
	_ =	sdelay $0x2  }
0x124: {  	v6 =	vadd.f32 v8, v6;
	_ =	sdelay $0x1  }
0x125: {  	v7 =	vadd.f32 v6, v7;
	v5 =	vadd.f32 v9, v5;
	_ =	sdelay $0x1  }
0x126: {  	s11 =	rddreg [dreg:$0x8];
	v7 =	vmul.f32 $2.500000000e-01, v7;
	v4 =	vadd.f32 v5, v4  }
0x127: {  	s14 =	rddreg [dreg:$0x9];
	s1 =	sadd.s32 s26, s11  }
0x128: {  	s2 =	sadd.s32 s26, s14;
	s1 =	sadd.s32 s25, s1;
	s16 =	rddreg [dreg:$0xe];
	[tilespmem:s24+$0x18080] =	vst v7;
	v4 =	vmul.f32 $2.500000000e-01, v4  }
0x129: {  	s18 =	sadd.s32 s25, s2;
	s17 =	rddreg [dreg:$0xf];
	s20 =	sadd.s32 s22, s16;
	v7 =	vld [tilespmem:s1+$0x0]  }
0x12a: {  	s6 =	sadd.s32 s22, s17;
	s3 =	sadd.s32 s23, s20;
	v8 =	vld [tilespmem:s18+$0x0];
	[tilespmem:s21+$0x18200] =	vst v4  }
0x12b: {  	s7 =	sadd.s32 s23, s6;
	v4 =	vld [tilespmem:s3+$0x0]  }
0x12c: {  	v9 =	vld [tilespmem:s7+$0x0];
	_ =	sdelay $0x1  }
0x12d: {  	s8 =	simm.s32 $0x100  }
0x12e: {  	s14 =	rddreg [dreg:$0x5];
	s10 =	simm.s32 $0x20;
	s30 =	sand.u32 $0x1C00, s8;
	v7 =	vadd.f32 v8, v7  }
0x12f: {  	s31 =	sand.u32 $0x70, s10;
	s1 =	sadd.s32 s30, s14  }
0x130: {  	s11 =	rddreg [dreg:$0x4];
	s16 =	sadd.s32 s30, s0;
	s1 =	sadd.s32 s31, s1;
	v6 =	vadd.f32 v7, v6;
	v4 =	vadd.f32 v9, v4  }
0x131: {  	s9 =	rddreg [dreg:$0x3];
	s18 =	sadd.s32 s30, s11;
	v11 =	vld [tilespmem:s1+$0x0];
	s3 =	sadd.s32 s31, s16  }
0x132: {  	s2 =	sadd.s32 s30, s9;
	s17 =	rddreg [dreg:$0xa];
	s7 =	sadd.s32 s31, s18;
	v8 =	vld [tilespmem:s3+$0xA080];
	v6 =	vmul.f32 $2.500000000e-01, v6;
	v5 =	vadd.f32 v4, v5  }
0x133: {  	s2 =	sadd.s32 s31, s2;
	s20 =	rddreg [dreg:$0xb];
	s9 =	sadd.s32 s26, s17;
	v10 =	vld [tilespmem:s7+$0x0]  }
0x134: {  	s14 =	sadd.s32 s26, s20;
	s11 =	sadd.s32 s25, s9;
	s8 =	rddreg [dreg:$0x10];
	[tilespmem:s24+$0x18100] =	vst v6;
	v9 =	vld [tilespmem:s2+$0x0];
	v5 =	vmul.f32 $2.500000000e-01, v5  }
0x135: {  	s10 =	rddreg [dreg:$0x11];
	s16 =	sadd.s32 s25, s14;
	s17 =	sadd.s32 s22, s8;
	v6 =	vld [tilespmem:s11+$0x0]  }
0x136: {  	s20 =	sadd.s32 s22, s10;
	s18 =	sadd.s32 s23, s17;
	v12 =	vld [tilespmem:s16+$0x0];
	[tilespmem:s21+$0x18280] =	vst v5  }
0x137: {  	s3 =	sadd.s32 s23, s20;
	v5 =	vld [tilespmem:s18+$0x0]  }
0x138: {  	v13 =	vld [tilespmem:s3+$0x0]  }
0x139: {  	v8 =	vadd.f32 v8, v9;
	v9 =	vadd.f32 v11, v10;
	_ =	sdelay $0x1  }
0x13a: {  	v6 =	vadd.f32 v12, v6;
	v8 =	vadd.f32 v9, v8;
	_ =	sdelay $0x1  }
0x13b: {  	s5 =	rddreg [dreg:$0x6];
	v7 =	vadd.f32 v6, v7;
	v8 =	vmul.f32 $2.500000000e-01, v8;
	v5 =	vadd.f32 v13, v5  }
0x13c: {  	s6 =	rddreg [dreg:$0x7];
	s29 =	sor.u32 s31, s30;
	s1 =	sadd.s32 s30, s5  }
0x13d: {  	s1 =	sadd.s32 s31, s1;
	s7 =	rddreg [dreg:$0xc];
	s2 =	sadd.s32 s30, s6;
	v7 =	vmul.f32 $2.500000000e-01, v7;
	[tilespmem:s29+$0x18000] =	vst v8;
	v4 =	vadd.f32 v5, v4  }
0x13e: {  	s8 =	rddreg [dreg:$0xd];
	s10 =	sadd.s32 s31, s2;
	s11 =	sadd.s32 s26, s7;
	v8 =	vld [tilespmem:s1+$0x0]  }
0x13f: {  	s17 =	sadd.s32 s26, s8;
	s16 =	sadd.s32 s25, s11;
	s9 =	rddreg [dreg:$0x12];
	[tilespmem:s24+$0x18180] =	vst v7;
	v10 =	vld [tilespmem:s10+$0x0];
	v4 =	vmul.f32 $2.500000000e-01, v4  }
0x140: {  	s14 =	rddreg [dreg:$0x13];
	s18 =	sadd.s32 s25, s17;
	s20 =	sadd.s32 s22, s9;
	v7 =	vld [tilespmem:s16+$0x0]  }
0x141: {  	s5 =	sadd.s32 s22, s14;
	s2 =	sadd.s32 s23, s20;
	v11 =	vld [tilespmem:s18+$0x0];
	[tilespmem:s21+$0x18300] =	vst v4  }
0x142: {  	s6 =	sadd.s32 s23, s5;
	v4 =	vld [tilespmem:s2+$0x0]  }
0x143: {  	v12 =	vld [tilespmem:s6+$0x0]  }
0x144: {  	v8 =	vadd.f32 v10, v8;
	_ =	sdelay $0x1  }
0x145: {  	v7 =	vadd.f32 v11, v7;
	v9 =	vadd.f32 v8, v9;
	_ =	sdelay $0x1  }
0x146: {  	s7 =	rddreg [dreg:$0x8];
	v6 =	vadd.f32 v7, v6;
	v9 =	vmul.f32 $2.500000000e-01, v9;
	v4 =	vadd.f32 v12, v4  }
0x147: {  	s8 =	rddreg [dreg:$0x9];
	s1 =	sadd.s32 s30, s7  }
0x148: {  	s9 =	rddreg [dreg:$0xe];
	s1 =	sadd.s32 s31, s1;
	s2 =	sadd.s32 s30, s8;
	v6 =	vmul.f32 $2.500000000e-01, v6;
	[tilespmem:s29+$0x18080] =	vst v9;
	v5 =	vadd.f32 v4, v5  }
0x149: {  	s10 =	rddreg [dreg:$0xf];
	s16 =	sadd.s32 s26, s9;
	s14 =	sadd.s32 s31, s2;
	v9 =	vld [tilespmem:s1+$0x0]  }
0x14a: {  	s20 =	sadd.s32 s26, s10;
	s18 =	sadd.s32 s25, s16;
	s11 =	rddreg [dreg:$0x14];
	[tilespmem:s24+$0x18200] =	vst v6;
	v10 =	vld [tilespmem:s14+$0x0];
	v5 =	vmul.f32 $2.500000000e-01, v5  }
0x14b: {  	s5 =	sadd.s32 s25, s20;
	s17 =	rddreg [dreg:$0x15];
	s6 =	sadd.s32 s22, s11;
	v6 =	vld [tilespmem:s18+$0x0]  }
0x14c: {  	s8 =	sadd.s32 s22, s17;
	s7 =	sadd.s32 s23, s6;
	v11 =	vld [tilespmem:s5+$0x0];
	[tilespmem:s21+$0x18380] =	vst v5  }
0x14d: {  	s9 =	sadd.s32 s23, s8;
	v5 =	vld [tilespmem:s7+$0x0]  }
0x14e: {  	s10 =	simm.s32 $0x180;
	v12 =	vld [tilespmem:s9+$0x0]  }
0x14f: {  	s14 =	simm.s32 $0x30;
	s1 =	sand.u32 $0x1C00, s10;
	v9 =	vadd.f32 v10, v9  }
0x150: {  	s11 =	rddreg [dreg:$0x3];
	s18 =	sadd.s32 s1, s0;
	s7 =	sand.u32 $0x70, s14  }
0x151: {  	s17 =	rddreg [dreg:$0x5];
	s3 =	sadd.s32 s1, s11;
	v6 =	vadd.f32 v11, v6;
	v8 =	vadd.f32 v9, v8;
	s5 =	sadd.s32 s7, s18  }
0x152: {  	s16 =	rddreg [dreg:$0x4];
	s2 =	sadd.s32 s1, s17;
	s3 =	sadd.s32 s7, s3;
	v10 =	vld [tilespmem:s5+$0xA080]  }
0x153: {  	s20 =	rddreg [dreg:$0xa];
	s6 =	sadd.s32 s1, s16;
	v7 =	vadd.f32 v6, v7;
	s2 =	sadd.s32 s7, s2;
	v11 =	vld [tilespmem:s3+$0x0];
	v8 =	vmul.f32 $2.500000000e-01, v8;
	v5 =	vadd.f32 v12, v5  }
0x154: {  	s9 =	rddreg [dreg:$0xb];
	s14 =	sadd.s32 s30, s20;
	s10 =	sadd.s32 s7, s6;
	v13 =	vld [tilespmem:s2+$0x0]  }
0x155: {  	s11 =	rddreg [dreg:$0x10];
	s17 =	sadd.s32 s31, s14;
	s18 =	sadd.s32 s30, s9;
	v7 =	vmul.f32 $2.500000000e-01, v7;
	[tilespmem:s29+$0x18100] =	vst v8;
	v12 =	vld [tilespmem:s10+$0x0];
	v4 =	vadd.f32 v5, v4  }
0x156: {  	s16 =	rddreg [dreg:$0x11];
	s9 =	sadd.s32 s26, s11;
	s3 =	sadd.s32 s31, s18;
	v8 =	vld [tilespmem:s17+$0x0]  }
0x157: {  	s20 =	rddreg [dreg:$0x16];
	s14 =	sadd.s32 s26, s16;
	s11 =	sadd.s32 s25, s9;
	[tilespmem:s24+$0x18280] =	vst v7;
	v14 =	vld [tilespmem:s3+$0x0];
	v4 =	vmul.f32 $2.500000000e-01, v4  }
0x158: {  	s16 =	sadd.s32 s25, s14;
	s10 =	rddreg [dreg:$0x17];
	v7 =	vld [tilespmem:s11+$0x0];
	s17 =	sadd.s32 s22, s20  }
0x159: {  	v15 =	vld [tilespmem:s16+$0x0];
	s18 =	sadd.s32 s23, s17;
	s20 =	sadd.s32 s22, s10;
	[tilespmem:s21+$0x1A000] =	vst v4  }
0x15a: {  	s3 =	sadd.s32 s23, s20;
	v10 =	vadd.f32 v10, v11;
	v11 =	vadd.f32 v13, v12;
	v4 =	vld [tilespmem:s18+$0x0]  }
0x15b: {  	v12 =	vld [tilespmem:s3+$0x0]  }
0x15c: {  	v8 =	vadd.f32 v14, v8;
	v10 =	vadd.f32 v11, v10;
	_ =	sdelay $0x1  }
0x15d: {  	s5 =	rddreg [dreg:$0x6];
	v7 =	vadd.f32 v15, v7;
	v9 =	vadd.f32 v8, v9;
	v10 =	vmul.f32 $2.500000000e-01, v10  }
0x15e: {  	s6 =	rddreg [dreg:$0x7];
	s2 =	sadd.s32 s1, s5;
	s17 =	sor.u32 s7, s1  }
0x15f: {  	s2 =	sadd.s32 s7, s2;
	s8 =	rddreg [dreg:$0xc];
	s3 =	sadd.s32 s1, s6;
	v6 =	vadd.f32 v7, v6;
	v9 =	vmul.f32 $2.500000000e-01, v9;
	[tilespmem:s17+$0x18000] =	vst v10;
	v4 =	vadd.f32 v12, v4  }
0x160: {  	s9 =	rddreg [dreg:$0xd];
	s14 =	sadd.s32 s30, s8;
	s11 =	sadd.s32 s7, s3;
	v10 =	vld [tilespmem:s2+$0x0]  }
0x161: {  	s10 =	rddreg [dreg:$0x12];
	s16 =	sadd.s32 s31, s14;
	s18 =	sadd.s32 s30, s9;
	v6 =	vmul.f32 $2.500000000e-01, v6;
	[tilespmem:s29+$0x18180] =	vst v9;
	v12 =	vld [tilespmem:s11+$0x0];
	v5 =	vadd.f32 v4, v5  }
0x162: {  	s5 =	rddreg [dreg:$0x13];
	s10 =	sadd.s32 s26, s10;
	s9 =	sadd.s32 s31, s18;
	v9 =	vld [tilespmem:s16+$0x0]  }
0x163: {  	s14 =	sadd.s32 s25, s10;
	s20 =	rddreg [dreg:$0x18];
	[tilespmem:s24+$0x18300] =	vst v6;
	v13 =	vld [tilespmem:s9+$0x0];
	s16 =	sadd.s32 s26, s5;
	v5 =	vmul.f32 $2.500000000e-01, v5  }
0x164: {  	s20 =	sadd.s32 s22, s20;
	s11 =	rddreg [dreg:$0x19];
	v6 =	vld [tilespmem:s14+$0x0];
	s18 =	sadd.s32 s25, s16  }
0x165: {  	s5 =	sadd.s32 s23, s20;
	s6 =	sadd.s32 s22, s11;
	v14 =	vld [tilespmem:s18+$0x0];
	[tilespmem:s21+$0x1A080] =	vst v5  }
0x166: {  	s8 =	sadd.s32 s23, s6;
	v5 =	vadd.f32 v12, v10;
	v10 =	vld [tilespmem:s5+$0x0]  }
0x167: {  	v12 =	vld [tilespmem:s8+$0x0]  }
0x168: {  	v9 =	vadd.f32 v13, v9;
	v11 =	vadd.f32 v5, v11;
	_ =	sdelay $0x1  }
0x169: {  	s9 =	rddreg [dreg:$0x8];
	v8 =	vadd.f32 v9, v8;
	v6 =	vadd.f32 v14, v6;
	v11 =	vmul.f32 $2.500000000e-01, v11  }
0x16a: {  	s10 =	rddreg [dreg:$0x9];
	s2 =	sadd.s32 s1, s9  }
0x16b: {  	s11 =	rddreg [dreg:$0xe];
	s3 =	sadd.s32 s1, s10;
	s2 =	sadd.s32 s7, s2;
	v8 =	vmul.f32 $2.500000000e-01, v8;
	v7 =	vadd.f32 v6, v7;
	[tilespmem:s17+$0x18080] =	vst v11;
	v10 =	vadd.f32 v12, v10  }
0x16c: {  	s14 =	rddreg [dreg:$0xf];
	s16 =	sadd.s32 s7, s3;
	s18 =	sadd.s32 s30, s11;
	v11 =	vld [tilespmem:s2+$0x0]  }
0x16d: {  	s20 =	rddreg [dreg:$0x15];
	s10 =	sadd.s32 s30, s14;
	s9 =	sadd.s32 s31, s18;
	[tilespmem:s29+$0x18200] =	vst v8;
	v7 =	vmul.f32 $2.500000000e-01, v7;
	v12 =	vld [tilespmem:s16+$0x0];
	v4 =	vadd.f32 v10, v4  }
0x16e: {  	s20 =	sadd.s32 s26, s20;
	s14 =	sadd.s32 s31, s10;
	s8 =	rddreg [dreg:$0x14];
	v8 =	vld [tilespmem:s9+$0x0]  }
0x16f: {  	s11 =	rddreg [dreg:$0x1a];
	s5 =	sadd.s32 s25, s20;
	v13 =	vld [tilespmem:s14+$0x0];
	s16 =	sadd.s32 s26, s8;
	[tilespmem:s24+$0x18380] =	vst v7;
	v4 =	vmul.f32 $2.500000000e-01, v4  }
0x170: {  	s10 =	sadd.s32 s22, s11;
	s8 =	rddreg [dreg:$0x1b];
	s18 =	sadd.s32 s25, s16;
	v14 =	vld [tilespmem:s5+$0x0]  }
0x171: {  	s16 =	sadd.s32 s23, s10;
	v7 =	vld [tilespmem:s18+$0x0];
	s18 =	sadd.s32 s22, s8;
	[tilespmem:s21+$0x1A100] =	vst v4  }
0x172: {  	s9 =	simm.s32 $0x200;
	s3 =	sadd.s32 s23, s18;
	v11 =	vadd.f32 v12, v11;
	v4 =	vld [tilespmem:s16+$0x0]  }
0x173: {  	s14 =	simm.s32 $0x40;
	s8 =	sand.u32 $0x1C00, s9;
	v12 =	vld [tilespmem:s3+$0x0]  }
0x174: {  	s11 =	rddreg [dreg:$0x3];
	s2 =	sand.u32 $0x70, s14;
	s9 =	sadd.s32 s8, s0;
	v8 =	vadd.f32 v13, v8;
	v5 =	vadd.f32 v11, v5  }
0x175: {  	s20 =	rddreg [dreg:$0x4];
	s5 =	sadd.s32 s8, s11;
	s9 =	sadd.s32 s2, s9  }
0x176: {  	s10 =	rddreg [dreg:$0x5];
	s6 =	sadd.s32 s8, s20;
	s5 =	sadd.s32 s2, s5;
	v13 =	vld [tilespmem:s9+$0xA080];
	v9 =	vadd.f32 v8, v9;
	v7 =	vadd.f32 v14, v7;
	v5 =	vmul.f32 $2.500000000e-01, v5  }
0x177: {  	s11 =	rddreg [dreg:$0xa];
	s18 =	sadd.s32 s2, s6;
	v15 =	vld [tilespmem:s5+$0x0];
	s3 =	sadd.s32 s8, s10  }
0x178: {  	s20 =	sadd.s32 s1, s11;
	s16 =	rddreg [dreg:$0xb];
	v14 =	vld [tilespmem:s18+$0x0];
	s3 =	sadd.s32 s2, s3;
	v6 =	vadd.f32 v7, v6;
	[tilespmem:s17+$0x18100] =	vst v5;
	v5 =	vmul.f32 $2.500000000e-01, v9;
	v9 =	vadd.f32 v12, v4  }
0x179: {  	s6 =	rddreg [dreg:$0x10];
	s11 =	sadd.s32 s7, s20;
	s16 =	sadd.s32 s1, s16;
	v58 =	vld [tilespmem:s3+$0x0]  }
0x17a: {  	s20 =	sadd.s32 s30, s6;
	s10 =	rddreg [dreg:$0x11];
	s18 =	sadd.s32 s7, s16;
	v4 =	vld [tilespmem:s11+$0x0];
	[tilespmem:s29+$0x18280] =	vst v5;
	v5 =	vmul.f32 $2.500000000e-01, v6;
	v6 =	vadd.f32 v9, v10  }
0x17b: {  	s9 =	rddreg [dreg:$0x16];
	s5 =	sadd.s32 s31, s20;
	v12 =	vld [tilespmem:s18+$0x0];
	s11 =	sadd.s32 s30, s10  }
0x17c: {  	s6 =	rddreg [dreg:$0x17];
	s18 =	sadd.s32 s26, s9;
	s16 =	sadd.s32 s31, s11;
	v10 =	vld [tilespmem:s5+$0x0];
	[tilespmem:s24+$0x1A000] =	vst v5;
	v5 =	vmul.f32 $2.500000000e-01, v6  }
0x17d: {  	s6 =	sadd.s32 s26, s6;
	s10 =	rddreg [dreg:$0x1c];
	v59 =	vld [tilespmem:s16+$0x0];
	s5 =	sadd.s32 s25, s18  }
0x17e: {  	s20 =	rddreg [dreg:$0x1d];
	s11 =	sadd.s32 s25, s6;
	s16 =	sadd.s32 s22, s10;
	v6 =	vld [tilespmem:s5+$0x0];
	[tilespmem:s21+$0x1A180] =	vst v5;
	v5 =	vadd.f32 v13, v15;
	v13 =	vadd.f32 v58, v14  }
0x17f: {  	s20 =	sadd.s32 s22, s20;
	s18 =	sadd.s32 s23, s16;
	v60 =	vld [tilespmem:s11+$0x0]  }
0x180: {  	s6 =	sadd.s32 s23, s20;
	v12 =	vadd.f32 v12, v4;
	v14 =	vld [tilespmem:s18+$0x0];
	v5 =	vadd.f32 v13, v5  }
0x181: {  	s9 =	rddreg [dreg:$0x6];
	v4 =	vld [tilespmem:s6+$0x0]  }
0x182: {  	s10 =	rddreg [dreg:$0x7];
	v11 =	vadd.f32 v12, v11;
	v5 =	vmul.f32 $2.500000000e-01, v5  }
0x183: {  	s16 =	rddreg [dreg:$0x12];
	s5 =	sor.u32 s2, s8;
	s6 =	sadd.s32 s8, s9;
	v15 =	vadd.f32 v59, v10  }
0x184: {  	s3 =	sadd.s32 s8, s10;
	s11 =	rddreg [dreg:$0xc];
	s6 =	sadd.s32 s2, s6;
	[tilespmem:s5+$0x18000] =	vst v5;
	v5 =	vmul.f32 $2.500000000e-01, v11  }
0x185: {  	s3 =	sadd.s32 s2, s3;
	s20 =	sadd.s32 s1, s11;
	s18 =	rddreg [dreg:$0xd];
	v61 =	vadd.f32 v60, v6;
	v6 =	vadd.f32 v15, v8;
	v8 =	vld [tilespmem:s6+$0x0]  }
0x186: {  	s9 =	rddreg [dreg:$0x13];
	s11 =	sadd.s32 s1, s18;
	v4 =	vadd.f32 v4, v14;
	v10 =	vld [tilespmem:s3+$0x0];
	s6 =	sadd.s32 s7, s20;
	[tilespmem:s17+$0x18180] =	vst v5  }
0x187: {  	s10 =	rddreg [dreg:$0x18];
	s9 =	sadd.s32 s30, s9;
	s18 =	sadd.s32 s7, s11;
	v6 =	vmul.f32 $2.500000000e-01, v6;
	v5 =	vadd.f32 v61, v7;
	v7 =	vld [tilespmem:s6+$0x0]  }
0x188: {  	s16 =	sadd.s32 s30, s16;
	s11 =	sadd.s32 s31, s9;
	s9 =	sld [smem:$0x7F1];
	v9 =	vadd.f32 v4, v9;
	v11 =	vld [tilespmem:s18+$0x0]  }
0x189: {  	s16 =	sadd.s32 s31, s16;
	s20 =	rddreg [dreg:$0x1e];
	[tilespmem:s29+$0x18300] =	vst v6;
	v5 =	vmul.f32 $2.500000000e-01, v5  }
0x18a: {  	s10 =	sadd.s32 s26, s10;
	s6 =	rddreg [dreg:$0x19];
	v14 =	vld [tilespmem:s16+$0x0];
	v6 =	vmul.f32 $2.500000000e-01, v9  }
0x18b: {  	s10 =	sadd.s32 s25, s10;
	s18 =	rddreg [dreg:$0x1f];
	s6 =	sadd.s32 s26, s6;
	[tilespmem:s24+$0x1A080] =	vst v5;
	v5 =	vld [tilespmem:s11+$0x0];
	v10 =	vadd.f32 v10, v8  }
0x18c: {  	s3 =	sadd.s32 s22, s20;
	s28 =	rddreg [dreg:$0x14];
	s6 =	sadd.s32 s25, s6;
	[tilespmem:s21+$0x1A200] =	vst v6;
	v6 =	vld [tilespmem:s10+$0x0]  }
0x18d: {  	s3 =	sadd.s32 s23, s3;
	s16 =	sadd.s32 s22, s18;
	s18 =	rddreg [dreg:$0x8];
	v8 =	vld [tilespmem:s6+$0x0];
	v13 =	vadd.f32 v10, v13;
	v9 =	vadd.f32 v11, v7  }
0x18e: {  	s20 =	sadd.s32 s23, s16;
	s10 =	sld [smem:$0x7F2];
	v62 =	vld [tilespmem:s3+$0x0]  }
0x18f: {  	s6 =	rddreg [dreg:$0x9];
	v63 =	vld [tilespmem:s20+$0x0];
	v11 =	vmul.f32 $2.500000000e-01, v13;
	v12 =	vadd.f32 v9, v12  }
0x190: {  	s16 =	simm.s32 $0x280;
	s11 =	sadd.s32 s8, s18;
	s3 =	rddreg [dreg:$0xe];
	v7 =	vadd.f32 v5, v14  }
0x191: {  	s20 =	rddreg [dreg:$0xf];
	s18 =	sadd.s32 s2, s11;
	s6 =	sadd.s32 s8, s6;
	[tilespmem:s5+$0x18080] =	vst v11;
	v5 =	vmul.f32 $2.500000000e-01, v12  }
0x192: {  	s11 =	sadd.s32 s1, s3;
	s3 =	rddreg [dreg:$0x15];
	s6 =	sadd.s32 s2, s6;
	v6 =	vadd.f32 v8, v6;
	v11 =	vadd.f32 v7, v15;
	v13 =	vld [tilespmem:s18+$0x0]  }
0x193: {  	s20 =	sadd.s32 s1, s20;
	s11 =	sadd.s32 s7, s11;
	v14 =	vld [tilespmem:s6+$0x0];
	s18 =	rddreg [dreg:$0x1a];
	[tilespmem:s17+$0x18200] =	vst v5  }
0x194: {  	s20 =	sadd.s32 s7, s20;
	s6 =	sadd.s32 s30, s28;
	s28 =	rddreg [dreg:$0x1b];
	v8 =	vadd.f32 v6, v61;
	v5 =	vadd.f32 v63, v62;
	v11 =	vmul.f32 $2.500000000e-01, v11;
	v12 =	vld [tilespmem:s11+$0x0]  }
.LBB2_5:
0x195: {  	s14 =	sadd.s32 $0x10, s14;
	s6 =	sadd.s32 s31, s6  }
0x196: {  	v15 =	vld [tilespmem:s20+$0x0];
	s20 =	sadd.s32 s30, s3;
	s3 =	smov.u32 s17;
	s17 =	smov.u32 s5;
	[tilespmem:s29+$0x18380] =	vst v11;
	v8 =	vmul.f32 $2.500000000e-01, v8;
	v4 =	vadd.f32 v5, v4  }
0x197: {  	s11 =	rddreg [dreg:$0x3];
	s18 =	sadd.s32 s26, s18;
	v11 =	vld [tilespmem:s6+$0x0];
	s6 =	sadd.s32 s31, s20  }
0x198: {  	s5 =	sand.u32 $0x1C00, s16;
	v16 =	vld [tilespmem:s6+$0x0];
	[tilespmem:s24+$0x1A100] =	vst v8;
	s6 =	sadd.s32 s25, s18;
	s18 =	sadd.s32 s26, s28;
	v4 =	vmul.f32 $2.500000000e-01, v4  }
0x199: {  	s20 =	rddreg [dreg:$0x4];
	s9 =	sadd.s32 s22, s9;
	v8 =	vld [tilespmem:s6+$0x0];
	s6 =	sadd.s32 s25, s18  }
0x19a: {  	s28 =	rddreg [dreg:$0x5];
	v13 =	vadd.f32 v14, v13;
	v14 =	vld [tilespmem:s6+$0x0];
	[tilespmem:s21+$0x1A280] =	vst v4;
	s6 =	sadd.s32 s23, s9;
	s9 =	sadd.s32 s22, s10  }
0x19b: {  	s18 =	sand.u32 $0x70, s14;
	s10 =	sadd.s32 s5, s0;
	v4 =	vld [tilespmem:s6+$0x0];
	s6 =	sadd.s32 s23, s9  }
0x19c: {  	v10 =	vadd.f32 v13, v10;
	v12 =	vadd.f32 v15, v12;
	s9 =	sadd.s32 s5, s11;
	s10 =	sadd.s32 s18, s10;
	s11 =	rddreg [dreg:$0xa];
	v15 =	vld [tilespmem:s6+$0x0]  }
0x19d: {  	s20 =	sadd.s32 s5, s20;
	s9 =	sadd.s32 s18, s9;
	v17 =	vld [tilespmem:s10+$0xA080];
	s10 =	rddreg [dreg:$0xb]  }
0x19e: {  	s6 =	sadd.s32 s18, s20;
	v10 =	vmul.f32 $2.500000000e-01, v10;
	v9 =	vadd.f32 v12, v9;
	s20 =	rddreg [dreg:$0x10];
	v18 =	vld [tilespmem:s9+$0x0];
	s9 =	sadd.s32 s5, s28;
	v11 =	vadd.f32 v16, v11  }
0x19f: {  	v57 =	vld [tilespmem:s6+$0x0];
	s6 =	sadd.s32 s18, s9;
	s9 =	sadd.s32 s8, s11;
	s11 =	rddreg [dreg:$0x11]  }
0x1a0: {  	v9 =	vmul.f32 $2.500000000e-01, v9;
	v19 =	vld [tilespmem:s6+$0x0];
	[tilespmem:s17+$0x18100] =	vst v10;
	s6 =	sadd.s32 s2, s9;
	s9 =	sadd.s32 s8, s10;
	v7 =	vadd.f32 v11, v7;
	s10 =	rddreg [dreg:$0x16];
	v8 =	vadd.f32 v14, v8  }
0x1a1: {  	v10 =	vld [tilespmem:s6+$0x0];
	s6 =	sadd.s32 s2, s9;
	s9 =	sadd.s32 s1, s20;
	s20 =	rddreg [dreg:$0x17]  }
0x1a2: {  	v14 =	vadd.f32 v15, v4;
	v4 =	vld [tilespmem:s6+$0x0];
	[tilespmem:s3+$0x18280] =	vst v9;
	s6 =	sadd.s32 s7, s9;
	s9 =	sadd.s32 s1, s11;
	v7 =	vmul.f32 $2.500000000e-01, v7;
	v6 =	vadd.f32 v8, v6;
	s11 =	rddreg [dreg:$0x1c]  }
0x1a3: {  	v9 =	vld [tilespmem:s6+$0x0];
	s6 =	sadd.s32 s7, s9;
	s9 =	sadd.s32 s30, s10;
	s10 =	sld [smem:$0x7EF]  }
0x1a4: {  	v15 =	vld [tilespmem:s6+$0x0];
	[tilespmem:s29+$0x1A000] =	vst v7;
	s6 =	sadd.s32 s31, s9;
	s9 =	sadd.s32 s30, s20;
	v6 =	vmul.f32 $2.500000000e-01, v6;
	s20 =	sld [smem:$0x7F0]  }
0x1a5: {  	v5 =	vadd.f32 v14, v5;
	v7 =	vld [tilespmem:s6+$0x0];
	s6 =	sadd.s32 s31, s9;
	s9 =	sadd.s32 s26, s11  }
0x1a6: {  	s28 =	rddreg [dreg:$0x14];
	v20 =	vld [tilespmem:s6+$0x0];
	[tilespmem:s24+$0x1A180] =	vst v6;
	s9 =	sadd.s32 s25, s9;
	s10 =	sadd.s32 s22, s10  }
0x1a7: {  	s11 =	rddreg [dreg:$0x1d];
	v16 =	vadd.f32 v19, v57;
	v5 =	vmul.f32 $2.500000000e-01, v5;
	v6 =	vadd.f32 v17, v18;
	v58 =	vld [tilespmem:s9+$0x0];
	s9 =	sadd.s32 s23, s10;
	s10 =	sadd.s32 s22, s20  }
0x1a8: {  	s22 =	smov.u32 s26;
	s26 =	smov.u32 s30;
	s30 =	smov.u32 s1  }
0x1a9: {  	v59 =	vadd.f32 v4, v10;
	s1 =	smov.u32 s8;
	s8 =	smov.u32 s5;
	[tilespmem:s21+$0x1A300] =	vst v5;
	s20 =	sadd.s32 s22, s11;
	v6 =	vadd.f32 v16, v6  }
0x1aa: {  	s11 =	rddreg [dreg:$0x6];
	s5 =	sor.u32 s18, s8;
	v5 =	vld [tilespmem:s9+$0x0];
	s9 =	sadd.s32 s23, s10  }
0x1ab: {  	s10 =	sadd.s32 s25, s20;
	s20 =	rddreg [dreg:$0x7];
	v13 =	vadd.f32 v59, v13;
	s23 =	smov.u32 s25;
	v4 =	vld [tilespmem:s9+$0x0];
	v6 =	vmul.f32 $2.500000000e-01, v6  }
0x1ac: {  	v15 =	vadd.f32 v15, v9;
	s25 =	smov.u32 s31;
	v10 =	vld [tilespmem:s10+$0x0];
	s10 =	rddreg [dreg:$0xc];
	s9 =	sadd.s32 s8, s11  }
0x1ad: {  	s11 =	rddreg [dreg:$0xd];
	s6 =	sadd.s32 s8, s20;
	s9 =	sadd.s32 s18, s9;
	[tilespmem:s5+$0x18000] =	vst v6;
	v6 =	vmul.f32 $2.500000000e-01, v13  }
0x1ae: {  	s20 =	rddreg [dreg:$0x12];
	v9 =	vadd.f32 v15, v12;
	v12 =	vadd.f32 v20, v7;
	s6 =	sadd.s32 s18, s6;
	v7 =	vld [tilespmem:s9+$0x0];
	s9 =	sadd.s32 s1, s10  }
0x1af: {  	s10 =	rddreg [dreg:$0x13];
	v13 =	vld [tilespmem:s6+$0x0];
	[tilespmem:s17+$0x18180] =	vst v6;
	s6 =	sadd.s32 s2, s9;
	s9 =	sadd.s32 s1, s11  }
0x1b0: {  	v6 =	vmul.f32 $2.500000000e-01, v9;
	v9 =	vadd.f32 v12, v11;
	v5 =	vadd.f32 v4, v5;
	v11 =	vld [tilespmem:s6+$0x0];
	s6 =	sadd.s32 s2, s9;
	s9 =	sadd.s32 s30, s20;
	s20 =	rddreg [dreg:$0x19]  }
0x1b1: {  	s31 =	smov.u32 s7;
	s11 =	rddreg [dreg:$0x18];
	v4 =	vadd.f32 v10, v58;
	s20 =	sadd.s32 s26, s20  }
0x1b2: {  	v5 =	vadd.f32 v5, v14;
	v14 =	vld [tilespmem:s6+$0x0];
	[tilespmem:s3+$0x18300] =	vst v6;
	s6 =	sadd.s32 s7, s9;
	s9 =	sadd.s32 s30, s10;
	s10 =	rddreg [dreg:$0x1e]  }
0x1b3: {  	v6 =	vmul.f32 $2.500000000e-01, v9;
	v8 =	vadd.f32 v4, v8;
	v60 =	vld [tilespmem:s6+$0x0];
	s6 =	sadd.s32 s7, s9;
	s9 =	sadd.s32 s26, s11;
	s11 =	rddreg [dreg:$0x1f]  }
0x1b4: {  	s7 =	sadd.s32 s25, s20;
	s20 =	sadd.s32 s22, s10;
	s10 =	sld [smem:$0x7F2];
	v5 =	vmul.f32 $2.500000000e-01, v5  }
0x1b5: {  	v10 =	vadd.f32 v13, v7;
	v61 =	vld [tilespmem:s6+$0x0];
	[tilespmem:s29+$0x1A080] =	vst v6;
	s9 =	sadd.s32 s25, s9;
	v6 =	vmul.f32 $2.500000000e-01, v8;
	s6 =	rddreg [dreg:$0xe]  }
0x1b6: {  	s16 =	sadd.s32 $0x80, s16;
	p1 =	slt.u32 s14, $0x3F0;
	v8 =	vld [tilespmem:s9+$0x0];
	s9 =	sld [smem:$0x7F1];
	[tilespmem:s21+$0x1A380] =	vst v5  }
0x1b7: {  	v5 =	vld [tilespmem:s7+$0x0];
	[tilespmem:s24+$0x1A200] =	vst v6;
	s7 =	sadd.s32 s23, s20;
	s20 =	sadd.s32 s22, s11;
	v6 =	vadd.f32 v10, v16;
	s11 =	rddreg [dreg:$0x8];
	v9 =	vadd.f32 v14, v11  }
0x1b8: {  	v62 =	vld [tilespmem:s7+$0x0];
	s21 =	sadd.s32 s23, s20;
	s7 =	smov.u32 s2;
	s20 =	rddreg [dreg:$0x9]  }
0x1b9: {  	s2 =	smov.u32 s18;
	s18 =	sadd.s32 s8, s11;
	s11 =	rddreg [dreg:$0xf];
	v63 =	vld [tilespmem:s21+$0x0];
	v6 =	vmul.f32 $2.500000000e-01, v6;
	v11 =	vadd.f32 v9, v59  }
.Ltmp1:
0x1ba: {  	s21 =	smov.u32 s24;
	v7 =	vadd.f32 v61, v60;
	s24 =	smov.u32 s29;
	(pc) =	sbr.rel @p1 .LBB2_5-.Ltmp1, $4  }
0x1bb: {  	s29 =	smov.u32 s3;
	s3 =	sadd.s32 s2, s18;
	s20 =	sadd.s32 s8, s20;
	[tilespmem:s5+$0x18080] =	vst v6;
	v11 =	vmul.f32 $2.500000000e-01, v11  }
0x1bc: {  	s6 =	sadd.s32 s1, s6;
	s18 =	sadd.s32 s2, s20;
	v15 =	vadd.f32 v7, v15;
	v6 =	vadd.f32 v5, v8;
	v13 =	vld [tilespmem:s3+$0x0];
	s3 =	rddreg [dreg:$0x15]  }
0x1bd: {  	s6 =	sadd.s32 s7, s6;
	s11 =	sadd.s32 s1, s11;
	v14 =	vld [tilespmem:s18+$0x0];
	s18 =	rddreg [dreg:$0x1a];
	[tilespmem:s17+$0x18200] =	vst v11  }
0x1be: {  	s20 =	sadd.s32 s7, s11;
	v11 =	vmul.f32 $2.500000000e-01, v15;
	v8 =	vadd.f32 v6, v12;
	v5 =	vadd.f32 v63, v62;
	v12 =	vld [tilespmem:s6+$0x0];
	s6 =	sadd.s32 s30, s28;
	s28 =	rddreg [dreg:$0x1b]  }
0x1bf: {  	_ =	sdelay $0x2  }
0x1c0: {  	v13 =	vadd.f32 v14, v13;
	_ =	sdelay $0x1  }
0x1c1: {  	v10 =	vadd.f32 v13, v10;
	_ =	sdelay $0x1  }
0x1c2: {  	s0 =	rddreg [dreg:$0xa];
	v10 =	vmul.f32 $2.500000000e-01, v10  }
0x1c3: {  	s11 =	rddreg [dreg:$0xb];
	s0 =	sadd.s32 s8, s0  }
0x1c4: {  	s11 =	sadd.s32 s8, s11;
	s0 =	sadd.s32 s2, s0;
	[tilespmem:s5+$0x18100] =	vst v10  }
0x1c5: {  	s11 =	sadd.s32 s2, s11;
	v10 =	vld [tilespmem:s0+$0x0]  }
0x1c6: {  	v23 =	vld [tilespmem:s11+$0x0];
	_ =	sdelay $0x4  }
0x1c7: {  	v10 =	vadd.f32 v23, v10;
	_ =	sdelay $0x1  }
0x1c8: {  	v13 =	vadd.f32 v10, v13;
	_ =	sdelay $0x1  }
0x1c9: {  	s14 =	rddreg [dreg:$0xc];
	v13 =	vmul.f32 $2.500000000e-01, v13  }
0x1ca: {  	s16 =	rddreg [dreg:$0xd];
	s0 =	sadd.s32 s8, s14  }
0x1cb: {  	s11 =	sadd.s32 s8, s16;
	s0 =	sadd.s32 s2, s0;
	[tilespmem:s5+$0x18180] =	vst v13  }
0x1cc: {  	s11 =	sadd.s32 s2, s11;
	v13 =	vld [tilespmem:s0+$0x0]  }
0x1cd: {  	v24 =	vld [tilespmem:s11+$0x0];
	_ =	sdelay $0x4  }
0x1ce: {  	v13 =	vadd.f32 v24, v13;
	_ =	sdelay $0x1  }
0x1cf: {  	v10 =	vadd.f32 v13, v10;
	_ =	sdelay $0x1  }
0x1d0: {  	s14 =	rddreg [dreg:$0xe];
	v10 =	vmul.f32 $2.500000000e-01, v10  }
0x1d1: {  	s16 =	rddreg [dreg:$0xf];
	s0 =	sadd.s32 s8, s14  }
0x1d2: {  	v25 =	vld [tilespmem:s20+$0x0];
	s11 =	sadd.s32 s8, s16;
	s0 =	sadd.s32 s2, s0;
	[tilespmem:s5+$0x18200] =	vst v10  }
0x1d3: {  	s14 =	sadd.s32 s2, s11;
	v10 =	vld [tilespmem:s0+$0x0]  }
0x1d4: {  	v15 =	vld [tilespmem:s14+$0x0];
	_ =	sdelay $0x2  }
0x1d5: {  	v12 =	vadd.f32 v25, v12;
	_ =	sdelay $0x1  }
0x1d6: {  	v9 =	vadd.f32 v12, v9;
	v10 =	vadd.f32 v15, v10;
	_ =	sdelay $0x1  }
0x1d7: {  	s20 =	rddreg [dreg:$0x11];
	v9 =	vmul.f32 $2.500000000e-01, v9;
	v13 =	vadd.f32 v10, v13  }
0x1d8: {  	s16 =	rddreg [dreg:$0x10];
	s11 =	sadd.s32 s1, s20  }
0x1d9: {  	[tilespmem:s17+$0x18280] =	vst v9;
	s11 =	sadd.s32 s7, s11;
	s14 =	rddreg [dreg:$0x10];
	s0 =	sadd.s32 s1, s16;
	v26 =	vmul.f32 $2.500000000e-01, v13  }
0x1da: {  	v28 =	vld [tilespmem:s11+$0x0];
	s16 =	rddreg [dreg:$0x11];
	s0 =	sadd.s32 s7, s0;
	s20 =	sadd.s32 s8, s14  }
0x1db: {  	s16 =	sadd.s32 s8, s16;
	v27 =	vld [tilespmem:s0+$0x0];
	s14 =	sadd.s32 s2, s20;
	[tilespmem:s5+$0x18280] =	vst v26  }
0x1dc: {  	s20 =	sadd.s32 s2, s16;
	v9 =	vld [tilespmem:s14+$0x0]  }
0x1dd: {  	v29 =	vld [tilespmem:s20+$0x0];
	_ =	sdelay $0x2  }
0x1de: {  	v13 =	vadd.f32 v28, v27;
	_ =	sdelay $0x1  }
0x1df: {  	v12 =	vadd.f32 v13, v12;
	v9 =	vadd.f32 v29, v9;
	_ =	sdelay $0x1  }
0x1e0: {  	s11 =	rddreg [dreg:$0x12];
	v12 =	vmul.f32 $2.500000000e-01, v12;
	v10 =	vadd.f32 v9, v10  }
0x1e1: {  	s0 =	sadd.s32 s1, s11;
	s14 =	rddreg [dreg:$0x13]  }
0x1e2: {  	s0 =	sadd.s32 s7, s0;
	s20 =	rddreg [dreg:$0x12];
	s11 =	sadd.s32 s1, s14;
	[tilespmem:s17+$0x18300] =	vst v12;
	v10 =	vmul.f32 $2.500000000e-01, v10  }
0x1e3: {  	s16 =	rddreg [dreg:$0x13];
	s20 =	sadd.s32 s8, s20;
	s11 =	sadd.s32 s7, s11;
	v12 =	vld [tilespmem:s0+$0x0]  }
0x1e4: {  	s14 =	sadd.s32 s2, s20;
	s20 =	sadd.s32 s8, s16;
	v30 =	vld [tilespmem:s11+$0x0];
	[tilespmem:s5+$0x18300] =	vst v10  }
0x1e5: {  	s11 =	sadd.s32 s2, s20;
	v10 =	vld [tilespmem:s14+$0x0]  }
0x1e6: {  	v31 =	vld [tilespmem:s11+$0x0];
	_ =	sdelay $0x2  }
0x1e7: {  	v12 =	vadd.f32 v30, v12;
	_ =	sdelay $0x1  }
0x1e8: {  	v13 =	vadd.f32 v12, v13;
	v10 =	vadd.f32 v31, v10;
	_ =	sdelay $0x1  }
0x1e9: {  	s6 =	sadd.s32 s31, s6;
	s3 =	sadd.s32 s30, s3;
	[tilespmem:s29+$0x18380] =	vst v11;
	s14 =	rddreg [dreg:$0x14];
	v32 =	vmul.f32 $2.500000000e-01, v13;
	v9 =	vadd.f32 v10, v9  }
0x1ea: {  	s3 =	sadd.s32 s31, s3;
	v33 =	vld [tilespmem:s6+$0x0];
	s16 =	rddreg [dreg:$0x15];
	s0 =	sadd.s32 s1, s14  }
0x1eb: {  	v34 =	vld [tilespmem:s3+$0x0];
	s20 =	rddreg [dreg:$0x14];
	s11 =	sadd.s32 s1, s16;
	s0 =	sadd.s32 s7, s0;
	[tilespmem:s17+$0x18380] =	vst v32;
	v9 =	vmul.f32 $2.500000000e-01, v9  }
0x1ec: {  	s6 =	rddreg [dreg:$0x15];
	s16 =	sadd.s32 s7, s11;
	s20 =	sadd.s32 s8, s20;
	v11 =	vld [tilespmem:s0+$0x0]  }
0x1ed: {  	s6 =	sadd.s32 s8, s6;
	s3 =	sadd.s32 s2, s20;
	v35 =	vld [tilespmem:s16+$0x0];
	[tilespmem:s5+$0x18380] =	vst v9  }
0x1ee: {  	s11 =	sadd.s32 s2, s6;
	v9 =	vld [tilespmem:s3+$0x0]  }
0x1ef: {  	v16 =	vld [tilespmem:s11+$0x0]  }
0x1f0: {  	v13 =	vadd.f32 v34, v33;
	_ =	sdelay $0x1  }
0x1f1: {  	v7 =	vadd.f32 v13, v7;
	v11 =	vadd.f32 v35, v11;
	_ =	sdelay $0x1  }
0x1f2: {  	s14 =	rddreg [dreg:$0x16];
	v7 =	vmul.f32 $2.500000000e-01, v7;
	v12 =	vadd.f32 v11, v12;
	v9 =	vadd.f32 v16, v9  }
0x1f3: {  	s16 =	rddreg [dreg:$0x17];
	s0 =	sadd.s32 s30, s14  }
0x1f4: {  	s20 =	rddreg [dreg:$0x16];
	s0 =	sadd.s32 s31, s0;
	[tilespmem:s29+$0x1A000] =	vst v7;
	s3 =	sadd.s32 s30, s16;
	v36 =	vmul.f32 $2.500000000e-01, v12;
	v10 =	vadd.f32 v9, v10  }
0x1f5: {  	s20 =	sadd.s32 s1, s20;
	v37 =	vld [tilespmem:s0+$0x0];
	s11 =	rddreg [dreg:$0x17];
	s16 =	sadd.s32 s31, s3  }
0x1f6: {  	s14 =	rddreg [dreg:$0x16];
	s3 =	sadd.s32 s7, s20;
	s11 =	sadd.s32 s1, s11;
	v38 =	vld [tilespmem:s16+$0x0];
	[tilespmem:s17+$0x1A000] =	vst v36;
	v39 =	vmul.f32 $2.500000000e-01, v10  }
0x1f7: {  	s6 =	rddreg [dreg:$0x17];
	s20 =	sadd.s32 s8, s14;
	s16 =	sadd.s32 s7, s11;
	v40 =	vld [tilespmem:s3+$0x0]  }
0x1f8: {  	s6 =	sadd.s32 s8, s6;
	v41 =	vld [tilespmem:s16+$0x0];
	s3 =	sadd.s32 s2, s20;
	[tilespmem:s5+$0x1A000] =	vst v39  }
0x1f9: {  	s11 =	sadd.s32 s2, s6;
	v7 =	vld [tilespmem:s3+$0x0]  }
0x1fa: {  	v42 =	vld [tilespmem:s11+$0x0]  }
0x1fb: {  	v12 =	vadd.f32 v38, v37;
	_ =	sdelay $0x1  }
0x1fc: {  	v13 =	vadd.f32 v12, v13;
	v10 =	vadd.f32 v41, v40;
	_ =	sdelay $0x1  }
0x1fd: {  	s14 =	rddreg [dreg:$0x18];
	v13 =	vmul.f32 $2.500000000e-01, v13;
	v11 =	vadd.f32 v10, v11;
	v7 =	vadd.f32 v42, v7  }
0x1fe: {  	s0 =	sadd.s32 s30, s14;
	s16 =	rddreg [dreg:$0x19]  }
0x1ff: {  	s0 =	sadd.s32 s31, s0;
	s20 =	rddreg [dreg:$0x18];
	s3 =	sadd.s32 s30, s16;
	[tilespmem:s29+$0x1A080] =	vst v13;
	v11 =	vmul.f32 $2.500000000e-01, v11;
	v9 =	vadd.f32 v7, v9  }
0x200: {  	s20 =	sadd.s32 s1, s20;
	s11 =	rddreg [dreg:$0x19];
	s16 =	sadd.s32 s31, s3;
	v13 =	vld [tilespmem:s0+$0x0]  }
0x201: {  	s14 =	rddreg [dreg:$0x18];
	s3 =	sadd.s32 s7, s20;
	s11 =	sadd.s32 s1, s11;
	v43 =	vld [tilespmem:s16+$0x0];
	[tilespmem:s17+$0x1A080] =	vst v11;
	v9 =	vmul.f32 $2.500000000e-01, v9  }
0x202: {  	s6 =	rddreg [dreg:$0x19];
	s20 =	sadd.s32 s8, s14;
	s16 =	sadd.s32 s7, s11;
	v11 =	vld [tilespmem:s3+$0x0]  }
0x203: {  	s6 =	sadd.s32 s8, s6;
	v44 =	vld [tilespmem:s16+$0x0];
	s3 =	sadd.s32 s2, s20;
	[tilespmem:s5+$0x1A080] =	vst v9  }
0x204: {  	s11 =	sadd.s32 s2, s6;
	v9 =	vld [tilespmem:s3+$0x0]  }
0x205: {  	v45 =	vld [tilespmem:s11+$0x0]  }
0x206: {  	v13 =	vadd.f32 v43, v13;
	_ =	sdelay $0x1  }
0x207: {  	v8 =	vmul.f32 $2.500000000e-01, v8;
	v12 =	vadd.f32 v13, v12;
	v11 =	vadd.f32 v44, v11  }
0x208: {  	s16 =	sadd.s32 s26, s18  }
0x209: {  	[tilespmem:s24+$0x1A100] =	vst v8;
	s14 =	rddreg [dreg:$0x1a];
	s20 =	sadd.s32 s26, s28;
	v46 =	vmul.f32 $2.500000000e-01, v12;
	v10 =	vadd.f32 v11, v10;
	s3 =	sadd.s32 s25, s16;
	v9 =	vadd.f32 v45, v9  }
0x20a: {  	s0 =	sadd.s32 s30, s14;
	s18 =	rddreg [dreg:$0x1b];
	s16 =	sadd.s32 s25, s20;
	v47 =	vld [tilespmem:s3+$0x0]  }
0x20b: {  	s28 =	rddreg [dreg:$0x1a];
	s0 =	sadd.s32 s31, s0;
	s18 =	sadd.s32 s30, s18;
	v48 =	vld [tilespmem:s16+$0x0];
	[tilespmem:s29+$0x1A100] =	vst v46;
	v49 =	vmul.f32 $2.500000000e-01, v10;
	v7 =	vadd.f32 v9, v7  }
0x20c: {  	s28 =	sadd.s32 s1, s28;
	s11 =	rddreg [dreg:$0x1b];
	s20 =	sadd.s32 s31, s18;
	v50 =	vld [tilespmem:s0+$0x0]  }
0x20d: {  	s6 =	rddreg [dreg:$0x1a];
	s16 =	sadd.s32 s7, s28;
	s18 =	sadd.s32 s1, s11;
	v51 =	vld [tilespmem:s20+$0x0];
	[tilespmem:s17+$0x1A100] =	vst v49;
	v7 =	vmul.f32 $2.500000000e-01, v7  }
0x20e: {  	s14 =	rddreg [dreg:$0x1b];
	s28 =	sadd.s32 s8, s6;
	s20 =	sadd.s32 s7, s18;
	v8 =	vld [tilespmem:s16+$0x0]  }
0x20f: {  	s11 =	sadd.s32 s8, s14;
	s6 =	sadd.s32 s2, s28;
	v52 =	vld [tilespmem:s20+$0x0];
	[tilespmem:s5+$0x1A100] =	vst v7  }
0x210: {  	s14 =	sadd.s32 s2, s11;
	v53 =	vadd.f32 v48, v47;
	v54 =	vld [tilespmem:s6+$0x0]  }
0x211: {  	v55 =	vld [tilespmem:s14+$0x0]  }
0x212: {  	v10 =	vadd.f32 v51, v50;
	v6 =	vadd.f32 v53, v6;
	_ =	sdelay $0x1  }
0x213: {  	s16 =	rddreg [dreg:$0x1c];
	v13 =	vadd.f32 v10, v13;
	v8 =	vadd.f32 v52, v8;
	v6 =	vmul.f32 $2.500000000e-01, v6  }
0x214: {  	s18 =	rddreg [dreg:$0x1d];
	s0 =	sadd.s32 s26, s16  }
0x215: {  	s3 =	sadd.s32 s26, s18;
	s20 =	rddreg [dreg:$0x1c];
	s0 =	sadd.s32 s25, s0;
	v56 =	vmul.f32 $2.500000000e-01, v13;
	v11 =	vadd.f32 v8, v11;
	[tilespmem:s24+$0x1A180] =	vst v6;
	v12 =	vadd.f32 v55, v54  }
0x216: {  	s28 =	rddreg [dreg:$0x1d];
	s16 =	sadd.s32 s25, s3;
	s18 =	sadd.s32 s30, s20;
	v57 =	vld [tilespmem:s0+$0x0]  }
0x217: {  	s28 =	sadd.s32 s30, s28;
	s20 =	sadd.s32 s31, s18;
	s14 =	rddreg [dreg:$0x1c];
	v58 =	vld [tilespmem:s16+$0x0];
	[tilespmem:s29+$0x1A180] =	vst v56;
	v59 =	vmul.f32 $2.500000000e-01, v11;
	v9 =	vadd.f32 v12, v9  }
0x218: {  	s3 =	sadd.s32 s31, s28;
	s6 =	rddreg [dreg:$0x1d];
	s16 =	sadd.s32 s1, s14;
	v60 =	vld [tilespmem:s20+$0x0]  }
0x219: {  	s11 =	rddreg [dreg:$0x1c];
	s28 =	sadd.s32 s1, s6;
	v61 =	vld [tilespmem:s3+$0x0];
	s20 =	sadd.s32 s7, s16;
	[tilespmem:s17+$0x1A180] =	vst v59;
	v62 =	vmul.f32 $2.500000000e-01, v9  }
0x21a: {  	s18 =	rddreg [dreg:$0x1d];
	s6 =	sadd.s32 s8, s11;
	s3 =	sadd.s32 s7, s28;
	v63 =	vld [tilespmem:s20+$0x0]  }
0x21b: {  	s18 =	sadd.s32 s8, s18;
	s16 =	sadd.s32 s2, s6;
	v20 =	vld [tilespmem:s3+$0x0];
	[tilespmem:s5+$0x1A180] =	vst v62  }
0x21c: {  	s14 =	sadd.s32 s2, s18;
	v21 =	vadd.f32 v58, v57;
	v22 =	vld [tilespmem:s16+$0x0]  }
0x21d: {  	s11 =	rddreg [dreg:$0x1e];
	v23 =	vld [tilespmem:s14+$0x0]  }
0x21e: {  	s28 =	rddreg [dreg:$0x1f];
	v11 =	vadd.f32 v61, v60;
	v7 =	vadd.f32 v21, v53  }
0x21f: {  	s0 =	sld [smem:$0x7F1]  }
0x220: {  	s20 =	rddreg [dreg:$0x1f];
	v10 =	vadd.f32 v11, v10;
	v9 =	vadd.f32 v20, v63;
	v7 =	vmul.f32 $2.500000000e-01, v7  }
0x221: {  	s6 =	sadd.s32 s26, s11;
	s3 =	sld [smem:$0x7F1]  }
0x222: {  	s6 =	sadd.s32 s25, s6;
	s11 =	sadd.s32 s26, s20;
	v24 =	vmul.f32 $2.500000000e-01, v10;
	v8 =	vadd.f32 v9, v8;
	s16 =	rddreg [dreg:$0x1e];
	[tilespmem:s24+$0x1A200] =	vst v7;
	v25 =	vadd.f32 v23, v22  }
0x223: {  	s18 =	rddreg [dreg:$0x1e];
	s11 =	sadd.s32 s25, s11;
	v26 =	vld [tilespmem:s6+$0x0];
	s14 =	sadd.s32 s30, s16  }
0x224: {  	s28 =	sadd.s32 s30, s28;
	s20 =	rddreg [dreg:$0x1f];
	v27 =	vld [tilespmem:s11+$0x0];
	[tilespmem:s29+$0x1A200] =	vst v24;
	v28 =	vmul.f32 $2.500000000e-01, v8;
	s14 =	sadd.s32 s31, s14;
	v29 =	vadd.f32 v25, v12  }
0x225: {  	s6 =	sld [smem:$0x7F1];
	v30 =	vld [tilespmem:s14+$0x0];
	s14 =	sadd.s32 s31, s28;
	s28 =	sadd.s32 s1, s18  }
0x226: {  	s16 =	rddreg [dreg:$0x1e];
	[tilespmem:s17+$0x1A200] =	vst v28;
	v31 =	vld [tilespmem:s14+$0x0];
	s14 =	sadd.s32 s7, s28;
	s28 =	sadd.s32 s1, s20;
	v32 =	vmul.f32 $2.500000000e-01, v29  }
0x227: {  	s18 =	rddreg [dreg:$0x1f];
	v33 =	vld [tilespmem:s14+$0x0];
	s20 =	sadd.s32 s7, s28;
	s28 =	sadd.s32 s8, s16  }
0x228: {  	s16 =	sld [smem:$0x7F1];
	v34 =	vld [tilespmem:s20+$0x0];
	s20 =	sadd.s32 s2, s28;
	s28 =	sadd.s32 s8, s18;
	[tilespmem:s5+$0x1A200] =	vst v32  }
0x229: {  	v4 =	vadd.f32 v5, v4;
	v13 =	vadd.f32 v27, v26;
	s14 =	sadd.s32 s2, s28;
	v7 =	vld [tilespmem:s20+$0x0]  }
0x22a: {  	v35 =	vld [tilespmem:s14+$0x0]  }
0x22b: {  	v4 =	vmul.f32 $2.500000000e-01, v4;
	v6 =	vadd.f32 v13, v21;
	v12 =	vadd.f32 v31, v30  }
0x22c: {  	s9 =	sadd.s32 s22, s9;
	s18 =	sld [smem:$0x7F2]  }
0x22d: {  	s10 =	sadd.s32 s22, s10;
	s9 =	sadd.s32 s23, s9;
	[tilespmem:s21+$0x1A280] =	vst v4;
	v4 =	vmul.f32 $2.500000000e-01, v6;
	v36 =	vadd.f32 v12, v11;
	v8 =	vadd.f32 v34, v33  }
0x22e: {  	v37 =	vld [tilespmem:s9+$0x0];
	s3 =	sadd.s32 s26, s3;
	s28 =	sld [smem:$0x7F2];
	s20 =	sadd.s32 s23, s10  }
0x22f: {  	s3 =	sadd.s32 s25, s3;
	[tilespmem:s24+$0x1A280] =	vst v4;
	s14 =	sadd.s32 s26, s18;
	v38 =	vld [tilespmem:s20+$0x0];
	v4 =	vmul.f32 $2.500000000e-01, v36;
	v39 =	vadd.f32 v8, v9;
	v7 =	vadd.f32 v35, v7  }
0x230: {  	s0 =	sadd.s32 s30, s0;
	v40 =	vld [tilespmem:s3+$0x0];
	s18 =	sadd.s32 s25, s14;
	s20 =	sld [smem:$0x7F2]  }
0x231: {  	s0 =	sadd.s32 s31, s0;
	s28 =	sadd.s32 s30, s28;
	v41 =	vld [tilespmem:s18+$0x0];
	[tilespmem:s29+$0x1A280] =	vst v4;
	v4 =	vmul.f32 $2.500000000e-01, v39;
	v42 =	vadd.f32 v7, v25  }
0x232: {  	s10 =	sadd.s32 s1, s6;
	s11 =	sld [smem:$0x7F2];
	s3 =	sadd.s32 s31, s28;
	v43 =	vld [tilespmem:s0+$0x0]  }
0x233: {  	s14 =	sadd.s32 s7, s10;
	v44 =	vld [tilespmem:s3+$0x0];
	s18 =	sadd.s32 s1, s20;
	[tilespmem:s17+$0x1A280] =	vst v4;
	v4 =	vmul.f32 $2.500000000e-01, v42  }
0x234: {  	s28 =	sadd.s32 s8, s16;
	s20 =	sadd.s32 s7, s18;
	v45 =	vadd.f32 v38, v37;
	v46 =	vld [tilespmem:s14+$0x0]  }
0x235: {  	s9 =	sadd.s32 s2, s28;
	s10 =	sadd.s32 s8, s11;
	v47 =	vld [tilespmem:s20+$0x0];
	[tilespmem:s5+$0x1A280] =	vst v4  }
0x236: {  	s14 =	sadd.s32 s2, s10;
	v4 =	vadd.f32 v45, v5;
	v5 =	vadd.f32 v41, v40;
	v48 =	vld [tilespmem:s9+$0x0]  }
0x237: {  	v49 =	vld [tilespmem:s14+$0x0]  }
0x238: {  	s11 =	sld [smem:$0x7EF];
	v10 =	vadd.f32 v44, v43;
	v4 =	vmul.f32 $2.500000000e-01, v4;
	v13 =	vadd.f32 v5, v13  }
0x239: {  	s16 =	sld [smem:$0x7F0]  }
0x23a: {  	s18 =	sld [smem:$0x7EF];
	v12 =	vadd.f32 v10, v12;
	v11 =	vadd.f32 v47, v46;
	[tilespmem:s21+$0x1A300] =	vst v4;
	v4 =	vmul.f32 $2.500000000e-01, v13  }
0x23b: {  	s6 =	sadd.s32 s22, s11;
	s20 =	sld [smem:$0x7F0]  }
0x23c: {  	s3 =	sadd.s32 s22, s16;
	s6 =	sadd.s32 s23, s6;
	v8 =	vadd.f32 v11, v8;
	[tilespmem:s24+$0x1A300] =	vst v4;
	v4 =	vmul.f32 $2.500000000e-01, v12;
	v9 =	vadd.f32 v49, v48  }
0x23d: {  	s28 =	sld [smem:$0x7EF];
	s3 =	sadd.s32 s23, s3;
	s0 =	sadd.s32 s26, s18;
	v50 =	vld [tilespmem:s6+$0x0]  }
0x23e: {  	s11 =	sld [smem:$0x7F0];
	s0 =	sadd.s32 s25, s0;
	s14 =	sadd.s32 s26, s20;
	v51 =	vld [tilespmem:s3+$0x0];
	[tilespmem:s29+$0x1A300] =	vst v4;
	v4 =	vmul.f32 $2.500000000e-01, v8;
	v7 =	vadd.f32 v9, v7  }
0x23f: {  	s16 =	sld [smem:$0x7EF];
	s18 =	sadd.s32 s25, s14;
	v52 =	vld [tilespmem:s0+$0x0]  }
0x240: {  	s22 =	sld [smem:$0x7F0];
	s20 =	sadd.s32 s30, s28;
	v53 =	vld [tilespmem:s18+$0x0];
	[tilespmem:s17+$0x1A300] =	vst v4;
	v4 =	vmul.f32 $2.500000000e-01, v7  }
0x241: {  	s26 =	sld [smem:$0x7EF];
	s23 =	sadd.s32 s31, s20;
	s25 =	sadd.s32 s30, s11  }
0x242: {  	s30 =	sadd.s32 s1, s16;
	s28 =	sadd.s32 s31, s25;
	s31 =	sld [smem:$0x7F0];
	v54 =	vld [tilespmem:s23+$0x0];
	[tilespmem:s5+$0x1A300] =	vst v4  }
0x243: {  	s11 =	sadd.s32 s1, s22;
	s14 =	sadd.s32 s7, s30;
	v55 =	vld [tilespmem:s28+$0x0];
	s20 =	sld [smem:$0x7F7]  }
0x244: {  	s16 =	sadd.s32 s8, s26;
	s0 =	sadd.s32 s7, s11;
	v13 =	vadd.f32 v51, v50;
	v56 =	vld [tilespmem:s14+$0x0];
	s22 =	sld [smem:$0x7EE]  }
0x245: {  	s1 =	sadd.s32 s2, s16;
	s18 =	sadd.s32 s8, s31;
	v17 =	vld [tilespmem:s0+$0x0];
	v12 =	vadd.f32 v53, v52  }
0x246: {  	s0 =	sadd.s32 s2, s18;
	v6 =	vadd.f32 v13, v45;
	v4 =	vld [tilespmem:s1+$0x0]  }
0x247: {  	v57 =	vld [tilespmem:s0+$0x0];
	v5 =	vadd.f32 v12, v5;
	s0 =	sadd.s32 s20, s22  }
0x248: {  	v6 =	vmul.f32 $2.500000000e-01, v6;
	v58 =	vadd.s32 s0, v0;
	s0 =	sld [smem:$0x7F9]  }
0x249: {  	v8 =	vadd.f32 v55, v54;
	v5 =	vmul.f32 $2.500000000e-01, v5  }
0x24a: {  	[tilespmem:s21+$0x1A380] =	vst v6  }
0x24b: {  	v8 =	vadd.f32 v8, v10;
	v7 =	vadd.f32 v17, v56;
	v59 =	vshll.u32 v58, $0x3;
	[tilespmem:s24+$0x1A380] =	vst v5;
	s0 =	sadd.s32 @!p0 s19, s0  }
0x24c: {  	v4 =	vadd.f32 v57, v4;
	v60 =	vand.u32 $0x7, v58;
	v10 =	vand.u32 $0xFFFFFFC0, v59;
	s10 =	sld [smem:$0x7FC];
	s0 =	smin.u32 @!p0 s0, $0x1EF  }
0x24d: {  	v7 =	vadd.f32 v7, v11;
	v10 =	vor.u32 v60, v10;
	s0 =	sshll.u32 @!p0 s0, $0x1  }
0x24e: {  	v61 =	vmul.f32 $2.500000000e-01, v8;
	v4 =	vadd.f32 v4, v9;
	v62 =	vperm.xlane v10, v1;
	s0 =	smin.u32 @!p0 s0, $0x3D8  }
0x24f: {  	v5 =	vmul.f32 $2.500000000e-01, v7;
	s0 =	sor.u32 @!p0 s10, s0  }
0x250: {  	s7 =	rddreg [dreg:$0x0];
	[tilespmem:s29+$0x1A380] =	vst v61;
	v4 =	vmul.f32 $2.500000000e-01, v4;
	v63 =	vadd.s32 v2, v62;
	s0 =	sshll.u32 @!p0 s0, $0x7  }
0x251: {  	s8 =	rddreg [dreg:$0x1];
	[tilespmem:s17+$0x1A380] =	vst v5;
	s0 =	sand.u32 @!p0 $0xFFC00, s0  }
0x252: {  	s2 =	simm.s32 @!p0 $0xA000;
	s1 =	simm.s32 @!p0 $0x0;
	[tilespmem:s5+$0x1A380] =	vst v4;
	s0 =	sadd.s32 @!p0 s7, s0  }
0x253: {  	[tilespmem:s2], [sflag:$0x2] =	stream.linear.gather @!p0 [hbm4b:s0+s1], $0xA000, $0x38;
	[tilespmem:$0x1C100] =	vst v63  }
0x254: {  	s23 =	simm.s32 $0x18000;
	s9 =	sld [smem:$0x7FD];
	[tilespmem:$0x1C080] =	vst v58  }
0x255: {  	[hbm4b:s8+s4] =	stream.indirect_vreg.scatter [tilespmem:s23], [sflag:$0x4], $0x80, v63, vm0, $0xb8;
	[tilespmem:$0x1C100] =	vst v63  }
0x256: {  	s24 =	simm.s32 $0x18800;
	v4 =	vperm.xlane v10, v3  }
0x257: {  	[hbm4b:s9+s4] =	stream.indirect_vreg.scatter [tilespmem:s24], [sflag:$0x4], $0x80, v63, vm0, $0xb8;
	[tilespmem:$0x1C100] =	vst v63  }
0x258: {  	s25 =	simm.s32 $0x19000;
	v4 =	vadd.s32 v2, v4  }
0x259: {  	[hbm4b:s12+s4] =	stream.indirect_vreg.scatter [tilespmem:s25], [sflag:$0x4], $0x80, v63, vm0, $0xb8;
	[tilespmem:$0x1C100] =	vst v63  }
0x25a: {  	s26 =	simm.s32 $0x19800  }
0x25b: {  	[hbm4b:s13+s4] =	stream.indirect_vreg.scatter [tilespmem:s26], [sflag:$0x4], $0x80, v63, vm0, $0xb8;
	[tilespmem:$0x1C100] =	vst v63  }
0x25c: {  	s15 =	sadd.s32 $0x1, s15;
	s28 =	simm.s32 $0x1A000  }
0x25d: {  	[hbm4b:s8+s4] =	stream.indirect_vreg.scatter [tilespmem:s28], [sflag:$0x4], $0x80, v4, vm0, $0xb8;
	[tilespmem:$0x1C100] =	vst v63  }
0x25e: {  	s29 =	simm.s32 $0x1A800;
	p0 =	sne.s32 s15, $0x4  }
0x25f: {  	[hbm4b:s9+s4] =	stream.indirect_vreg.scatter [tilespmem:s29], [sflag:$0x4], $0x80, v4, vm0, $0xb8;
	[tilespmem:$0x1C100] =	vst v63  }
.Ltmp2:
0x260: {  	_ = 	snop;
	(pc) =	sbr.rel @p0 .LBB2_2-.Ltmp2, $4  }
0x261: {  	s30 =	simm.s32 $0x1B000  }
0x262: {  	[hbm4b:s12+s4] =	stream.indirect_vreg.scatter [tilespmem:s30], [sflag:$0x4], $0x80, v4, vm0, $0xb8;
	[tilespmem:$0x1C100] =	vst v63  }
0x263: {  	s31 =	simm.s32 $0x1B800  }
0x264: {  	[hbm4b:s13+s4] =	stream.indirect_vreg.scatter [tilespmem:s31], [sflag:$0x4], $0x80, v4, vm0, $0xb8;
	[tilespmem:$0x1C100] =	vst v63  }
0x265: {  	s0 =	simm.s32 $0x3  }
0x266: {  	_ =	swait.ge [sflag:s0], $0x4000  }
0x267: {  	[sflag:s0] =	ssyncset.done $0x0  }
0x268: {  	s1 =	simm.s32 $0x4;
	[sflag:s0] =	ssyncadd.s32 $0xFFFFC000  }
0x269: {  	_ =	swait.ge [sflag:s1], $0x4000  }
0x26a: {  	s2 =	sld [smem:$0x7F3]  }
0x26b: {  	s31 =	sld [smem:$0x7FA];
	_ =	sdelay $0x1  }
0x26c: {  	s2 =	sadd.s32 $0x1, s2  }
0x26d: {  	p0 =	sne.s32 s2, s31  }
.Ltmp3:
0x26e: {  	_ = 	snop;
	(pc) =	sbr.rel @p0 .LBB2_1-.Ltmp3, $3  }
0x26f: {  	_ =	sdelay $0x1  }
0x270: {  	[sflag:s1] =	ssyncset.done $0x0  }
0x271: {  	[sflag:s1] =	ssyncadd.s32 $0xFFFFC000  }
0x272: {  	_ =	sfence.sel $0x180000  }
0x273: {  	[bflag:$0x0] =	sbarrier.arrive $0xFFFF  }
0x274: {  	_ =	strace $0x90000047  }
0x275: {  	s0 =	stileid.u32;
	[bflag:$0x2] =	sbarrier.arrive $0xFFFF  }
0x276: {  	p0 =	sne.s32 s0, $0x0;
	s0 =	rddreg [dreg:$0x2]  }
0x277: {  	s0 =	sadd.s32 @!p0 $0x100000, s0  }
0x278: {  	[sflag:s0] =	ssyncadd.tile.s32 @!p0 $0x1;
	_ =	shalt  }
.Lfunc_end2:
_tile_overlayer_lowered:
.L_overlay_start_2:
0x279: {  	(tag) =	ssettag $0x2  }
0x27a: {  	s0 =	rddreg [dreg:$0x0];
	s2 =	stileid.u32  }
0x27b: {  	s1 =	rddreg [dreg:$0x1];
	p0 =	sne.s32 s2, $0x0  }
0x27c: {  	s3 =	rddreg [dreg:$0x2];
	[bflag:$0x3] =	sbarrier.arrive $0xFFFF;
	s2 =	simm.s32 @!p0 $0x1C05  }
0x27d: {  	[timem:s3], [sflag:s2] =	dma.local @!p0 [hbm:s0], s1  }
0x27e: {  	s0 =	simm.s32 @!p0 $0x5  }
0x27f: {  	_ =	swait.ge @!p0 [sflag:s0], s1  }
0x280: {  	s1 =	ssub.s32 @!p0 $0x0, s1;
	[sflag:s0] =	ssyncset.done @!p0 $0x0  }
0x281: {  	[sflag:s0] =	ssyncadd.s32 @!p0 s1  }
0x282: {  	[bflag:$0x3] =	sbarrier.arrive $0xFFFF  }
0x283: {  	_ =	shalt  }

</sc_bundles>
